<compile_context>
chip_gen: v7x
topology: tpu7x:2x2x1
jax: 0.10.2.dev20260603
libtpu: 0.0.44.dev20260713+nightly
codegen_flags: <defaults>
</compile_context>

<pallas_src>
import functools
import math

import jax
import jax.numpy as jnp
import numpy as np
from jax import lax
from jax.experimental import pallas as pl
from jax.experimental.pallas import tpu as pltpu
from jax.experimental.pallas import tpu_sc as plsc

D_MODEL = 128
CONTEXT = 2048
NC, NS, L = 2, 16, 16
NW = NC * NS
NBUF = 4
ALIGN = 128


def _make_pe2(context_size, d_model):
    position = np.arange(context_size, dtype=np.float32)[:, None]
    div_term = np.exp(
        np.arange(0, d_model, 2, dtype=np.float32) * (-math.log(10000.0) / d_model)
    )
    pe = np.zeros((context_size, d_model), dtype=np.float32)
    pe[:, 0::2] = np.sin(position * div_term)
    pe[:, 1::2] = np.cos(position * div_term)
    return jnp.asarray(2.0 * pe)


def _embed_body(x_hbm, table_hbm, pe2_hbm, out_hbm,
                idx_v, pe_v, gbuf, obuf, gsems, wsems, isem):
    b_total, s_len = x_hbm.shape
    sl_len = s_len // NW
    w = lax.axis_index("s") * NC + lax.axis_index("c")
    base = pl.multiple_of(w * sl_len, sl_len)
    aligned = pl.multiple_of((w // (ALIGN // sl_len)) * ALIGN, ALIGN)
    sub = base - aligned

    def stage_idx(bb):
        return pltpu.make_async_copy(
            x_hbm.at[bb, pl.ds(aligned, ALIGN)], idx_v.at[bb], isem
        )

    def gather(b, k):
        pltpu.async_copy(
            table_hbm.at[idx_v.at[b, pl.ds(sub, sl_len)]], gbuf.at[k],
            gsems.at[k],
        )

    for bb in range(NBUF):
        stage_idx(bb).start()
    for bb in range(NBUF):
        stage_idx(bb).wait()
    for k in range(NBUF):
        gather(k, k)
    def stage_rest(bb, carry):
        stage_idx(bb).start()
        return carry

    lax.fori_loop(NBUF, b_total, stage_rest, 0)
    pltpu.sync_copy(pe2_hbm.at[pl.ds(base, sl_len)], pe_v)

    def drain_rest(bb, carry):
        stage_idx(bb).wait()
        return carry

    lax.fori_loop(NBUF, b_total, drain_rest, 0)

    def outer(g, carry):
        for k in range(NBUF):
            b = g * NBUF + k
            pltpu.make_async_copy(
                table_hbm.at[idx_v.at[b, pl.ds(sub, sl_len)]], gbuf.at[k],
                gsems.at[k],
            ).wait()

            @pl.when(b >= NBUF)
            def _():
                pltpu.make_async_copy(
                    obuf.at[k], out_hbm.at[b, pl.ds(base, sl_len)], wsems.at[k]
                ).wait()

            @plsc.parallel_loop(0, sl_len, unroll=2)
            def _row(r):
                for j in range(D_MODEL // L):
                    sl = pl.ds(j * L, L)
                    obuf[k, r, sl] = gbuf[k, r, sl] * 2.0 + pe_v[r, sl]

            pltpu.async_copy(
                obuf.at[k], out_hbm.at[b, pl.ds(base, sl_len)], wsems.at[k]
            )
            nb = b + NBUF

            @pl.when(nb < b_total)
            def _():
                gather(nb, k)

        return carry

    lax.fori_loop(0, b_total // NBUF, outer, 0)

    for k in range(NBUF):
        b = b_total - NBUF + k
        pltpu.make_async_copy(
            obuf.at[k], out_hbm.at[b, pl.ds(base, sl_len)], wsems.at[k]
        ).wait()


@jax.jit
def kernel(x, table):
    b, s_len = x.shape
    pe2 = _make_pe2(CONTEXT, D_MODEL)[:s_len]
    sl_len = s_len // NW
    mesh = plsc.VectorSubcoreMesh(
        core_axis_name="c", subcore_axis_name="s", num_cores=NC, num_subcores=NS
    )
    run = functools.partial(
        pl.kernel,
        out_type=jax.ShapeDtypeStruct((b, s_len, D_MODEL), jnp.float32),
        mesh=mesh,
        scratch_types=[
            pltpu.VMEM((b, ALIGN), jnp.int32),
            pltpu.VMEM((sl_len, D_MODEL), jnp.float32),
            pltpu.VMEM((NBUF, sl_len, D_MODEL), jnp.float32),
            pltpu.VMEM((NBUF, sl_len, D_MODEL), jnp.float32),
            pltpu.SemaphoreType.DMA((NBUF,)),
            pltpu.SemaphoreType.DMA((NBUF,)),
            pltpu.SemaphoreType.DMA,
        ],
    )(_embed_body)
    return run(x.astype(jnp.int32), table, pe2)

# --- scband reference (transcript-rebuilt; emitter-appended) ---
"""Pipeline reference for scband-embedding-23708219474567 (READ-ONLY COPY).

The authoritative reference and input builder live on the scoring server;
editing this copy changes nothing except your own understanding.
"""

import jax, jax.numpy as jnp
import numpy as np
import math

VOCAB = 100000
D_MODEL = 128
CONTEXT = 2048
B, S = 32, 2048


def make_pe(context_size, d_model):
    position = np.arange(context_size, dtype=np.float32)[:, None]
    div_term = np.exp(np.arange(0, d_model, 2, dtype=np.float32) * (-math.log(10000.0) / d_model))
    pe = np.zeros((context_size, d_model), dtype=np.float32)
    pe[:, 0::2] = np.sin(position * div_term)
    pe[:, 1::2] = np.cos(position * div_term)
    return jnp.asarray(pe)


def setup_inputs(seed: int = 0) -> dict:
    key = jax.random.key(seed)
    k1, k2 = jax.random.split(key)
    x = jax.random.randint(k1, (B, S), 0, VOCAB, dtype=jnp.int64) if jax.config.jax_enable_x64 else jax.random.randint(k1, (B, S), 0, VOCAB, dtype=jnp.int32)
    table = jax.random.normal(k2, (VOCAB, D_MODEL), dtype=jnp.float32)
    return {"x": x, "table": table}


def reference(x, table):
    # token_embedding = nn.Embedding(x)  -> gather
    emb = jnp.take(table, x, axis=0)  # [B, S, D]
    pe = make_pe(CONTEXT, D_MODEL)  # buffer, deterministic constant
    # Torch in-place semantics: positional_embedding(t) mutates t -> t = emb + pe,
    # then 't += t' doubles it: out = 2 * (emb + pe).
    out = 2.0 * (emb + pe[None, :emb.shape[1], :])
    # dropout is identity in eval mode
    return out

if __name__ == "__main__":
    import jax
    _d = setup_inputs()
    print(jax.jit(kernel)(*tuple(_d.values())))

</pallas_src>

<mosaic_0001>
#map = affine_map<(d0, d1) -> (0, 0)>
#map1 = affine_map<(d0, d1) -> (0, 0, 0)>
module attributes {stable_mosaic.version = 14 : i64} {
  func.func @_embed_body(%arg0: i32, %arg1: i32, %arg2: memref<32x2048xi32, #tpu.memory_space<hbm>>, %arg3: memref<100000x128xf32, #tpu.memory_space<hbm>>, %arg4: memref<2048x128xf32, #tpu.memory_space<hbm>>, %arg5: memref<32x2048x128xf32, #tpu.memory_space<hbm>>, %arg6: memref<32x128xi32, #tpu.memory_space<vmem>>, %arg7: memref<64x128xf32, #tpu.memory_space<vmem>>, %arg8: memref<4x64x128xf32, #tpu.memory_space<vmem>>, %arg9: memref<4x64x128xf32, #tpu.memory_space<vmem>>, %arg10: memref<4x!tpu.dma_semaphore, #tpu.memory_space<semaphore_mem>>, %arg11: memref<4x!tpu.dma_semaphore, #tpu.memory_space<semaphore_mem>>, %arg12: memref<!tpu.dma_semaphore, #tpu.memory_space<semaphore_mem>>) attributes {dimension_semantics = [#tpu.dimension_semantics<core_parallel>, #tpu.dimension_semantics<subcore_parallel>], iteration_bounds = array<i64: 2, 16>, scalar_prefetch = 0 : i64, scratch_operands = 7 : i64, tpu.core_type = #tpu.core_type<sc_vector_subcore>, window_params = [{transform_indices = #map}, {transform_indices = #map}, {transform_indices = #map}, {transform_indices = #map1}]} {
    %mul3A = arith.constant 2 : i32
    %mul3A_0 = arith.muli %arg1, %mul3A : i32
    %add3A = arith.addi %mul3A_0, %arg0 : i32
    %mul3A_1 = arith.constant 64 : i32
    %mul3A_2 = arith.muli %add3A, %mul3A_1 : i32
    %multiple_of3A = tpu.assume_multiple %mul3A_2, 64 : i32
    %jit3A = arith.constant 2 : i32
    %div3A = arith.divsi %add3A, %jit3A : i32
    %sign3A = arith.constant 0 : i32
    %sign3A_3 = arith.cmpi sgt, %add3A, %sign3A : i32
    %sign3A_4 = arith.extui %sign3A_3 : i1 to i32
    %sign3A_5 = arith.constant 0 : i32
    %sign3A_6 = arith.cmpi slt, %add3A, %sign3A_5 : i32
    %sign3A_7 = arith.extui %sign3A_6 : i1 to i32
    %sign3A_8 = arith.subi %sign3A_4, %sign3A_7 : i32
    %sign3A_9 = arith.constant 0 : i32
    %sign3A_10 = arith.cmpi sgt, %jit3A, %sign3A_9 : i32
    %sign3A_11 = arith.extui %sign3A_10 : i1 to i32
    %sign3A_12 = arith.constant 0 : i32
    %sign3A_13 = arith.cmpi slt, %jit3A, %sign3A_12 : i32
    %sign3A_14 = arith.extui %sign3A_13 : i1 to i32
    %sign3A_15 = arith.subi %sign3A_11, %sign3A_14 : i32
    %ne3A = arith.cmpi ne, %sign3A_8, %sign3A_15 : i32
    %rem3A = arith.remsi %add3A, %jit3A : i32
    %ne3A_16 = arith.constant 0 : i32
    %ne3A_17 = arith.cmpi ne, %rem3A, %ne3A_16 : i32
    %and3A = arith.andi %ne3A, %ne3A_17 : i1
    %sub3A = arith.constant 1 : i32
    %sub3A_18 = arith.subi %div3A, %sub3A : i32
    %select_n3A = arith.select %and3A, %sub3A_18, %div3A : i32
    %mul3A_19 = arith.constant 128 : i32
    %mul3A_20 = arith.muli %select_n3A, %mul3A_19 : i32
    %multiple_of3A_21 = tpu.assume_multiple %mul3A_20, 128 : i32
    %sub3A_22 = arith.subi %multiple_of3A, %multiple_of3A_21 : i32
    %dma_start3A = arith.constant 0 : i32
    %dma_start3A_23 = arith.constant 0 : i32
    %dma_start3A_24 = arith.constant 0 : i32
    %dma_start3A_25 = tpu.memref_slice %arg6[%dma_start3A_23, %dma_start3A_24] : memref<32x128xi32, #tpu.memory_space<vmem>> -> memref<1x128xi32, #tpu.memory_space<vmem>>
    %dma_start3A_26 = tpu.memref_squeeze %dma_start3A_25 : memref<1x128xi32, #tpu.memory_space<vmem>> -> memref<128xi32, #tpu.memory_space<vmem>>
    %dma_start3A_27 = tpu.memref_slice %arg2[%dma_start3A, %multiple_of3A_21] : memref<32x2048xi32, #tpu.memory_space<hbm>> -> memref<1x128xi32, #tpu.memory_space<hbm>>
    %dma_start3A_28 = tpu.memref_squeeze %dma_start3A_27 : memref<1x128xi32, #tpu.memory_space<hbm>> -> memref<128xi32, #tpu.memory_space<hbm>>
    %dma_start3A_29 = arith.constant 0 : i32
    %dma_start3A_30 = tpu.memref_slice %arg6[%dma_start3A_23, %dma_start3A_29] : memref<32x128xi32, #tpu.memory_space<vmem>> -> memref<1x128xi32, #tpu.memory_space<vmem>>
    %dma_start3A_31 = tpu.memref_squeeze %dma_start3A_30 : memref<1x128xi32, #tpu.memory_space<vmem>> -> memref<128xi32, #tpu.memory_space<vmem>>
    %dma_start3A_32 = tpu.memref_slice %arg2[%dma_start3A, %multiple_of3A_21] : memref<32x2048xi32, #tpu.memory_space<hbm>> -> memref<1x128xi32, #tpu.memory_space<hbm>>
    %dma_start3A_33 = tpu.memref_squeeze %dma_start3A_32 : memref<1x128xi32, #tpu.memory_space<hbm>> -> memref<128xi32, #tpu.memory_space<hbm>>
    tpu.enqueue_dma source(%dma_start3A_33 : memref<128xi32, #tpu.memory_space<hbm>>) target(%dma_start3A_31 : memref<128xi32, #tpu.memory_space<vmem>>) target_semaphore(%arg12 : memref<!tpu.dma_semaphore, #tpu.memory_space<semaphore_mem>>)
    %dma_start3A_34 = arith.constant 1 : i32
    %dma_start3A_35 = arith.constant 1 : i32
    %dma_start3A_36 = arith.constant 0 : i32
    %dma_start3A_37 = tpu.memref_slice %arg6[%dma_start3A_35, %dma_start3A_36] : memref<32x128xi32, #tpu.memory_space<vmem>> -> memref<1x128xi32, #tpu.memory_space<vmem>>
    %dma_start3A_38 = tpu.memref_squeeze %dma_start3A_37 : memref<1x128xi32, #tpu.memory_space<vmem>> -> memref<128xi32, #tpu.memory_space<vmem>>
    %dma_start3A_39 = tpu.memref_slice %arg2[%dma_start3A_34, %multiple_of3A_21] : memref<32x2048xi32, #tpu.memory_space<hbm>> -> memref<1x128xi32, #tpu.memory_space<hbm>>
    %dma_start3A_40 = tpu.memref_squeeze %dma_start3A_39 : memref<1x128xi32, #tpu.memory_space<hbm>> -> memref<128xi32, #tpu.memory_space<hbm>>
    %dma_start3A_41 = arith.constant 0 : i32
    %dma_start3A_42 = tpu.memref_slice %arg6[%dma_start3A_35, %dma_start3A_41] : memref<32x128xi32, #tpu.memory_space<vmem>> -> memref<1x128xi32, #tpu.memory_space<vmem>>
    %dma_start3A_43 = tpu.memref_squeeze %dma_start3A_42 : memref<1x128xi32, #tpu.memory_space<vmem>> -> memref<128xi32, #tpu.memory_space<vmem>>
    %dma_start3A_44 = tpu.memref_slice %arg2[%dma_start3A_34, %multiple_of3A_21] : memref<32x2048xi32, #tpu.memory_space<hbm>> -> memref<1x128xi32, #tpu.memory_space<hbm>>
    %dma_start3A_45 = tpu.memref_squeeze %dma_start3A_44 : memref<1x128xi32, #tpu.memory_space<hbm>> -> memref<128xi32, #tpu.memory_space<hbm>>
    tpu.enqueue_dma source(%dma_start3A_45 : memref<128xi32, #tpu.memory_space<hbm>>) target(%dma_start3A_43 : memref<128xi32, #tpu.memory_space<vmem>>) target_semaphore(%arg12 : memref<!tpu.dma_semaphore, #tpu.memory_space<semaphore_mem>>)
    %dma_start3A_46 = arith.constant 2 : i32
    %dma_start3A_47 = arith.constant 2 : i32
    %dma_start3A_48 = arith.constant 0 : i32
    %dma_start3A_49 = tpu.memref_slice %arg6[%dma_start3A_47, %dma_start3A_48] : memref<32x128xi32, #tpu.memory_space<vmem>> -> memref<1x128xi32, #tpu.memory_space<vmem>>
    %dma_start3A_50 = tpu.memref_squeeze %dma_start3A_49 : memref<1x128xi32, #tpu.memory_space<vmem>> -> memref<128xi32, #tpu.memory_space<vmem>>
    %dma_start3A_51 = tpu.memref_slice %arg2[%dma_start3A_46, %multiple_of3A_21] : memref<32x2048xi32, #tpu.memory_space<hbm>> -> memref<1x128xi32, #tpu.memory_space<hbm>>
    %dma_start3A_52 = tpu.memref_squeeze %dma_start3A_51 : memref<1x128xi32, #tpu.memory_space<hbm>> -> memref<128xi32, #tpu.memory_space<hbm>>
    %dma_start3A_53 = arith.constant 0 : i32
    %dma_start3A_54 = tpu.memref_slice %arg6[%dma_start3A_47, %dma_start3A_53] : memref<32x128xi32, #tpu.memory_space<vmem>> -> memref<1x128xi32, #tpu.memory_space<vmem>>
    %dma_start3A_55 = tpu.memref_squeeze %dma_start3A_54 : memref<1x128xi32, #tpu.memory_space<vmem>> -> memref<128xi32, #tpu.memory_space<vmem>>
    %dma_start3A_56 = tpu.memref_slice %arg2[%dma_start3A_46, %multiple_of3A_21] : memref<32x2048xi32, #tpu.memory_space<hbm>> -> memref<1x128xi32, #tpu.memory_space<hbm>>
    %dma_start3A_57 = tpu.memref_squeeze %dma_start3A_56 : memref<1x128xi32, #tpu.memory_space<hbm>> -> memref<128xi32, #tpu.memory_space<hbm>>
    tpu.enqueue_dma source(%dma_start3A_57 : memref<128xi32, #tpu.memory_space<hbm>>) target(%dma_start3A_55 : memref<128xi32, #tpu.memory_space<vmem>>) target_semaphore(%arg12 : memref<!tpu.dma_semaphore, #tpu.memory_space<semaphore_mem>>)
    %dma_start3A_58 = arith.constant 3 : i32
    %dma_start3A_59 = arith.constant 3 : i32
    %dma_start3A_60 = arith.constant 0 : i32
    %dma_start3A_61 = tpu.memref_slice %arg6[%dma_start3A_59, %dma_start3A_60] : memref<32x128xi32, #tpu.memory_space<vmem>> -> memref<1x128xi32, #tpu.memory_space<vmem>>
    %dma_start3A_62 = tpu.memref_squeeze %dma_start3A_61 : memref<1x128xi32, #tpu.memory_space<vmem>> -> memref<128xi32, #tpu.memory_space<vmem>>
    %dma_start3A_63 = tpu.memref_slice %arg2[%dma_start3A_58, %multiple_of3A_21] : memref<32x2048xi32, #tpu.memory_space<hbm>> -> memref<1x128xi32, #tpu.memory_space<hbm>>
    %dma_start3A_64 = tpu.memref_squeeze %dma_start3A_63 : memref<1x128xi32, #tpu.memory_space<hbm>> -> memref<128xi32, #tpu.memory_space<hbm>>
    %dma_start3A_65 = arith.constant 0 : i32
    %dma_start3A_66 = tpu.memref_slice %arg6[%dma_start3A_59, %dma_start3A_65] : memref<32x128xi32, #tpu.memory_space<vmem>> -> memref<1x128xi32, #tpu.memory_space<vmem>>
    %dma_start3A_67 = tpu.memref_squeeze %dma_start3A_66 : memref<1x128xi32, #tpu.memory_space<vmem>> -> memref<128xi32, #tpu.memory_space<vmem>>
    %dma_start3A_68 = tpu.memref_slice %arg2[%dma_start3A_58, %multiple_of3A_21] : memref<32x2048xi32, #tpu.memory_space<hbm>> -> memref<1x128xi32, #tpu.memory_space<hbm>>
    %dma_start3A_69 = tpu.memref_squeeze %dma_start3A_68 : memref<1x128xi32, #tpu.memory_space<hbm>> -> memref<128xi32, #tpu.memory_space<hbm>>
    tpu.enqueue_dma source(%dma_start3A_69 : memref<128xi32, #tpu.memory_space<hbm>>) target(%dma_start3A_67 : memref<128xi32, #tpu.memory_space<vmem>>) target_semaphore(%arg12 : memref<!tpu.dma_semaphore, #tpu.memory_space<semaphore_mem>>)
    %dma_wait3A = arith.constant 0 : i32
    %dma_wait3A_70 = arith.constant 0 : i32
    %dma_wait3A_71 = arith.constant 0 : i32
    %dma_wait3A_72 = tpu.memref_slice %arg6[%dma_wait3A_70, %dma_wait3A_71] : memref<32x128xi32, #tpu.memory_space<vmem>> -> memref<1x128xi32, #tpu.memory_space<vmem>>
    %dma_wait3A_73 = tpu.memref_squeeze %dma_wait3A_72 : memref<1x128xi32, #tpu.memory_space<vmem>> -> memref<128xi32, #tpu.memory_space<vmem>>
    %dma_wait3A_74 = tpu.memref_slice %arg2[%dma_wait3A, %multiple_of3A_21] : memref<32x2048xi32, #tpu.memory_space<hbm>> -> memref<1x128xi32, #tpu.memory_space<hbm>>
    %dma_wait3A_75 = tpu.memref_squeeze %dma_wait3A_74 : memref<1x128xi32, #tpu.memory_space<hbm>> -> memref<128xi32, #tpu.memory_space<hbm>>
    %dma_wait3A_76 = arith.constant 0 : i32
    %dma_wait3A_77 = tpu.memref_slice %arg6[%dma_wait3A_70, %dma_wait3A_76] : memref<32x128xi32, #tpu.memory_space<vmem>> -> memref<1x128xi32, #tpu.memory_space<vmem>>
    %dma_wait3A_78 = tpu.memref_squeeze %dma_wait3A_77 : memref<1x128xi32, #tpu.memory_space<vmem>> -> memref<128xi32, #tpu.memory_space<vmem>>
    %dma_wait3A_79 = tpu.memref_slice %arg2[%dma_wait3A, %multiple_of3A_21] : memref<32x2048xi32, #tpu.memory_space<hbm>> -> memref<1x128xi32, #tpu.memory_space<hbm>>
    %dma_wait3A_80 = tpu.memref_squeeze %dma_wait3A_79 : memref<1x128xi32, #tpu.memory_space<hbm>> -> memref<128xi32, #tpu.memory_space<hbm>>
    tpu.wait_dma2 semaphore(%arg12 : memref<!tpu.dma_semaphore, #tpu.memory_space<semaphore_mem>>) src(%dma_wait3A_80 : memref<128xi32, #tpu.memory_space<hbm>>) dst(%dma_wait3A_78 : memref<128xi32, #tpu.memory_space<vmem>>)
    %dma_wait3A_81 = arith.constant 1 : i32
    %dma_wait3A_82 = arith.constant 1 : i32
    %dma_wait3A_83 = arith.constant 0 : i32
    %dma_wait3A_84 = tpu.memref_slice %arg6[%dma_wait3A_82, %dma_wait3A_83] : memref<32x128xi32, #tpu.memory_space<vmem>> -> memref<1x128xi32, #tpu.memory_space<vmem>>
    %dma_wait3A_85 = tpu.memref_squeeze %dma_wait3A_84 : memref<1x128xi32, #tpu.memory_space<vmem>> -> memref<128xi32, #tpu.memory_space<vmem>>
    %dma_wait3A_86 = tpu.memref_slice %arg2[%dma_wait3A_81, %multiple_of3A_21] : memref<32x2048xi32, #tpu.memory_space<hbm>> -> memref<1x128xi32, #tpu.memory_space<hbm>>
    %dma_wait3A_87 = tpu.memref_squeeze %dma_wait3A_86 : memref<1x128xi32, #tpu.memory_space<hbm>> -> memref<128xi32, #tpu.memory_space<hbm>>
    %dma_wait3A_88 = arith.constant 0 : i32
    %dma_wait3A_89 = tpu.memref_slice %arg6[%dma_wait3A_82, %dma_wait3A_88] : memref<32x128xi32, #tpu.memory_space<vmem>> -> memref<1x128xi32, #tpu.memory_space<vmem>>
    %dma_wait3A_90 = tpu.memref_squeeze %dma_wait3A_89 : memref<1x128xi32, #tpu.memory_space<vmem>> -> memref<128xi32, #tpu.memory_space<vmem>>
    %dma_wait3A_91 = tpu.memref_slice %arg2[%dma_wait3A_81, %multiple_of3A_21] : memref<32x2048xi32, #tpu.memory_space<hbm>> -> memref<1x128xi32, #tpu.memory_space<hbm>>
    %dma_wait3A_92 = tpu.memref_squeeze %dma_wait3A_91 : memref<1x128xi32, #tpu.memory_space<hbm>> -> memref<128xi32, #tpu.memory_space<hbm>>
    tpu.wait_dma2 semaphore(%arg12 : memref<!tpu.dma_semaphore, #tpu.memory_space<semaphore_mem>>) src(%dma_wait3A_92 : memref<128xi32, #tpu.memory_space<hbm>>) dst(%dma_wait3A_90 : memref<128xi32, #tpu.memory_space<vmem>>)
    %dma_wait3A_93 = arith.constant 2 : i32
    %dma_wait3A_94 = arith.constant 2 : i32
    %dma_wait3A_95 = arith.constant 0 : i32
    %dma_wait3A_96 = tpu.memref_slice %arg6[%dma_wait3A_94, %dma_wait3A_95] : memref<32x128xi32, #tpu.memory_space<vmem>> -> memref<1x128xi32, #tpu.memory_space<vmem>>
    %dma_wait3A_97 = tpu.memref_squeeze %dma_wait3A_96 : memref<1x128xi32, #tpu.memory_space<vmem>> -> memref<128xi32, #tpu.memory_space<vmem>>
    %dma_wait3A_98 = tpu.memref_slice %arg2[%dma_wait3A_93, %multiple_of3A_21] : memref<32x2048xi32, #tpu.memory_space<hbm>> -> memref<1x128xi32, #tpu.memory_space<hbm>>
    %dma_wait3A_99 = tpu.memref_squeeze %dma_wait3A_98 : memref<1x128xi32, #tpu.memory_space<hbm>> -> memref<128xi32, #tpu.memory_space<hbm>>
    %dma_wait3A_100 = arith.constant 0 : i32
    %dma_wait3A_101 = tpu.memref_slice %arg6[%dma_wait3A_94, %dma_wait3A_100] : memref<32x128xi32, #tpu.memory_space<vmem>> -> memref<1x128xi32, #tpu.memory_space<vmem>>
    %dma_wait3A_102 = tpu.memref_squeeze %dma_wait3A_101 : memref<1x128xi32, #tpu.memory_space<vmem>> -> memref<128xi32, #tpu.memory_space<vmem>>
    %dma_wait3A_103 = tpu.memref_slice %arg2[%dma_wait3A_93, %multiple_of3A_21] : memref<32x2048xi32, #tpu.memory_space<hbm>> -> memref<1x128xi32, #tpu.memory_space<hbm>>
    %dma_wait3A_104 = tpu.memref_squeeze %dma_wait3A_103 : memref<1x128xi32, #tpu.memory_space<hbm>> -> memref<128xi32, #tpu.memory_space<hbm>>
    tpu.wait_dma2 semaphore(%arg12 : memref<!tpu.dma_semaphore, #tpu.memory_space<semaphore_mem>>) src(%dma_wait3A_104 : memref<128xi32, #tpu.memory_space<hbm>>) dst(%dma_wait3A_102 : memref<128xi32, #tpu.memory_space<vmem>>)
    %dma_wait3A_105 = arith.constant 3 : i32
    %dma_wait3A_106 = arith.constant 3 : i32
    %dma_wait3A_107 = arith.constant 0 : i32
    %dma_wait3A_108 = tpu.memref_slice %arg6[%dma_wait3A_106, %dma_wait3A_107] : memref<32x128xi32, #tpu.memory_space<vmem>> -> memref<1x128xi32, #tpu.memory_space<vmem>>
    %dma_wait3A_109 = tpu.memref_squeeze %dma_wait3A_108 : memref<1x128xi32, #tpu.memory_space<vmem>> -> memref<128xi32, #tpu.memory_space<vmem>>
    %dma_wait3A_110 = tpu.memref_slice %arg2[%dma_wait3A_105, %multiple_of3A_21] : memref<32x2048xi32, #tpu.memory_space<hbm>> -> memref<1x128xi32, #tpu.memory_space<hbm>>
    %dma_wait3A_111 = tpu.memref_squeeze %dma_wait3A_110 : memref<1x128xi32, #tpu.memory_space<hbm>> -> memref<128xi32, #tpu.memory_space<hbm>>
    %dma_wait3A_112 = arith.constant 0 : i32
    %dma_wait3A_113 = tpu.memref_slice %arg6[%dma_wait3A_106, %dma_wait3A_112] : memref<32x128xi32, #tpu.memory_space<vmem>> -> memref<1x128xi32, #tpu.memory_space<vmem>>
    %dma_wait3A_114 = tpu.memref_squeeze %dma_wait3A_113 : memref<1x128xi32, #tpu.memory_space<vmem>> -> memref<128xi32, #tpu.memory_space<vmem>>
    %dma_wait3A_115 = tpu.memref_slice %arg2[%dma_wait3A_105, %multiple_of3A_21] : memref<32x2048xi32, #tpu.memory_space<hbm>> -> memref<1x128xi32, #tpu.memory_space<hbm>>
    %dma_wait3A_116 = tpu.memref_squeeze %dma_wait3A_115 : memref<1x128xi32, #tpu.memory_space<hbm>> -> memref<128xi32, #tpu.memory_space<hbm>>
    tpu.wait_dma2 semaphore(%arg12 : memref<!tpu.dma_semaphore, #tpu.memory_space<semaphore_mem>>) src(%dma_wait3A_116 : memref<128xi32, #tpu.memory_space<hbm>>) dst(%dma_wait3A_114 : memref<128xi32, #tpu.memory_space<vmem>>)
    %dma_start3A_117 = arith.constant 0 : i32
    %dma_start3A_118 = arith.constant 0 : i32
    %dma_start3A_119 = arith.constant 0 : i32
    %dma_start3A_120 = arith.constant 0 : i32
    %dma_start3A_121 = arith.constant 0 : i32
    %dma_start3A_122 = tpu.memref_slice %arg8[%dma_start3A_118, %dma_start3A_120, %dma_start3A_121] : memref<4x64x128xf32, #tpu.memory_space<vmem>> -> memref<1x64x128xf32, #tpu.memory_space<vmem>>
    %dma_start3A_123 = tpu.memref_squeeze %dma_start3A_122 : memref<1x64x128xf32, #tpu.memory_space<vmem>> -> memref<64x128xf32, #tpu.memory_space<vmem>>
    %dma_start3A_124 = tpu.memref_slice %arg6[%dma_start3A_117, %sub3A_22] : memref<32x128xi32, #tpu.memory_space<vmem>> -> memref<1x64xi32, #tpu.memory_space<vmem>>
    %dma_start3A_125 = tpu.memref_squeeze %dma_start3A_124 : memref<1x64xi32, #tpu.memory_space<vmem>> -> memref<64xi32, #tpu.memory_space<vmem>>
    %dma_start3A_126 = arith.constant 0 : i32
    %dma_start3A_127 = arith.constant 0 : i32
    %dma_start3A_128 = tpu.memref_slice %arg3[%dma_start3A_126, %dma_start3A_127] : memref<100000x128xf32, #tpu.memory_space<hbm>> -> memref<100000x128xf32, #tpu.memory_space<hbm>>
    %dma_start3A_129 = tpu.memref_slice %arg10[%dma_start3A_119] : memref<4x!tpu.dma_semaphore, #tpu.memory_space<semaphore_mem>> -> memref<1x!tpu.dma_semaphore, #tpu.memory_space<semaphore_mem>>
    %dma_start3A_130 = tpu.memref_squeeze %dma_start3A_129 : memref<1x!tpu.dma_semaphore, #tpu.memory_space<semaphore_mem>> -> memref<!tpu.dma_semaphore, #tpu.memory_space<semaphore_mem>>
    tpu.enqueue_indirect_dma source(%dma_start3A_128 : memref<100000x128xf32, #tpu.memory_space<hbm>>) target(%dma_start3A_123 : memref<64x128xf32, #tpu.memory_space<vmem>>) offsets(%dma_start3A_125 : memref<64xi32, #tpu.memory_space<vmem>>) semaphore(%dma_start3A_130 : memref<!tpu.dma_semaphore, #tpu.memory_space<semaphore_mem>>)
    %dma_start3A_131 = arith.constant 1 : i32
    %dma_start3A_132 = arith.constant 1 : i32
    %dma_start3A_133 = arith.constant 1 : i32
    %dma_start3A_134 = arith.constant 0 : i32
    %dma_start3A_135 = arith.constant 0 : i32
    %dma_start3A_136 = tpu.memref_slice %arg8[%dma_start3A_132, %dma_start3A_134, %dma_start3A_135] : memref<4x64x128xf32, #tpu.memory_space<vmem>> -> memref<1x64x128xf32, #tpu.memory_space<vmem>>
    %dma_start3A_137 = tpu.memref_squeeze %dma_start3A_136 : memref<1x64x128xf32, #tpu.memory_space<vmem>> -> memref<64x128xf32, #tpu.memory_space<vmem>>
    %dma_start3A_138 = tpu.memref_slice %arg6[%dma_start3A_131, %sub3A_22] : memref<32x128xi32, #tpu.memory_space<vmem>> -> memref<1x64xi32, #tpu.memory_space<vmem>>
    %dma_start3A_139 = tpu.memref_squeeze %dma_start3A_138 : memref<1x64xi32, #tpu.memory_space<vmem>> -> memref<64xi32, #tpu.memory_space<vmem>>
    %dma_start3A_140 = arith.constant 0 : i32
    %dma_start3A_141 = arith.constant 0 : i32
    %dma_start3A_142 = tpu.memref_slice %arg3[%dma_start3A_140, %dma_start3A_141] : memref<100000x128xf32, #tpu.memory_space<hbm>> -> memref<100000x128xf32, #tpu.memory_space<hbm>>
    %dma_start3A_143 = tpu.memref_slice %arg10[%dma_start3A_133] : memref<4x!tpu.dma_semaphore, #tpu.memory_space<semaphore_mem>> -> memref<1x!tpu.dma_semaphore, #tpu.memory_space<semaphore_mem>>
    %dma_start3A_144 = tpu.memref_squeeze %dma_start3A_143 : memref<1x!tpu.dma_semaphore, #tpu.memory_space<semaphore_mem>> -> memref<!tpu.dma_semaphore, #tpu.memory_space<semaphore_mem>>
    tpu.enqueue_indirect_dma source(%dma_start3A_142 : memref<100000x128xf32, #tpu.memory_space<hbm>>) target(%dma_start3A_137 : memref<64x128xf32, #tpu.memory_space<vmem>>) offsets(%dma_start3A_139 : memref<64xi32, #tpu.memory_space<vmem>>) semaphore(%dma_start3A_144 : memref<!tpu.dma_semaphore, #tpu.memory_space<semaphore_mem>>)
    %dma_start3A_145 = arith.constant 2 : i32
    %dma_start3A_146 = arith.constant 2 : i32
    %dma_start3A_147 = arith.constant 2 : i32
    %dma_start3A_148 = arith.constant 0 : i32
    %dma_start3A_149 = arith.constant 0 : i32
    %dma_start3A_150 = tpu.memref_slice %arg8[%dma_start3A_146, %dma_start3A_148, %dma_start3A_149] : memref<4x64x128xf32, #tpu.memory_space<vmem>> -> memref<1x64x128xf32, #tpu.memory_space<vmem>>
    %dma_start3A_151 = tpu.memref_squeeze %dma_start3A_150 : memref<1x64x128xf32, #tpu.memory_space<vmem>> -> memref<64x128xf32, #tpu.memory_space<vmem>>
    %dma_start3A_152 = tpu.memref_slice %arg6[%dma_start3A_145, %sub3A_22] : memref<32x128xi32, #tpu.memory_space<vmem>> -> memref<1x64xi32, #tpu.memory_space<vmem>>
    %dma_start3A_153 = tpu.memref_squeeze %dma_start3A_152 : memref<1x64xi32, #tpu.memory_space<vmem>> -> memref<64xi32, #tpu.memory_space<vmem>>
    %dma_start3A_154 = arith.constant 0 : i32
    %dma_start3A_155 = arith.constant 0 : i32
    %dma_start3A_156 = tpu.memref_slice %arg3[%dma_start3A_154, %dma_start3A_155] : memref<100000x128xf32, #tpu.memory_space<hbm>> -> memref<100000x128xf32, #tpu.memory_space<hbm>>
    %dma_start3A_157 = tpu.memref_slice %arg10[%dma_start3A_147] : memref<4x!tpu.dma_semaphore, #tpu.memory_space<semaphore_mem>> -> memref<1x!tpu.dma_semaphore, #tpu.memory_space<semaphore_mem>>
    %dma_start3A_158 = tpu.memref_squeeze %dma_start3A_157 : memref<1x!tpu.dma_semaphore, #tpu.memory_space<semaphore_mem>> -> memref<!tpu.dma_semaphore, #tpu.memory_space<semaphore_mem>>
    tpu.enqueue_indirect_dma source(%dma_start3A_156 : memref<100000x128xf32, #tpu.memory_space<hbm>>) target(%dma_start3A_151 : memref<64x128xf32, #tpu.memory_space<vmem>>) offsets(%dma_start3A_153 : memref<64xi32, #tpu.memory_space<vmem>>) semaphore(%dma_start3A_158 : memref<!tpu.dma_semaphore, #tpu.memory_space<semaphore_mem>>)
    %dma_start3A_159 = arith.constant 3 : i32
    %dma_start3A_160 = arith.constant 3 : i32
    %dma_start3A_161 = arith.constant 3 : i32
    %dma_start3A_162 = arith.constant 0 : i32
    %dma_start3A_163 = arith.constant 0 : i32
    %dma_start3A_164 = tpu.memref_slice %arg8[%dma_start3A_160, %dma_start3A_162, %dma_start3A_163] : memref<4x64x128xf32, #tpu.memory_space<vmem>> -> memref<1x64x128xf32, #tpu.memory_space<vmem>>
    %dma_start3A_165 = tpu.memref_squeeze %dma_start3A_164 : memref<1x64x128xf32, #tpu.memory_space<vmem>> -> memref<64x128xf32, #tpu.memory_space<vmem>>
    %dma_start3A_166 = tpu.memref_slice %arg6[%dma_start3A_159, %sub3A_22] : memref<32x128xi32, #tpu.memory_space<vmem>> -> memref<1x64xi32, #tpu.memory_space<vmem>>
    %dma_start3A_167 = tpu.memref_squeeze %dma_start3A_166 : memref<1x64xi32, #tpu.memory_space<vmem>> -> memref<64xi32, #tpu.memory_space<vmem>>
    %dma_start3A_168 = arith.constant 0 : i32
    %dma_start3A_169 = arith.constant 0 : i32
    %dma_start3A_170 = tpu.memref_slice %arg3[%dma_start3A_168, %dma_start3A_169] : memref<100000x128xf32, #tpu.memory_space<hbm>> -> memref<100000x128xf32, #tpu.memory_space<hbm>>
    %dma_start3A_171 = tpu.memref_slice %arg10[%dma_start3A_161] : memref<4x!tpu.dma_semaphore, #tpu.memory_space<semaphore_mem>> -> memref<1x!tpu.dma_semaphore, #tpu.memory_space<semaphore_mem>>
    %dma_start3A_172 = tpu.memref_squeeze %dma_start3A_171 : memref<1x!tpu.dma_semaphore, #tpu.memory_space<semaphore_mem>> -> memref<!tpu.dma_semaphore, #tpu.memory_space<semaphore_mem>>
    tpu.enqueue_indirect_dma source(%dma_start3A_170 : memref<100000x128xf32, #tpu.memory_space<hbm>>) target(%dma_start3A_165 : memref<64x128xf32, #tpu.memory_space<vmem>>) offsets(%dma_start3A_167 : memref<64xi32, #tpu.memory_space<vmem>>) semaphore(%dma_start3A_172 : memref<!tpu.dma_semaphore, #tpu.memory_space<semaphore_mem>>)
    %scan3A = arith.constant 0 : i32
    %scan3A_173 = arith.constant 4 : i32
    %scan3A_174 = arith.constant 28 : i32
    %scan3A_175 = arith.addi %scan3A_173, %scan3A_174 : i32
    %scan3A_176 = arith.constant 1 : i32
    scf.for %scan3A_266 = %scan3A_173 to %scan3A_175 step %scan3A_176  : i32 {
      %dma_start3A_267 = arith.constant 0 : i32
      %dma_start3A_268 = tpu.memref_slice %arg6[%scan3A_266, %dma_start3A_267] : memref<32x128xi32, #tpu.memory_space<vmem>> -> memref<1x128xi32, #tpu.memory_space<vmem>>
      %dma_start3A_269 = tpu.memref_squeeze %dma_start3A_268 : memref<1x128xi32, #tpu.memory_space<vmem>> -> memref<128xi32, #tpu.memory_space<vmem>>
      %dma_start3A_270 = tpu.memref_slice %arg2[%scan3A_266, %multiple_of3A_21] : memref<32x2048xi32, #tpu.memory_space<hbm>> -> memref<1x128xi32, #tpu.memory_space<hbm>>
      %dma_start3A_271 = tpu.memref_squeeze %dma_start3A_270 : memref<1x128xi32, #tpu.memory_space<hbm>> -> memref<128xi32, #tpu.memory_space<hbm>>
      %dma_start3A_272 = arith.constant 0 : i32
      %dma_start3A_273 = tpu.memref_slice %arg6[%scan3A_266, %dma_start3A_272] : memref<32x128xi32, #tpu.memory_space<vmem>> -> memref<1x128xi32, #tpu.memory_space<vmem>>
      %dma_start3A_274 = tpu.memref_squeeze %dma_start3A_273 : memref<1x128xi32, #tpu.memory_space<vmem>> -> memref<128xi32, #tpu.memory_space<vmem>>
      %dma_start3A_275 = tpu.memref_slice %arg2[%scan3A_266, %multiple_of3A_21] : memref<32x2048xi32, #tpu.memory_space<hbm>> -> memref<1x128xi32, #tpu.memory_space<hbm>>
      %dma_start3A_276 = tpu.memref_squeeze %dma_start3A_275 : memref<1x128xi32, #tpu.memory_space<hbm>> -> memref<128xi32, #tpu.memory_space<hbm>>
      tpu.enqueue_dma source(%dma_start3A_276 : memref<128xi32, #tpu.memory_space<hbm>>) target(%dma_start3A_274 : memref<128xi32, #tpu.memory_space<vmem>>) target_semaphore(%arg12 : memref<!tpu.dma_semaphore, #tpu.memory_space<semaphore_mem>>)
    }
    %scan3A_177 = arith.constant 28 : i32
    "tpu.region"() ({
      %run_scoped3A = tpu.sem_alloc : memref<!tpu.dma_semaphore, #tpu.memory_space<semaphore_mem>>
      %dma_start3A_266 = arith.constant 0 : i32
      %dma_start3A_267 = tpu.memref_slice %arg4[%multiple_of3A, %dma_start3A_266] : memref<2048x128xf32, #tpu.memory_space<hbm>> -> memref<64x128xf32, #tpu.memory_space<hbm>>
      %dma_start3A_268 = arith.constant 0 : i32
      %dma_start3A_269 = tpu.memref_slice %arg4[%multiple_of3A, %dma_start3A_268] : memref<2048x128xf32, #tpu.memory_space<hbm>> -> memref<64x128xf32, #tpu.memory_space<hbm>>
      tpu.enqueue_dma source(%dma_start3A_269 : memref<64x128xf32, #tpu.memory_space<hbm>>) target(%arg7 : memref<64x128xf32, #tpu.memory_space<vmem>>) target_semaphore(%run_scoped3A : memref<!tpu.dma_semaphore, #tpu.memory_space<semaphore_mem>>)
      %dma_wait3A_270 = arith.constant 0 : i32
      %dma_wait3A_271 = tpu.memref_slice %arg4[%multiple_of3A, %dma_wait3A_270] : memref<2048x128xf32, #tpu.memory_space<hbm>> -> memref<64x128xf32, #tpu.memory_space<hbm>>
      %dma_wait3A_272 = arith.constant 0 : i32
      %dma_wait3A_273 = tpu.memref_slice %arg4[%multiple_of3A, %dma_wait3A_272] : memref<2048x128xf32, #tpu.memory_space<hbm>> -> memref<64x128xf32, #tpu.memory_space<hbm>>
      tpu.wait_dma2 semaphore(%run_scoped3A : memref<!tpu.dma_semaphore, #tpu.memory_space<semaphore_mem>>) src(%dma_wait3A_273 : memref<64x128xf32, #tpu.memory_space<hbm>>) dst(%arg7 : memref<64x128xf32, #tpu.memory_space<vmem>>)
      tpu.yield
    }) : () -> ()
    %scan3A_178 = arith.constant 0 : i32
    %scan3A_179 = arith.constant 4 : i32
    %scan3A_180 = arith.constant 28 : i32
    %scan3A_181 = arith.addi %scan3A_179, %scan3A_180 : i32
    %scan3A_182 = arith.constant 1 : i32
    scf.for %scan3A_266 = %scan3A_179 to %scan3A_181 step %scan3A_182  : i32 {
      %dma_wait3A_267 = arith.constant 0 : i32
      %dma_wait3A_268 = tpu.memref_slice %arg6[%scan3A_266, %dma_wait3A_267] : memref<32x128xi32, #tpu.memory_space<vmem>> -> memref<1x128xi32, #tpu.memory_space<vmem>>
      %dma_wait3A_269 = tpu.memref_squeeze %dma_wait3A_268 : memref<1x128xi32, #tpu.memory_space<vmem>> -> memref<128xi32, #tpu.memory_space<vmem>>
      %dma_wait3A_270 = tpu.memref_slice %arg2[%scan3A_266, %multiple_of3A_21] : memref<32x2048xi32, #tpu.memory_space<hbm>> -> memref<1x128xi32, #tpu.memory_space<hbm>>
      %dma_wait3A_271 = tpu.memref_squeeze %dma_wait3A_270 : memref<1x128xi32, #tpu.memory_space<hbm>> -> memref<128xi32, #tpu.memory_space<hbm>>
      %dma_wait3A_272 = arith.constant 0 : i32
      %dma_wait3A_273 = tpu.memref_slice %arg6[%scan3A_266, %dma_wait3A_272] : memref<32x128xi32, #tpu.memory_space<vmem>> -> memref<1x128xi32, #tpu.memory_space<vmem>>
      %dma_wait3A_274 = tpu.memref_squeeze %dma_wait3A_273 : memref<1x128xi32, #tpu.memory_space<vmem>> -> memref<128xi32, #tpu.memory_space<vmem>>
      %dma_wait3A_275 = tpu.memref_slice %arg2[%scan3A_266, %multiple_of3A_21] : memref<32x2048xi32, #tpu.memory_space<hbm>> -> memref<1x128xi32, #tpu.memory_space<hbm>>
      %dma_wait3A_276 = tpu.memref_squeeze %dma_wait3A_275 : memref<1x128xi32, #tpu.memory_space<hbm>> -> memref<128xi32, #tpu.memory_space<hbm>>
      tpu.wait_dma2 semaphore(%arg12 : memref<!tpu.dma_semaphore, #tpu.memory_space<semaphore_mem>>) src(%dma_wait3A_276 : memref<128xi32, #tpu.memory_space<hbm>>) dst(%dma_wait3A_274 : memref<128xi32, #tpu.memory_space<vmem>>)
    }
    %scan3A_183 = arith.constant 28 : i32
    %scan3A_184 = arith.constant 0 : i32
    %scan3A_185 = arith.constant 0 : i32
    %scan3A_186 = arith.constant 8 : i32
    %scan3A_187 = arith.addi %scan3A_185, %scan3A_186 : i32
    %scan3A_188 = arith.constant 1 : i32
    scf.for %scan3A_266 = %scan3A_185 to %scan3A_187 step %scan3A_188  : i32 {
      %mul3A_267 = arith.constant 4 : i32
      %mul3A_268 = arith.muli %scan3A_266, %mul3A_267 : i32
      %add3A_269 = arith.constant 0 : i32
      %add3A_270 = arith.addi %mul3A_268, %add3A_269 : i32
      %dma_wait3A_271 = arith.constant 0 : i32
      %dma_wait3A_272 = arith.constant 0 : i32
      %dma_wait3A_273 = arith.constant 0 : i32
      %dma_wait3A_274 = arith.constant 0 : i32
      %dma_wait3A_275 = tpu.memref_slice %arg8[%dma_wait3A_271, %dma_wait3A_273, %dma_wait3A_274] : memref<4x64x128xf32, #tpu.memory_space<vmem>> -> memref<1x64x128xf32, #tpu.memory_space<vmem>>
      %dma_wait3A_276 = tpu.memref_squeeze %dma_wait3A_275 : memref<1x64x128xf32, #tpu.memory_space<vmem>> -> memref<64x128xf32, #tpu.memory_space<vmem>>
      %dma_wait3A_277 = tpu.memref_slice %arg6[%add3A_270, %sub3A_22] : memref<32x128xi32, #tpu.memory_space<vmem>> -> memref<1x64xi32, #tpu.memory_space<vmem>>
      %dma_wait3A_278 = tpu.memref_squeeze %dma_wait3A_277 : memref<1x64xi32, #tpu.memory_space<vmem>> -> memref<64xi32, #tpu.memory_space<vmem>>
      %dma_wait3A_279 = arith.constant 0 : i32
      %dma_wait3A_280 = arith.constant 0 : i32
      %dma_wait3A_281 = tpu.memref_slice %arg3[%dma_wait3A_279, %dma_wait3A_280] : memref<100000x128xf32, #tpu.memory_space<hbm>> -> memref<100000x128xf32, #tpu.memory_space<hbm>>
      %dma_wait3A_282 = tpu.memref_slice %arg10[%dma_wait3A_272] : memref<4x!tpu.dma_semaphore, #tpu.memory_space<semaphore_mem>> -> memref<1x!tpu.dma_semaphore, #tpu.memory_space<semaphore_mem>>
      %dma_wait3A_283 = tpu.memref_squeeze %dma_wait3A_282 : memref<1x!tpu.dma_semaphore, #tpu.memory_space<semaphore_mem>> -> memref<!tpu.dma_semaphore, #tpu.memory_space<semaphore_mem>>
      tpu.wait_indirect_dma semaphore(%dma_wait3A_283 : memref<!tpu.dma_semaphore, #tpu.memory_space<semaphore_mem>>) src(%dma_wait3A_281 : memref<100000x128xf32, #tpu.memory_space<hbm>>) dst(%dma_wait3A_276 : memref<64x128xf32, #tpu.memory_space<vmem>>)
      %ge3A = arith.constant 4 : i32
      %ge3A_284 = arith.cmpi sge, %add3A_270, %ge3A : i32
      %convert_element_type3A = arith.extui %ge3A_284 : i1 to i32
      %cond3A = arith.constant 0 : i32
      %cond3A_285 = arith.cmpi ne, %convert_element_type3A, %cond3A : i32
      scf.if %cond3A_285 {
        %dma_wait3A_462 = arith.constant 0 : i32
        %dma_wait3A_463 = arith.constant 0 : i32
        %dma_wait3A_464 = arith.constant 0 : i32
        %dma_wait3A_465 = arith.constant 0 : i32
        %dma_wait3A_466 = tpu.memref_slice %arg9[%dma_wait3A_462, %dma_wait3A_464, %dma_wait3A_465] : memref<4x64x128xf32, #tpu.memory_space<vmem>> -> memref<1x64x128xf32, #tpu.memory_space<vmem>>
        %dma_wait3A_467 = tpu.memref_squeeze %dma_wait3A_466 : memref<1x64x128xf32, #tpu.memory_space<vmem>> -> memref<64x128xf32, #tpu.memory_space<vmem>>
        %dma_wait3A_468 = arith.constant 0 : i32
        %dma_wait3A_469 = tpu.memref_slice %arg5[%add3A_270, %multiple_of3A, %dma_wait3A_468] : memref<32x2048x128xf32, #tpu.memory_space<hbm>> -> memref<1x64x128xf32, #tpu.memory_space<hbm>>
        %dma_wait3A_470 = tpu.memref_squeeze %dma_wait3A_469 : memref<1x64x128xf32, #tpu.memory_space<hbm>> -> memref<64x128xf32, #tpu.memory_space<hbm>>
        %dma_wait3A_471 = tpu.memref_slice %arg11[%dma_wait3A_463] : memref<4x!tpu.dma_semaphore, #tpu.memory_space<semaphore_mem>> -> memref<1x!tpu.dma_semaphore, #tpu.memory_space<semaphore_mem>>
        %dma_wait3A_472 = tpu.memref_squeeze %dma_wait3A_471 : memref<1x!tpu.dma_semaphore, #tpu.memory_space<semaphore_mem>> -> memref<!tpu.dma_semaphore, #tpu.memory_space<semaphore_mem>>
        %dma_wait3A_473 = arith.constant 0 : i32
        %dma_wait3A_474 = tpu.memref_slice %arg5[%add3A_270, %multiple_of3A, %dma_wait3A_473] : memref<32x2048x128xf32, #tpu.memory_space<hbm>> -> memref<1x64x128xf32, #tpu.memory_space<hbm>>
        %dma_wait3A_475 = tpu.memref_squeeze %dma_wait3A_474 : memref<1x64x128xf32, #tpu.memory_space<hbm>> -> memref<64x128xf32, #tpu.memory_space<hbm>>
        %dma_wait3A_476 = arith.constant 0 : i32
        %dma_wait3A_477 = arith.constant 0 : i32
        %dma_wait3A_478 = tpu.memref_slice %arg9[%dma_wait3A_462, %dma_wait3A_476, %dma_wait3A_477] : memref<4x64x128xf32, #tpu.memory_space<vmem>> -> memref<1x64x128xf32, #tpu.memory_space<vmem>>
        %dma_wait3A_479 = tpu.memref_squeeze %dma_wait3A_478 : memref<1x64x128xf32, #tpu.memory_space<vmem>> -> memref<64x128xf32, #tpu.memory_space<vmem>>
        tpu.wait_dma2 semaphore(%dma_wait3A_472 : memref<!tpu.dma_semaphore, #tpu.memory_space<semaphore_mem>>) src(%dma_wait3A_479 : memref<64x128xf32, #tpu.memory_space<vmem>>) dst(%dma_wait3A_475 : memref<64x128xf32, #tpu.memory_space<hbm>>)
      } else {
      }
      %parallel_loop3A = arith.constant 0 : i32
      %parallel_loop3A_286 = arith.constant 64 : i32
      %parallel_loop3A_287 = arith.constant 1 : i32
      scf.for %parallel_loop3A_462 = %parallel_loop3A to %parallel_loop3A_286 step %parallel_loop3A_287  : i32 {
        %parallel_loop3A_463 = arith.constant 0 : i32
        %parallel_loop3A_464 = arith.index_cast %parallel_loop3A_463 : i32 to index
        %parallel_loop3A_465 = arith.index_cast %parallel_loop3A_462 : i32 to index
        %parallel_loop3A_466 = arith.constant 0 : index
        %parallel_loop3A_467 = tpu.vector_load %arg8[%parallel_loop3A_464, %parallel_loop3A_465, %parallel_loop3A_466] {strides = array<i32>} : memref<4x64x128xf32, #tpu.memory_space<vmem>>, vector<1x1x16xf32>,
        %parallel_loop3A_468 = vector.shape_cast %parallel_loop3A_467 : vector<1x1x16xf32> to vector<16xf32>
        %parallel_loop3A_469 = arith.constant 2.000000e+00 : f32
        %parallel_loop3A_470 = vector.broadcast %parallel_loop3A_469 : f32 to vector<16xf32>
        %parallel_loop3A_471 = arith.mulf %parallel_loop3A_468, %parallel_loop3A_470 : vector<16xf32>
        %parallel_loop3A_472 = arith.index_cast %parallel_loop3A_462 : i32 to index
        %parallel_loop3A_473 = arith.constant 0 : index
        %parallel_loop3A_474 = tpu.vector_load %arg7[%parallel_loop3A_472, %parallel_loop3A_473] {strides = array<i32>} : memref<64x128xf32, #tpu.memory_space<vmem>>, vector<1x16xf32>,
        %parallel_loop3A_475 = vector.shape_cast %parallel_loop3A_474 : vector<1x16xf32> to vector<16xf32>
        %parallel_loop3A_476 = arith.addf %parallel_loop3A_471, %parallel_loop3A_475 : vector<16xf32>
        %parallel_loop3A_477 = arith.constant 0 : i32
        %parallel_loop3A_478 = arith.index_cast %parallel_loop3A_477 : i32 to index
        %parallel_loop3A_479 = arith.index_cast %parallel_loop3A_462 : i32 to index
        %parallel_loop3A_480 = arith.constant 0 : index
        %parallel_loop3A_481 = tpu.vector_load %arg9[%parallel_loop3A_478, %parallel_loop3A_479, %parallel_loop3A_480] {strides = array<i32>} : memref<4x64x128xf32, #tpu.memory_space<vmem>>, vector<1x1x16xf32>,
        %parallel_loop3A_482 = vector.shape_cast %parallel_loop3A_481 : vector<1x1x16xf32> to vector<16xf32>
        %parallel_loop3A_483 = vector.shape_cast %parallel_loop3A_476 : vector<16xf32> to vector<1x1x16xf32>
        tpu.vector_store %arg9[%parallel_loop3A_478, %parallel_loop3A_479, %parallel_loop3A_480], %parallel_loop3A_483 {strides = array<i32>} : memref<4x64x128xf32, #tpu.memory_space<vmem>>, vector<1x1x16xf32>,
        %parallel_loop3A_484 = arith.constant 0 : i32
        %parallel_loop3A_485 = arith.index_cast %parallel_loop3A_484 : i32 to index
        %parallel_loop3A_486 = arith.index_cast %parallel_loop3A_462 : i32 to index
        %parallel_loop3A_487 = arith.constant 16 : index
        %parallel_loop3A_488 = tpu.vector_load %arg8[%parallel_loop3A_485, %parallel_loop3A_486, %parallel_loop3A_487] {strides = array<i32>} : memref<4x64x128xf32, #tpu.memory_space<vmem>>, vector<1x1x16xf32>,
        %parallel_loop3A_489 = vector.shape_cast %parallel_loop3A_488 : vector<1x1x16xf32> to vector<16xf32>
        %parallel_loop3A_490 = arith.constant 2.000000e+00 : f32
        %parallel_loop3A_491 = vector.broadcast %parallel_loop3A_490 : f32 to vector<16xf32>
        %parallel_loop3A_492 = arith.mulf %parallel_loop3A_489, %parallel_loop3A_491 : vector<16xf32>
        %parallel_loop3A_493 = arith.index_cast %parallel_loop3A_462 : i32 to index
        %parallel_loop3A_494 = arith.constant 16 : index
        %parallel_loop3A_495 = tpu.vector_load %arg7[%parallel_loop3A_493, %parallel_loop3A_494] {strides = array<i32>} : memref<64x128xf32, #tpu.memory_space<vmem>>, vector<1x16xf32>,
        %parallel_loop3A_496 = vector.shape_cast %parallel_loop3A_495 : vector<1x16xf32> to vector<16xf32>
        %parallel_loop3A_497 = arith.addf %parallel_loop3A_492, %parallel_loop3A_496 : vector<16xf32>
        %parallel_loop3A_498 = arith.constant 0 : i32
        %parallel_loop3A_499 = arith.index_cast %parallel_loop3A_498 : i32 to index
        %parallel_loop3A_500 = arith.index_cast %parallel_loop3A_462 : i32 to index
        %parallel_loop3A_501 = arith.constant 16 : index
        %parallel_loop3A_502 = tpu.vector_load %arg9[%parallel_loop3A_499, %parallel_loop3A_500, %parallel_loop3A_501] {strides = array<i32>} : memref<4x64x128xf32, #tpu.memory_space<vmem>>, vector<1x1x16xf32>,
        %parallel_loop3A_503 = vector.shape_cast %parallel_loop3A_502 : vector<1x1x16xf32> to vector<16xf32>
        %parallel_loop3A_504 = vector.shape_cast %parallel_loop3A_497 : vector<16xf32> to vector<1x1x16xf32>
        tpu.vector_store %arg9[%parallel_loop3A_499, %parallel_loop3A_500, %parallel_loop3A_501], %parallel_loop3A_504 {strides = array<i32>} : memref<4x64x128xf32, #tpu.memory_space<vmem>>, vector<1x1x16xf32>,
        %parallel_loop3A_505 = arith.constant 0 : i32
        %parallel_loop3A_506 = arith.index_cast %parallel_loop3A_505 : i32 to index
        %parallel_loop3A_507 = arith.index_cast %parallel_loop3A_462 : i32 to index
        %parallel_loop3A_508 = arith.constant 32 : index
        %parallel_loop3A_509 = tpu.vector_load %arg8[%parallel_loop3A_506, %parallel_loop3A_507, %parallel_loop3A_508] {strides = array<i32>} : memref<4x64x128xf32, #tpu.memory_space<vmem>>, vector<1x1x16xf32>,
        %parallel_loop3A_510 = vector.shape_cast %parallel_loop3A_509 : vector<1x1x16xf32> to vector<16xf32>
        %parallel_loop3A_511 = arith.constant 2.000000e+00 : f32
        %parallel_loop3A_512 = vector.broadcast %parallel_loop3A_511 : f32 to vector<16xf32>
        %parallel_loop3A_513 = arith.mulf %parallel_loop3A_510, %parallel_loop3A_512 : vector<16xf32>
        %parallel_loop3A_514 = arith.index_cast %parallel_loop3A_462 : i32 to index
        %parallel_loop3A_515 = arith.constant 32 : index
        %parallel_loop3A_516 = tpu.vector_load %arg7[%parallel_loop3A_514, %parallel_loop3A_515] {strides = array<i32>} : memref<64x128xf32, #tpu.memory_space<vmem>>, vector<1x16xf32>,
        %parallel_loop3A_517 = vector.shape_cast %parallel_loop3A_516 : vector<1x16xf32> to vector<16xf32>
        %parallel_loop3A_518 = arith.addf %parallel_loop3A_513, %parallel_loop3A_517 : vector<16xf32>
        %parallel_loop3A_519 = arith.constant 0 : i32
        %parallel_loop3A_520 = arith.index_cast %parallel_loop3A_519 : i32 to index
        %parallel_loop3A_521 = arith.index_cast %parallel_loop3A_462 : i32 to index
        %parallel_loop3A_522 = arith.constant 32 : index
        %parallel_loop3A_523 = tpu.vector_load %arg9[%parallel_loop3A_520, %parallel_loop3A_521, %parallel_loop3A_522] {strides = array<i32>} : memref<4x64x128xf32, #tpu.memory_space<vmem>>, vector<1x1x16xf32>,
        %parallel_loop3A_524 = vector.shape_cast %parallel_loop3A_523 : vector<1x1x16xf32> to vector<16xf32>
        %parallel_loop3A_525 = vector.shape_cast %parallel_loop3A_518 : vector<16xf32> to vector<1x1x16xf32>
        tpu.vector_store %arg9[%parallel_loop3A_520, %parallel_loop3A_521, %parallel_loop3A_522], %parallel_loop3A_525 {strides = array<i32>} : memref<4x64x128xf32, #tpu.memory_space<vmem>>, vector<1x1x16xf32>,
        %parallel_loop3A_526 = arith.constant 0 : i32
        %parallel_loop3A_527 = arith.index_cast %parallel_loop3A_526 : i32 to index
        %parallel_loop3A_528 = arith.index_cast %parallel_loop3A_462 : i32 to index
        %parallel_loop3A_529 = arith.constant 48 : index
        %parallel_loop3A_530 = tpu.vector_load %arg8[%parallel_loop3A_527, %parallel_loop3A_528, %parallel_loop3A_529] {strides = array<i32>} : memref<4x64x128xf32, #tpu.memory_space<vmem>>, vector<1x1x16xf32>,
        %parallel_loop3A_531 = vector.shape_cast %parallel_loop3A_530 : vector<1x1x16xf32> to vector<16xf32>
        %parallel_loop3A_532 = arith.constant 2.000000e+00 : f32
        %parallel_loop3A_533 = vector.broadcast %parallel_loop3A_532 : f32 to vector<16xf32>
        %parallel_loop3A_534 = arith.mulf %parallel_loop3A_531, %parallel_loop3A_533 : vector<16xf32>
        %parallel_loop3A_535 = arith.index_cast %parallel_loop3A_462 : i32 to index
        %parallel_loop3A_536 = arith.constant 48 : index
        %parallel_loop3A_537 = tpu.vector_load %arg7[%parallel_loop3A_535, %parallel_loop3A_536] {strides = array<i32>} : memref<64x128xf32, #tpu.memory_space<vmem>>, vector<1x16xf32>,
        %parallel_loop3A_538 = vector.shape_cast %parallel_loop3A_537 : vector<1x16xf32> to vector<16xf32>
        %parallel_loop3A_539 = arith.addf %parallel_loop3A_534, %parallel_loop3A_538 : vector<16xf32>
        %parallel_loop3A_540 = arith.constant 0 : i32
        %parallel_loop3A_541 = arith.index_cast %parallel_loop3A_540 : i32 to index
        %parallel_loop3A_542 = arith.index_cast %parallel_loop3A_462 : i32 to index
        %parallel_loop3A_543 = arith.constant 48 : index
        %parallel_loop3A_544 = tpu.vector_load %arg9[%parallel_loop3A_541, %parallel_loop3A_542, %parallel_loop3A_543] {strides = array<i32>} : memref<4x64x128xf32, #tpu.memory_space<vmem>>, vector<1x1x16xf32>,
        %parallel_loop3A_545 = vector.shape_cast %parallel_loop3A_544 : vector<1x1x16xf32> to vector<16xf32>
        %parallel_loop3A_546 = vector.shape_cast %parallel_loop3A_539 : vector<16xf32> to vector<1x1x16xf32>
        tpu.vector_store %arg9[%parallel_loop3A_541, %parallel_loop3A_542, %parallel_loop3A_543], %parallel_loop3A_546 {strides = array<i32>} : memref<4x64x128xf32, #tpu.memory_space<vmem>>, vector<1x1x16xf32>,
        %parallel_loop3A_547 = arith.constant 0 : i32
        %parallel_loop3A_548 = arith.index_cast %parallel_loop3A_547 : i32 to index
        %parallel_loop3A_549 = arith.index_cast %parallel_loop3A_462 : i32 to index
        %parallel_loop3A_550 = arith.constant 64 : index
        %parallel_loop3A_551 = tpu.vector_load %arg8[%parallel_loop3A_548, %parallel_loop3A_549, %parallel_loop3A_550] {strides = array<i32>} : memref<4x64x128xf32, #tpu.memory_space<vmem>>, vector<1x1x16xf32>,
        %parallel_loop3A_552 = vector.shape_cast %parallel_loop3A_551 : vector<1x1x16xf32> to vector<16xf32>
        %parallel_loop3A_553 = arith.constant 2.000000e+00 : f32
        %parallel_loop3A_554 = vector.broadcast %parallel_loop3A_553 : f32 to vector<16xf32>
        %parallel_loop3A_555 = arith.mulf %parallel_loop3A_552, %parallel_loop3A_554 : vector<16xf32>
        %parallel_loop3A_556 = arith.index_cast %parallel_loop3A_462 : i32 to index
        %parallel_loop3A_557 = arith.constant 64 : index
        %parallel_loop3A_558 = tpu.vector_load %arg7[%parallel_loop3A_556, %parallel_loop3A_557] {strides = array<i32>} : memref<64x128xf32, #tpu.memory_space<vmem>>, vector<1x16xf32>,
        %parallel_loop3A_559 = vector.shape_cast %parallel_loop3A_558 : vector<1x16xf32> to vector<16xf32>
        %parallel_loop3A_560 = arith.addf %parallel_loop3A_555, %parallel_loop3A_559 : vector<16xf32>
        %parallel_loop3A_561 = arith.constant 0 : i32
        %parallel_loop3A_562 = arith.index_cast %parallel_loop3A_561 : i32 to index
        %parallel_loop3A_563 = arith.index_cast %parallel_loop3A_462 : i32 to index
        %parallel_loop3A_564 = arith.constant 64 : index
        %parallel_loop3A_565 = tpu.vector_load %arg9[%parallel_loop3A_562, %parallel_loop3A_563, %parallel_loop3A_564] {strides = array<i32>} : memref<4x64x128xf32, #tpu.memory_space<vmem>>, vector<1x1x16xf32>,
        %parallel_loop3A_566 = vector.shape_cast %parallel_loop3A_565 : vector<1x1x16xf32> to vector<16xf32>
        %parallel_loop3A_567 = vector.shape_cast %parallel_loop3A_560 : vector<16xf32> to vector<1x1x16xf32>
        tpu.vector_store %arg9[%parallel_loop3A_562, %parallel_loop3A_563, %parallel_loop3A_564], %parallel_loop3A_567 {strides = array<i32>} : memref<4x64x128xf32, #tpu.memory_space<vmem>>, vector<1x1x16xf32>,
        %parallel_loop3A_568 = arith.constant 0 : i32
        %parallel_loop3A_569 = arith.index_cast %parallel_loop3A_568 : i32 to index
        %parallel_loop3A_570 = arith.index_cast %parallel_loop3A_462 : i32 to index
        %parallel_loop3A_571 = arith.constant 80 : index
        %parallel_loop3A_572 = tpu.vector_load %arg8[%parallel_loop3A_569, %parallel_loop3A_570, %parallel_loop3A_571] {strides = array<i32>} : memref<4x64x128xf32, #tpu.memory_space<vmem>>, vector<1x1x16xf32>,
        %parallel_loop3A_573 = vector.shape_cast %parallel_loop3A_572 : vector<1x1x16xf32> to vector<16xf32>
        %parallel_loop3A_574 = arith.constant 2.000000e+00 : f32
        %parallel_loop3A_575 = vector.broadcast %parallel_loop3A_574 : f32 to vector<16xf32>
        %parallel_loop3A_576 = arith.mulf %parallel_loop3A_573, %parallel_loop3A_575 : vector<16xf32>
        %parallel_loop3A_577 = arith.index_cast %parallel_loop3A_462 : i32 to index
        %parallel_loop3A_578 = arith.constant 80 : index
        %parallel_loop3A_579 = tpu.vector_load %arg7[%parallel_loop3A_577, %parallel_loop3A_578] {strides = array<i32>} : memref<64x128xf32, #tpu.memory_space<vmem>>, vector<1x16xf32>,
        %parallel_loop3A_580 = vector.shape_cast %parallel_loop3A_579 : vector<1x16xf32> to vector<16xf32>
        %parallel_loop3A_581 = arith.addf %parallel_loop3A_576, %parallel_loop3A_580 : vector<16xf32>
        %parallel_loop3A_582 = arith.constant 0 : i32
        %parallel_loop3A_583 = arith.index_cast %parallel_loop3A_582 : i32 to index
        %parallel_loop3A_584 = arith.index_cast %parallel_loop3A_462 : i32 to index
        %parallel_loop3A_585 = arith.constant 80 : index
        %parallel_loop3A_586 = tpu.vector_load %arg9[%parallel_loop3A_583, %parallel_loop3A_584, %parallel_loop3A_585] {strides = array<i32>} : memref<4x64x128xf32, #tpu.memory_space<vmem>>, vector<1x1x16xf32>,
        %parallel_loop3A_587 = vector.shape_cast %parallel_loop3A_586 : vector<1x1x16xf32> to vector<16xf32>
        %parallel_loop3A_588 = vector.shape_cast %parallel_loop3A_581 : vector<16xf32> to vector<1x1x16xf32>
        tpu.vector_store %arg9[%parallel_loop3A_583, %parallel_loop3A_584, %parallel_loop3A_585], %parallel_loop3A_588 {strides = array<i32>} : memref<4x64x128xf32, #tpu.memory_space<vmem>>, vector<1x1x16xf32>,
        %parallel_loop3A_589 = arith.constant 0 : i32
        %parallel_loop3A_590 = arith.index_cast %parallel_loop3A_589 : i32 to index
        %parallel_loop3A_591 = arith.index_cast %parallel_loop3A_462 : i32 to index
        %parallel_loop3A_592 = arith.constant 96 : index
        %parallel_loop3A_593 = tpu.vector_load %arg8[%parallel_loop3A_590, %parallel_loop3A_591, %parallel_loop3A_592] {strides = array<i32>} : memref<4x64x128xf32, #tpu.memory_space<vmem>>, vector<1x1x16xf32>,
        %parallel_loop3A_594 = vector.shape_cast %parallel_loop3A_593 : vector<1x1x16xf32> to vector<16xf32>
        %parallel_loop3A_595 = arith.constant 2.000000e+00 : f32
        %parallel_loop3A_596 = vector.broadcast %parallel_loop3A_595 : f32 to vector<16xf32>
        %parallel_loop3A_597 = arith.mulf %parallel_loop3A_594, %parallel_loop3A_596 : vector<16xf32>
        %parallel_loop3A_598 = arith.index_cast %parallel_loop3A_462 : i32 to index
        %parallel_loop3A_599 = arith.constant 96 : index
        %parallel_loop3A_600 = tpu.vector_load %arg7[%parallel_loop3A_598, %parallel_loop3A_599] {strides = array<i32>} : memref<64x128xf32, #tpu.memory_space<vmem>>, vector<1x16xf32>,
        %parallel_loop3A_601 = vector.shape_cast %parallel_loop3A_600 : vector<1x16xf32> to vector<16xf32>
        %parallel_loop3A_602 = arith.addf %parallel_loop3A_597, %parallel_loop3A_601 : vector<16xf32>
        %parallel_loop3A_603 = arith.constant 0 : i32
        %parallel_loop3A_604 = arith.index_cast %parallel_loop3A_603 : i32 to index
        %parallel_loop3A_605 = arith.index_cast %parallel_loop3A_462 : i32 to index
        %parallel_loop3A_606 = arith.constant 96 : index
        %parallel_loop3A_607 = tpu.vector_load %arg9[%parallel_loop3A_604, %parallel_loop3A_605, %parallel_loop3A_606] {strides = array<i32>} : memref<4x64x128xf32, #tpu.memory_space<vmem>>, vector<1x1x16xf32>,
        %parallel_loop3A_608 = vector.shape_cast %parallel_loop3A_607 : vector<1x1x16xf32> to vector<16xf32>
        %parallel_loop3A_609 = vector.shape_cast %parallel_loop3A_602 : vector<16xf32> to vector<1x1x16xf32>
        tpu.vector_store %arg9[%parallel_loop3A_604, %parallel_loop3A_605, %parallel_loop3A_606], %parallel_loop3A_609 {strides = array<i32>} : memref<4x64x128xf32, #tpu.memory_space<vmem>>, vector<1x1x16xf32>,
        %parallel_loop3A_610 = arith.constant 0 : i32
        %parallel_loop3A_611 = arith.index_cast %parallel_loop3A_610 : i32 to index
        %parallel_loop3A_612 = arith.index_cast %parallel_loop3A_462 : i32 to index
        %parallel_loop3A_613 = arith.constant 112 : index
        %parallel_loop3A_614 = tpu.vector_load %arg8[%parallel_loop3A_611, %parallel_loop3A_612, %parallel_loop3A_613] {strides = array<i32>} : memref<4x64x128xf32, #tpu.memory_space<vmem>>, vector<1x1x16xf32>,
        %parallel_loop3A_615 = vector.shape_cast %parallel_loop3A_614 : vector<1x1x16xf32> to vector<16xf32>
        %parallel_loop3A_616 = arith.constant 2.000000e+00 : f32
        %parallel_loop3A_617 = vector.broadcast %parallel_loop3A_616 : f32 to vector<16xf32>
        %parallel_loop3A_618 = arith.mulf %parallel_loop3A_615, %parallel_loop3A_617 : vector<16xf32>
        %parallel_loop3A_619 = arith.index_cast %parallel_loop3A_462 : i32 to index
        %parallel_loop3A_620 = arith.constant 112 : index
        %parallel_loop3A_621 = tpu.vector_load %arg7[%parallel_loop3A_619, %parallel_loop3A_620] {strides = array<i32>} : memref<64x128xf32, #tpu.memory_space<vmem>>, vector<1x16xf32>,
        %parallel_loop3A_622 = vector.shape_cast %parallel_loop3A_621 : vector<1x16xf32> to vector<16xf32>
        %parallel_loop3A_623 = arith.addf %parallel_loop3A_618, %parallel_loop3A_622 : vector<16xf32>
        %parallel_loop3A_624 = arith.constant 0 : i32
        %parallel_loop3A_625 = arith.index_cast %parallel_loop3A_624 : i32 to index
        %parallel_loop3A_626 = arith.index_cast %parallel_loop3A_462 : i32 to index
        %parallel_loop3A_627 = arith.constant 112 : index
        %parallel_loop3A_628 = tpu.vector_load %arg9[%parallel_loop3A_625, %parallel_loop3A_626, %parallel_loop3A_627] {strides = array<i32>} : memref<4x64x128xf32, #tpu.memory_space<vmem>>, vector<1x1x16xf32>,
        %parallel_loop3A_629 = vector.shape_cast %parallel_loop3A_628 : vector<1x1x16xf32> to vector<16xf32>
        %parallel_loop3A_630 = vector.shape_cast %parallel_loop3A_623 : vector<16xf32> to vector<1x1x16xf32>
        tpu.vector_store %arg9[%parallel_loop3A_625, %parallel_loop3A_626, %parallel_loop3A_627], %parallel_loop3A_630 {strides = array<i32>} : memref<4x64x128xf32, #tpu.memory_space<vmem>>, vector<1x1x16xf32>,
      } {sc.loop_unroll_factor = 2 : i64, sc.parallel_access}
      %dma_start3A_288 = arith.constant 0 : i32
      %dma_start3A_289 = arith.constant 0 : i32
      %dma_start3A_290 = arith.constant 0 : i32
      %dma_start3A_291 = arith.constant 0 : i32
      %dma_start3A_292 = tpu.memref_slice %arg9[%dma_start3A_288, %dma_start3A_290, %dma_start3A_291] : memref<4x64x128xf32, #tpu.memory_space<vmem>> -> memref<1x64x128xf32, #tpu.memory_space<vmem>>
      %dma_start3A_293 = tpu.memref_squeeze %dma_start3A_292 : memref<1x64x128xf32, #tpu.memory_space<vmem>> -> memref<64x128xf32, #tpu.memory_space<vmem>>
      %dma_start3A_294 = arith.constant 0 : i32
      %dma_start3A_295 = tpu.memref_slice %arg5[%add3A_270, %multiple_of3A, %dma_start3A_294] : memref<32x2048x128xf32, #tpu.memory_space<hbm>> -> memref<1x64x128xf32, #tpu.memory_space<hbm>>
      %dma_start3A_296 = tpu.memref_squeeze %dma_start3A_295 : memref<1x64x128xf32, #tpu.memory_space<hbm>> -> memref<64x128xf32, #tpu.memory_space<hbm>>
      %dma_start3A_297 = tpu.memref_slice %arg11[%dma_start3A_289] : memref<4x!tpu.dma_semaphore, #tpu.memory_space<semaphore_mem>> -> memref<1x!tpu.dma_semaphore, #tpu.memory_space<semaphore_mem>>
      %dma_start3A_298 = tpu.memref_squeeze %dma_start3A_297 : memref<1x!tpu.dma_semaphore, #tpu.memory_space<semaphore_mem>> -> memref<!tpu.dma_semaphore, #tpu.memory_space<semaphore_mem>>
      %dma_start3A_299 = arith.constant 0 : i32
      %dma_start3A_300 = tpu.memref_slice %arg5[%add3A_270, %multiple_of3A, %dma_start3A_299] : memref<32x2048x128xf32, #tpu.memory_space<hbm>> -> memref<1x64x128xf32, #tpu.memory_space<hbm>>
      %dma_start3A_301 = tpu.memref_squeeze %dma_start3A_300 : memref<1x64x128xf32, #tpu.memory_space<hbm>> -> memref<64x128xf32, #tpu.memory_space<hbm>>
      %dma_start3A_302 = arith.constant 0 : i32
      %dma_start3A_303 = arith.constant 0 : i32
      %dma_start3A_304 = tpu.memref_slice %arg9[%dma_start3A_288, %dma_start3A_302, %dma_start3A_303] : memref<4x64x128xf32, #tpu.memory_space<vmem>> -> memref<1x64x128xf32, #tpu.memory_space<vmem>>
      %dma_start3A_305 = tpu.memref_squeeze %dma_start3A_304 : memref<1x64x128xf32, #tpu.memory_space<vmem>> -> memref<64x128xf32, #tpu.memory_space<vmem>>
      tpu.enqueue_dma source(%dma_start3A_305 : memref<64x128xf32, #tpu.memory_space<vmem>>) target(%dma_start3A_301 : memref<64x128xf32, #tpu.memory_space<hbm>>) target_semaphore(%dma_start3A_298 : memref<!tpu.dma_semaphore, #tpu.memory_space<semaphore_mem>>)
      %add3A_306 = arith.constant 4 : i32
      %add3A_307 = arith.addi %add3A_270, %add3A_306 : i32
      %lt3A = arith.constant 32 : i32
      %lt3A_308 = arith.cmpi slt, %add3A_307, %lt3A : i32
      %convert_element_type3A_309 = arith.extui %lt3A_308 : i1 to i32
      %cond3A_310 = arith.constant 0 : i32
      %cond3A_311 = arith.cmpi ne, %convert_element_type3A_309, %cond3A_310 : i32
      scf.if %cond3A_311 {
        %dma_start3A_462 = arith.constant 0 : i32
        %dma_start3A_463 = arith.constant 0 : i32
        %dma_start3A_464 = arith.constant 0 : i32
        %dma_start3A_465 = arith.constant 0 : i32
        %dma_start3A_466 = tpu.memref_slice %arg8[%dma_start3A_462, %dma_start3A_464, %dma_start3A_465] : memref<4x64x128xf32, #tpu.memory_space<vmem>> -> memref<1x64x128xf32, #tpu.memory_space<vmem>>
        %dma_start3A_467 = tpu.memref_squeeze %dma_start3A_466 : memref<1x64x128xf32, #tpu.memory_space<vmem>> -> memref<64x128xf32, #tpu.memory_space<vmem>>
        %dma_start3A_468 = tpu.memref_slice %arg6[%add3A_307, %sub3A_22] : memref<32x128xi32, #tpu.memory_space<vmem>> -> memref<1x64xi32, #tpu.memory_space<vmem>>
        %dma_start3A_469 = tpu.memref_squeeze %dma_start3A_468 : memref<1x64xi32, #tpu.memory_space<vmem>> -> memref<64xi32, #tpu.memory_space<vmem>>
        %dma_start3A_470 = arith.constant 0 : i32
        %dma_start3A_471 = arith.constant 0 : i32
        %dma_start3A_472 = tpu.memref_slice %arg3[%dma_start3A_470, %dma_start3A_471] : memref<100000x128xf32, #tpu.memory_space<hbm>> -> memref<100000x128xf32, #tpu.memory_space<hbm>>
        %dma_start3A_473 = tpu.memref_slice %arg10[%dma_start3A_463] : memref<4x!tpu.dma_semaphore, #tpu.memory_space<semaphore_mem>> -> memref<1x!tpu.dma_semaphore, #tpu.memory_space<semaphore_mem>>
        %dma_start3A_474 = tpu.memref_squeeze %dma_start3A_473 : memref<1x!tpu.dma_semaphore, #tpu.memory_space<semaphore_mem>> -> memref<!tpu.dma_semaphore, #tpu.memory_space<semaphore_mem>>
        tpu.enqueue_indirect_dma source(%dma_start3A_472 : memref<100000x128xf32, #tpu.memory_space<hbm>>) target(%dma_start3A_467 : memref<64x128xf32, #tpu.memory_space<vmem>>) offsets(%dma_start3A_469 : memref<64xi32, #tpu.memory_space<vmem>>) semaphore(%dma_start3A_474 : memref<!tpu.dma_semaphore, #tpu.memory_space<semaphore_mem>>)
      } else {
      }
      %mul3A_312 = arith.constant 4 : i32
      %mul3A_313 = arith.muli %scan3A_266, %mul3A_312 : i32
      %add3A_314 = arith.constant 1 : i32
      %add3A_315 = arith.addi %mul3A_313, %add3A_314 : i32
      %dma_wait3A_316 = arith.constant 1 : i32
      %dma_wait3A_317 = arith.constant 1 : i32
      %dma_wait3A_318 = arith.constant 0 : i32
      %dma_wait3A_319 = arith.constant 0 : i32
      %dma_wait3A_320 = tpu.memref_slice %arg8[%dma_wait3A_316, %dma_wait3A_318, %dma_wait3A_319] : memref<4x64x128xf32, #tpu.memory_space<vmem>> -> memref<1x64x128xf32, #tpu.memory_space<vmem>>
      %dma_wait3A_321 = tpu.memref_squeeze %dma_wait3A_320 : memref<1x64x128xf32, #tpu.memory_space<vmem>> -> memref<64x128xf32, #tpu.memory_space<vmem>>
      %dma_wait3A_322 = tpu.memref_slice %arg6[%add3A_315, %sub3A_22] : memref<32x128xi32, #tpu.memory_space<vmem>> -> memref<1x64xi32, #tpu.memory_space<vmem>>
      %dma_wait3A_323 = tpu.memref_squeeze %dma_wait3A_322 : memref<1x64xi32, #tpu.memory_space<vmem>> -> memref<64xi32, #tpu.memory_space<vmem>>
      %dma_wait3A_324 = arith.constant 0 : i32
      %dma_wait3A_325 = arith.constant 0 : i32
      %dma_wait3A_326 = tpu.memref_slice %arg3[%dma_wait3A_324, %dma_wait3A_325] : memref<100000x128xf32, #tpu.memory_space<hbm>> -> memref<100000x128xf32, #tpu.memory_space<hbm>>
      %dma_wait3A_327 = tpu.memref_slice %arg10[%dma_wait3A_317] : memref<4x!tpu.dma_semaphore, #tpu.memory_space<semaphore_mem>> -> memref<1x!tpu.dma_semaphore, #tpu.memory_space<semaphore_mem>>
      %dma_wait3A_328 = tpu.memref_squeeze %dma_wait3A_327 : memref<1x!tpu.dma_semaphore, #tpu.memory_space<semaphore_mem>> -> memref<!tpu.dma_semaphore, #tpu.memory_space<semaphore_mem>>
      tpu.wait_indirect_dma semaphore(%dma_wait3A_328 : memref<!tpu.dma_semaphore, #tpu.memory_space<semaphore_mem>>) src(%dma_wait3A_326 : memref<100000x128xf32, #tpu.memory_space<hbm>>) dst(%dma_wait3A_321 : memref<64x128xf32, #tpu.memory_space<vmem>>)
      %ge3A_329 = arith.constant 4 : i32
      %ge3A_330 = arith.cmpi sge, %add3A_315, %ge3A_329 : i32
      %convert_element_type3A_331 = arith.extui %ge3A_330 : i1 to i32
      %cond3A_332 = arith.constant 0 : i32
      %cond3A_333 = arith.cmpi ne, %convert_element_type3A_331, %cond3A_332 : i32
      scf.if %cond3A_333 {
        %dma_wait3A_462 = arith.constant 1 : i32
        %dma_wait3A_463 = arith.constant 1 : i32
        %dma_wait3A_464 = arith.constant 0 : i32
        %dma_wait3A_465 = arith.constant 0 : i32
        %dma_wait3A_466 = tpu.memref_slice %arg9[%dma_wait3A_462, %dma_wait3A_464, %dma_wait3A_465] : memref<4x64x128xf32, #tpu.memory_space<vmem>> -> memref<1x64x128xf32, #tpu.memory_space<vmem>>
        %dma_wait3A_467 = tpu.memref_squeeze %dma_wait3A_466 : memref<1x64x128xf32, #tpu.memory_space<vmem>> -> memref<64x128xf32, #tpu.memory_space<vmem>>
        %dma_wait3A_468 = arith.constant 0 : i32
        %dma_wait3A_469 = tpu.memref_slice %arg5[%add3A_315, %multiple_of3A, %dma_wait3A_468] : memref<32x2048x128xf32, #tpu.memory_space<hbm>> -> memref<1x64x128xf32, #tpu.memory_space<hbm>>
        %dma_wait3A_470 = tpu.memref_squeeze %dma_wait3A_469 : memref<1x64x128xf32, #tpu.memory_space<hbm>> -> memref<64x128xf32, #tpu.memory_space<hbm>>
        %dma_wait3A_471 = tpu.memref_slice %arg11[%dma_wait3A_463] : memref<4x!tpu.dma_semaphore, #tpu.memory_space<semaphore_mem>> -> memref<1x!tpu.dma_semaphore, #tpu.memory_space<semaphore_mem>>
        %dma_wait3A_472 = tpu.memref_squeeze %dma_wait3A_471 : memref<1x!tpu.dma_semaphore, #tpu.memory_space<semaphore_mem>> -> memref<!tpu.dma_semaphore, #tpu.memory_space<semaphore_mem>>
        %dma_wait3A_473 = arith.constant 0 : i32
        %dma_wait3A_474 = tpu.memref_slice %arg5[%add3A_315, %multiple_of3A, %dma_wait3A_473] : memref<32x2048x128xf32, #tpu.memory_space<hbm>> -> memref<1x64x128xf32, #tpu.memory_space<hbm>>
        %dma_wait3A_475 = tpu.memref_squeeze %dma_wait3A_474 : memref<1x64x128xf32, #tpu.memory_space<hbm>> -> memref<64x128xf32, #tpu.memory_space<hbm>>
        %dma_wait3A_476 = arith.constant 0 : i32
        %dma_wait3A_477 = arith.constant 0 : i32
        %dma_wait3A_478 = tpu.memref_slice %arg9[%dma_wait3A_462, %dma_wait3A_476, %dma_wait3A_477] : memref<4x64x128xf32, #tpu.memory_space<vmem>> -> memref<1x64x128xf32, #tpu.memory_space<vmem>>
        %dma_wait3A_479 = tpu.memref_squeeze %dma_wait3A_478 : memref<1x64x128xf32, #tpu.memory_space<vmem>> -> memref<64x128xf32, #tpu.memory_space<vmem>>
        tpu.wait_dma2 semaphore(%dma_wait3A_472 : memref<!tpu.dma_semaphore, #tpu.memory_space<semaphore_mem>>) src(%dma_wait3A_479 : memref<64x128xf32, #tpu.memory_space<vmem>>) dst(%dma_wait3A_475 : memref<64x128xf32, #tpu.memory_space<hbm>>)
      } else {
      }
      %parallel_loop3A_334 = arith.constant 0 : i32
      %parallel_loop3A_335 = arith.constant 64 : i32
      %parallel_loop3A_336 = arith.constant 1 : i32
      scf.for %parallel_loop3A_462 = %parallel_loop3A_334 to %parallel_loop3A_335 step %parallel_loop3A_336  : i32 {
        %parallel_loop3A_463 = arith.constant 1 : i32
        %parallel_loop3A_464 = arith.index_cast %parallel_loop3A_463 : i32 to index
        %parallel_loop3A_465 = arith.index_cast %parallel_loop3A_462 : i32 to index
        %parallel_loop3A_466 = arith.constant 0 : index
        %parallel_loop3A_467 = tpu.vector_load %arg8[%parallel_loop3A_464, %parallel_loop3A_465, %parallel_loop3A_466] {strides = array<i32>} : memref<4x64x128xf32, #tpu.memory_space<vmem>>, vector<1x1x16xf32>,
        %parallel_loop3A_468 = vector.shape_cast %parallel_loop3A_467 : vector<1x1x16xf32> to vector<16xf32>
        %parallel_loop3A_469 = arith.constant 2.000000e+00 : f32
        %parallel_loop3A_470 = vector.broadcast %parallel_loop3A_469 : f32 to vector<16xf32>
        %parallel_loop3A_471 = arith.mulf %parallel_loop3A_468, %parallel_loop3A_470 : vector<16xf32>
        %parallel_loop3A_472 = arith.index_cast %parallel_loop3A_462 : i32 to index
        %parallel_loop3A_473 = arith.constant 0 : index
        %parallel_loop3A_474 = tpu.vector_load %arg7[%parallel_loop3A_472, %parallel_loop3A_473] {strides = array<i32>} : memref<64x128xf32, #tpu.memory_space<vmem>>, vector<1x16xf32>,
        %parallel_loop3A_475 = vector.shape_cast %parallel_loop3A_474 : vector<1x16xf32> to vector<16xf32>
        %parallel_loop3A_476 = arith.addf %parallel_loop3A_471, %parallel_loop3A_475 : vector<16xf32>
        %parallel_loop3A_477 = arith.constant 1 : i32
        %parallel_loop3A_478 = arith.index_cast %parallel_loop3A_477 : i32 to index
        %parallel_loop3A_479 = arith.index_cast %parallel_loop3A_462 : i32 to index
        %parallel_loop3A_480 = arith.constant 0 : index
        %parallel_loop3A_481 = tpu.vector_load %arg9[%parallel_loop3A_478, %parallel_loop3A_479, %parallel_loop3A_480] {strides = array<i32>} : memref<4x64x128xf32, #tpu.memory_space<vmem>>, vector<1x1x16xf32>,
        %parallel_loop3A_482 = vector.shape_cast %parallel_loop3A_481 : vector<1x1x16xf32> to vector<16xf32>
        %parallel_loop3A_483 = vector.shape_cast %parallel_loop3A_476 : vector<16xf32> to vector<1x1x16xf32>
        tpu.vector_store %arg9[%parallel_loop3A_478, %parallel_loop3A_479, %parallel_loop3A_480], %parallel_loop3A_483 {strides = array<i32>} : memref<4x64x128xf32, #tpu.memory_space<vmem>>, vector<1x1x16xf32>,
        %parallel_loop3A_484 = arith.constant 1 : i32
        %parallel_loop3A_485 = arith.index_cast %parallel_loop3A_484 : i32 to index
        %parallel_loop3A_486 = arith.index_cast %parallel_loop3A_462 : i32 to index
        %parallel_loop3A_487 = arith.constant 16 : index
        %parallel_loop3A_488 = tpu.vector_load %arg8[%parallel_loop3A_485, %parallel_loop3A_486, %parallel_loop3A_487] {strides = array<i32>} : memref<4x64x128xf32, #tpu.memory_space<vmem>>, vector<1x1x16xf32>,
        %parallel_loop3A_489 = vector.shape_cast %parallel_loop3A_488 : vector<1x1x16xf32> to vector<16xf32>
        %parallel_loop3A_490 = arith.constant 2.000000e+00 : f32
        %parallel_loop3A_491 = vector.broadcast %parallel_loop3A_490 : f32 to vector<16xf32>
        %parallel_loop3A_492 = arith.mulf %parallel_loop3A_489, %parallel_loop3A_491 : vector<16xf32>
        %parallel_loop3A_493 = arith.index_cast %parallel_loop3A_462 : i32 to index
        %parallel_loop3A_494 = arith.constant 16 : index
        %parallel_loop3A_495 = tpu.vector_load %arg7[%parallel_loop3A_493, %parallel_loop3A_494] {strides = array<i32>} : memref<64x128xf32, #tpu.memory_space<vmem>>, vector<1x16xf32>,
        %parallel_loop3A_496 = vector.shape_cast %parallel_loop3A_495 : vector<1x16xf32> to vector<16xf32>
        %parallel_loop3A_497 = arith.addf %parallel_loop3A_492, %parallel_loop3A_496 : vector<16xf32>
        %parallel_loop3A_498 = arith.constant 1 : i32
        %parallel_loop3A_499 = arith.index_cast %parallel_loop3A_498 : i32 to index
        %parallel_loop3A_500 = arith.index_cast %parallel_loop3A_462 : i32 to index
        %parallel_loop3A_501 = arith.constant 16 : index
        %parallel_loop3A_502 = tpu.vector_load %arg9[%parallel_loop3A_499, %parallel_loop3A_500, %parallel_loop3A_501] {strides = array<i32>} : memref<4x64x128xf32, #tpu.memory_space<vmem>>, vector<1x1x16xf32>,
        %parallel_loop3A_503 = vector.shape_cast %parallel_loop3A_502 : vector<1x1x16xf32> to vector<16xf32>
        %parallel_loop3A_504 = vector.shape_cast %parallel_loop3A_497 : vector<16xf32> to vector<1x1x16xf32>
        tpu.vector_store %arg9[%parallel_loop3A_499, %parallel_loop3A_500, %parallel_loop3A_501], %parallel_loop3A_504 {strides = array<i32>} : memref<4x64x128xf32, #tpu.memory_space<vmem>>, vector<1x1x16xf32>,
        %parallel_loop3A_505 = arith.constant 1 : i32
        %parallel_loop3A_506 = arith.index_cast %parallel_loop3A_505 : i32 to index
        %parallel_loop3A_507 = arith.index_cast %parallel_loop3A_462 : i32 to index
        %parallel_loop3A_508 = arith.constant 32 : index
        %parallel_loop3A_509 = tpu.vector_load %arg8[%parallel_loop3A_506, %parallel_loop3A_507, %parallel_loop3A_508] {strides = array<i32>} : memref<4x64x128xf32, #tpu.memory_space<vmem>>, vector<1x1x16xf32>,
        %parallel_loop3A_510 = vector.shape_cast %parallel_loop3A_509 : vector<1x1x16xf32> to vector<16xf32>
        %parallel_loop3A_511 = arith.constant 2.000000e+00 : f32
        %parallel_loop3A_512 = vector.broadcast %parallel_loop3A_511 : f32 to vector<16xf32>
        %parallel_loop3A_513 = arith.mulf %parallel_loop3A_510, %parallel_loop3A_512 : vector<16xf32>
        %parallel_loop3A_514 = arith.index_cast %parallel_loop3A_462 : i32 to index
        %parallel_loop3A_515 = arith.constant 32 : index
        %parallel_loop3A_516 = tpu.vector_load %arg7[%parallel_loop3A_514, %parallel_loop3A_515] {strides = array<i32>} : memref<64x128xf32, #tpu.memory_space<vmem>>, vector<1x16xf32>,
        %parallel_loop3A_517 = vector.shape_cast %parallel_loop3A_516 : vector<1x16xf32> to vector<16xf32>
        %parallel_loop3A_518 = arith.addf %parallel_loop3A_513, %parallel_loop3A_517 : vector<16xf32>
        %parallel_loop3A_519 = arith.constant 1 : i32
        %parallel_loop3A_520 = arith.index_cast %parallel_loop3A_519 : i32 to index
        %parallel_loop3A_521 = arith.index_cast %parallel_loop3A_462 : i32 to index
        %parallel_loop3A_522 = arith.constant 32 : index
        %parallel_loop3A_523 = tpu.vector_load %arg9[%parallel_loop3A_520, %parallel_loop3A_521, %parallel_loop3A_522] {strides = array<i32>} : memref<4x64x128xf32, #tpu.memory_space<vmem>>, vector<1x1x16xf32>,
        %parallel_loop3A_524 = vector.shape_cast %parallel_loop3A_523 : vector<1x1x16xf32> to vector<16xf32>
        %parallel_loop3A_525 = vector.shape_cast %parallel_loop3A_518 : vector<16xf32> to vector<1x1x16xf32>
        tpu.vector_store %arg9[%parallel_loop3A_520, %parallel_loop3A_521, %parallel_loop3A_522], %parallel_loop3A_525 {strides = array<i32>} : memref<4x64x128xf32, #tpu.memory_space<vmem>>, vector<1x1x16xf32>,
        %parallel_loop3A_526 = arith.constant 1 : i32
        %parallel_loop3A_527 = arith.index_cast %parallel_loop3A_526 : i32 to index
        %parallel_loop3A_528 = arith.index_cast %parallel_loop3A_462 : i32 to index
        %parallel_loop3A_529 = arith.constant 48 : index
        %parallel_loop3A_530 = tpu.vector_load %arg8[%parallel_loop3A_527, %parallel_loop3A_528, %parallel_loop3A_529] {strides = array<i32>} : memref<4x64x128xf32, #tpu.memory_space<vmem>>, vector<1x1x16xf32>,
        %parallel_loop3A_531 = vector.shape_cast %parallel_loop3A_530 : vector<1x1x16xf32> to vector<16xf32>
        %parallel_loop3A_532 = arith.constant 2.000000e+00 : f32
        %parallel_loop3A_533 = vector.broadcast %parallel_loop3A_532 : f32 to vector<16xf32>
        %parallel_loop3A_534 = arith.mulf %parallel_loop3A_531, %parallel_loop3A_533 : vector<16xf32>
        %parallel_loop3A_535 = arith.index_cast %parallel_loop3A_462 : i32 to index
        %parallel_loop3A_536 = arith.constant 48 : index
        %parallel_loop3A_537 = tpu.vector_load %arg7[%parallel_loop3A_535, %parallel_loop3A_536] {strides = array<i32>} : memref<64x128xf32, #tpu.memory_space<vmem>>, vector<1x16xf32>,
        %parallel_loop3A_538 = vector.shape_cast %parallel_loop3A_537 : vector<1x16xf32> to vector<16xf32>
        %parallel_loop3A_539 = arith.addf %parallel_loop3A_534, %parallel_loop3A_538 : vector<16xf32>
        %parallel_loop3A_540 = arith.constant 1 : i32
        %parallel_loop3A_541 = arith.index_cast %parallel_loop3A_540 : i32 to index
        %parallel_loop3A_542 = arith.index_cast %parallel_loop3A_462 : i32 to index
        %parallel_loop3A_543 = arith.constant 48 : index
        %parallel_loop3A_544 = tpu.vector_load %arg9[%parallel_loop3A_541, %parallel_loop3A_542, %parallel_loop3A_543] {strides = array<i32>} : memref<4x64x128xf32, #tpu.memory_space<vmem>>, vector<1x1x16xf32>,
        %parallel_loop3A_545 = vector.shape_cast %parallel_loop3A_544 : vector<1x1x16xf32> to vector<16xf32>
        %parallel_loop3A_546 = vector.shape_cast %parallel_loop3A_539 : vector<16xf32> to vector<1x1x16xf32>
        tpu.vector_store %arg9[%parallel_loop3A_541, %parallel_loop3A_542, %parallel_loop3A_543], %parallel_loop3A_546 {strides = array<i32>} : memref<4x64x128xf32, #tpu.memory_space<vmem>>, vector<1x1x16xf32>,
        %parallel_loop3A_547 = arith.constant 1 : i32
        %parallel_loop3A_548 = arith.index_cast %parallel_loop3A_547 : i32 to index
        %parallel_loop3A_549 = arith.index_cast %parallel_loop3A_462 : i32 to index
        %parallel_loop3A_550 = arith.constant 64 : index
        %parallel_loop3A_551 = tpu.vector_load %arg8[%parallel_loop3A_548, %parallel_loop3A_549, %parallel_loop3A_550] {strides = array<i32>} : memref<4x64x128xf32, #tpu.memory_space<vmem>>, vector<1x1x16xf32>,
        %parallel_loop3A_552 = vector.shape_cast %parallel_loop3A_551 : vector<1x1x16xf32> to vector<16xf32>
        %parallel_loop3A_553 = arith.constant 2.000000e+00 : f32
        %parallel_loop3A_554 = vector.broadcast %parallel_loop3A_553 : f32 to vector<16xf32>
        %parallel_loop3A_555 = arith.mulf %parallel_loop3A_552, %parallel_loop3A_554 : vector<16xf32>
        %parallel_loop3A_556 = arith.index_cast %parallel_loop3A_462 : i32 to index
        %parallel_loop3A_557 = arith.constant 64 : index
        %parallel_loop3A_558 = tpu.vector_load %arg7[%parallel_loop3A_556, %parallel_loop3A_557] {strides = array<i32>} : memref<64x128xf32, #tpu.memory_space<vmem>>, vector<1x16xf32>,
        %parallel_loop3A_559 = vector.shape_cast %parallel_loop3A_558 : vector<1x16xf32> to vector<16xf32>
        %parallel_loop3A_560 = arith.addf %parallel_loop3A_555, %parallel_loop3A_559 : vector<16xf32>
        %parallel_loop3A_561 = arith.constant 1 : i32
        %parallel_loop3A_562 = arith.index_cast %parallel_loop3A_561 : i32 to index
        %parallel_loop3A_563 = arith.index_cast %parallel_loop3A_462 : i32 to index
        %parallel_loop3A_564 = arith.constant 64 : index
        %parallel_loop3A_565 = tpu.vector_load %arg9[%parallel_loop3A_562, %parallel_loop3A_563, %parallel_loop3A_564] {strides = array<i32>} : memref<4x64x128xf32, #tpu.memory_space<vmem>>, vector<1x1x16xf32>,
        %parallel_loop3A_566 = vector.shape_cast %parallel_loop3A_565 : vector<1x1x16xf32> to vector<16xf32>
        %parallel_loop3A_567 = vector.shape_cast %parallel_loop3A_560 : vector<16xf32> to vector<1x1x16xf32>
        tpu.vector_store %arg9[%parallel_loop3A_562, %parallel_loop3A_563, %parallel_loop3A_564], %parallel_loop3A_567 {strides = array<i32>} : memref<4x64x128xf32, #tpu.memory_space<vmem>>, vector<1x1x16xf32>,
        %parallel_loop3A_568 = arith.constant 1 : i32
        %parallel_loop3A_569 = arith.index_cast %parallel_loop3A_568 : i32 to index
        %parallel_loop3A_570 = arith.index_cast %parallel_loop3A_462 : i32 to index
        %parallel_loop3A_571 = arith.constant 80 : index
        %parallel_loop3A_572 = tpu.vector_load %arg8[%parallel_loop3A_569, %parallel_loop3A_570, %parallel_loop3A_571] {strides = array<i32>} : memref<4x64x128xf32, #tpu.memory_space<vmem>>, vector<1x1x16xf32>,
        %parallel_loop3A_573 = vector.shape_cast %parallel_loop3A_572 : vector<1x1x16xf32> to vector<16xf32>
        %parallel_loop3A_574 = arith.constant 2.000000e+00 : f32
        %parallel_loop3A_575 = vector.broadcast %parallel_loop3A_574 : f32 to vector<16xf32>
        %parallel_loop3A_576 = arith.mulf %parallel_loop3A_573, %parallel_loop3A_575 : vector<16xf32>
        %parallel_loop3A_577 = arith.index_cast %parallel_loop3A_462 : i32 to index
        %parallel_loop3A_578 = arith.constant 80 : index
        %parallel_loop3A_579 = tpu.vector_load %arg7[%parallel_loop3A_577, %parallel_loop3A_578] {strides = array<i32>} : memref<64x128xf32, #tpu.memory_space<vmem>>, vector<1x16xf32>,
        %parallel_loop3A_580 = vector.shape_cast %parallel_loop3A_579 : vector<1x16xf32> to vector<16xf32>
        %parallel_loop3A_581 = arith.addf %parallel_loop3A_576, %parallel_loop3A_580 : vector<16xf32>
        %parallel_loop3A_582 = arith.constant 1 : i32
        %parallel_loop3A_583 = arith.index_cast %parallel_loop3A_582 : i32 to index
        %parallel_loop3A_584 = arith.index_cast %parallel_loop3A_462 : i32 to index
        %parallel_loop3A_585 = arith.constant 80 : index
        %parallel_loop3A_586 = tpu.vector_load %arg9[%parallel_loop3A_583, %parallel_loop3A_584, %parallel_loop3A_585] {strides = array<i32>} : memref<4x64x128xf32, #tpu.memory_space<vmem>>, vector<1x1x16xf32>,
        %parallel_loop3A_587 = vector.shape_cast %parallel_loop3A_586 : vector<1x1x16xf32> to vector<16xf32>
        %parallel_loop3A_588 = vector.shape_cast %parallel_loop3A_581 : vector<16xf32> to vector<1x1x16xf32>
        tpu.vector_store %arg9[%parallel_loop3A_583, %parallel_loop3A_584, %parallel_loop3A_585], %parallel_loop3A_588 {strides = array<i32>} : memref<4x64x128xf32, #tpu.memory_space<vmem>>, vector<1x1x16xf32>,
        %parallel_loop3A_589 = arith.constant 1 : i32
        %parallel_loop3A_590 = arith.index_cast %parallel_loop3A_589 : i32 to index
        %parallel_loop3A_591 = arith.index_cast %parallel_loop3A_462 : i32 to index
        %parallel_loop3A_592 = arith.constant 96 : index
        %parallel_loop3A_593 = tpu.vector_load %arg8[%parallel_loop3A_590, %parallel_loop3A_591, %parallel_loop3A_592] {strides = array<i32>} : memref<4x64x128xf32, #tpu.memory_space<vmem>>, vector<1x1x16xf32>,
        %parallel_loop3A_594 = vector.shape_cast %parallel_loop3A_593 : vector<1x1x16xf32> to vector<16xf32>
        %parallel_loop3A_595 = arith.constant 2.000000e+00 : f32
        %parallel_loop3A_596 = vector.broadcast %parallel_loop3A_595 : f32 to vector<16xf32>
        %parallel_loop3A_597 = arith.mulf %parallel_loop3A_594, %parallel_loop3A_596 : vector<16xf32>
        %parallel_loop3A_598 = arith.index_cast %parallel_loop3A_462 : i32 to index
        %parallel_loop3A_599 = arith.constant 96 : index
        %parallel_loop3A_600 = tpu.vector_load %arg7[%parallel_loop3A_598, %parallel_loop3A_599] {strides = array<i32>} : memref<64x128xf32, #tpu.memory_space<vmem>>, vector<1x16xf32>,
        %parallel_loop3A_601 = vector.shape_cast %parallel_loop3A_600 : vector<1x16xf32> to vector<16xf32>
        %parallel_loop3A_602 = arith.addf %parallel_loop3A_597, %parallel_loop3A_601 : vector<16xf32>
        %parallel_loop3A_603 = arith.constant 1 : i32
        %parallel_loop3A_604 = arith.index_cast %parallel_loop3A_603 : i32 to index
        %parallel_loop3A_605 = arith.index_cast %parallel_loop3A_462 : i32 to index
        %parallel_loop3A_606 = arith.constant 96 : index
        %parallel_loop3A_607 = tpu.vector_load %arg9[%parallel_loop3A_604, %parallel_loop3A_605, %parallel_loop3A_606] {strides = array<i32>} : memref<4x64x128xf32, #tpu.memory_space<vmem>>, vector<1x1x16xf32>,
        %parallel_loop3A_608 = vector.shape_cast %parallel_loop3A_607 : vector<1x1x16xf32> to vector<16xf32>
        %parallel_loop3A_609 = vector.shape_cast %parallel_loop3A_602 : vector<16xf32> to vector<1x1x16xf32>
        tpu.vector_store %arg9[%parallel_loop3A_604, %parallel_loop3A_605, %parallel_loop3A_606], %parallel_loop3A_609 {strides = array<i32>} : memref<4x64x128xf32, #tpu.memory_space<vmem>>, vector<1x1x16xf32>,
        %parallel_loop3A_610 = arith.constant 1 : i32
        %parallel_loop3A_611 = arith.index_cast %parallel_loop3A_610 : i32 to index
        %parallel_loop3A_612 = arith.index_cast %parallel_loop3A_462 : i32 to index
        %parallel_loop3A_613 = arith.constant 112 : index
        %parallel_loop3A_614 = tpu.vector_load %arg8[%parallel_loop3A_611, %parallel_loop3A_612, %parallel_loop3A_613] {strides = array<i32>} : memref<4x64x128xf32, #tpu.memory_space<vmem>>, vector<1x1x16xf32>,
        %parallel_loop3A_615 = vector.shape_cast %parallel_loop3A_614 : vector<1x1x16xf32> to vector<16xf32>
        %parallel_loop3A_616 = arith.constant 2.000000e+00 : f32
        %parallel_loop3A_617 = vector.broadcast %parallel_loop3A_616 : f32 to vector<16xf32>
        %parallel_loop3A_618 = arith.mulf %parallel_loop3A_615, %parallel_loop3A_617 : vector<16xf32>
        %parallel_loop3A_619 = arith.index_cast %parallel_loop3A_462 : i32 to index
        %parallel_loop3A_620 = arith.constant 112 : index
        %parallel_loop3A_621 = tpu.vector_load %arg7[%parallel_loop3A_619, %parallel_loop3A_620] {strides = array<i32>} : memref<64x128xf32, #tpu.memory_space<vmem>>, vector<1x16xf32>,
        %parallel_loop3A_622 = vector.shape_cast %parallel_loop3A_621 : vector<1x16xf32> to vector<16xf32>
        %parallel_loop3A_623 = arith.addf %parallel_loop3A_618, %parallel_loop3A_622 : vector<16xf32>
        %parallel_loop3A_624 = arith.constant 1 : i32
        %parallel_loop3A_625 = arith.index_cast %parallel_loop3A_624 : i32 to index
        %parallel_loop3A_626 = arith.index_cast %parallel_loop3A_462 : i32 to index
        %parallel_loop3A_627 = arith.constant 112 : index
        %parallel_loop3A_628 = tpu.vector_load %arg9[%parallel_loop3A_625, %parallel_loop3A_626, %parallel_loop3A_627] {strides = array<i32>} : memref<4x64x128xf32, #tpu.memory_space<vmem>>, vector<1x1x16xf32>,
        %parallel_loop3A_629 = vector.shape_cast %parallel_loop3A_628 : vector<1x1x16xf32> to vector<16xf32>
        %parallel_loop3A_630 = vector.shape_cast %parallel_loop3A_623 : vector<16xf32> to vector<1x1x16xf32>
        tpu.vector_store %arg9[%parallel_loop3A_625, %parallel_loop3A_626, %parallel_loop3A_627], %parallel_loop3A_630 {strides = array<i32>} : memref<4x64x128xf32, #tpu.memory_space<vmem>>, vector<1x1x16xf32>,
      } {sc.loop_unroll_factor = 2 : i64, sc.parallel_access}
      %dma_start3A_337 = arith.constant 1 : i32
      %dma_start3A_338 = arith.constant 1 : i32
      %dma_start3A_339 = arith.constant 0 : i32
      %dma_start3A_340 = arith.constant 0 : i32
      %dma_start3A_341 = tpu.memref_slice %arg9[%dma_start3A_337, %dma_start3A_339, %dma_start3A_340] : memref<4x64x128xf32, #tpu.memory_space<vmem>> -> memref<1x64x128xf32, #tpu.memory_space<vmem>>
      %dma_start3A_342 = tpu.memref_squeeze %dma_start3A_341 : memref<1x64x128xf32, #tpu.memory_space<vmem>> -> memref<64x128xf32, #tpu.memory_space<vmem>>
      %dma_start3A_343 = arith.constant 0 : i32
      %dma_start3A_344 = tpu.memref_slice %arg5[%add3A_315, %multiple_of3A, %dma_start3A_343] : memref<32x2048x128xf32, #tpu.memory_space<hbm>> -> memref<1x64x128xf32, #tpu.memory_space<hbm>>
      %dma_start3A_345 = tpu.memref_squeeze %dma_start3A_344 : memref<1x64x128xf32, #tpu.memory_space<hbm>> -> memref<64x128xf32, #tpu.memory_space<hbm>>
      %dma_start3A_346 = tpu.memref_slice %arg11[%dma_start3A_338] : memref<4x!tpu.dma_semaphore, #tpu.memory_space<semaphore_mem>> -> memref<1x!tpu.dma_semaphore, #tpu.memory_space<semaphore_mem>>
      %dma_start3A_347 = tpu.memref_squeeze %dma_start3A_346 : memref<1x!tpu.dma_semaphore, #tpu.memory_space<semaphore_mem>> -> memref<!tpu.dma_semaphore, #tpu.memory_space<semaphore_mem>>
      %dma_start3A_348 = arith.constant 0 : i32
      %dma_start3A_349 = tpu.memref_slice %arg5[%add3A_315, %multiple_of3A, %dma_start3A_348] : memref<32x2048x128xf32, #tpu.memory_space<hbm>> -> memref<1x64x128xf32, #tpu.memory_space<hbm>>
      %dma_start3A_350 = tpu.memref_squeeze %dma_start3A_349 : memref<1x64x128xf32, #tpu.memory_space<hbm>> -> memref<64x128xf32, #tpu.memory_space<hbm>>
      %dma_start3A_351 = arith.constant 0 : i32
      %dma_start3A_352 = arith.constant 0 : i32
      %dma_start3A_353 = tpu.memref_slice %arg9[%dma_start3A_337, %dma_start3A_351, %dma_start3A_352] : memref<4x64x128xf32, #tpu.memory_space<vmem>> -> memref<1x64x128xf32, #tpu.memory_space<vmem>>
      %dma_start3A_354 = tpu.memref_squeeze %dma_start3A_353 : memref<1x64x128xf32, #tpu.memory_space<vmem>> -> memref<64x128xf32, #tpu.memory_space<vmem>>
      tpu.enqueue_dma source(%dma_start3A_354 : memref<64x128xf32, #tpu.memory_space<vmem>>) target(%dma_start3A_350 : memref<64x128xf32, #tpu.memory_space<hbm>>) target_semaphore(%dma_start3A_347 : memref<!tpu.dma_semaphore, #tpu.memory_space<semaphore_mem>>)
      %add3A_355 = arith.constant 4 : i32
      %add3A_356 = arith.addi %add3A_315, %add3A_355 : i32
      %lt3A_357 = arith.constant 32 : i32
      %lt3A_358 = arith.cmpi slt, %add3A_356, %lt3A_357 : i32
      %convert_element_type3A_359 = arith.extui %lt3A_358 : i1 to i32
      %cond3A_360 = arith.constant 0 : i32
      %cond3A_361 = arith.cmpi ne, %convert_element_type3A_359, %cond3A_360 : i32
      scf.if %cond3A_361 {
        %dma_start3A_462 = arith.constant 1 : i32
        %dma_start3A_463 = arith.constant 1 : i32
        %dma_start3A_464 = arith.constant 0 : i32
        %dma_start3A_465 = arith.constant 0 : i32
        %dma_start3A_466 = tpu.memref_slice %arg8[%dma_start3A_462, %dma_start3A_464, %dma_start3A_465] : memref<4x64x128xf32, #tpu.memory_space<vmem>> -> memref<1x64x128xf32, #tpu.memory_space<vmem>>
        %dma_start3A_467 = tpu.memref_squeeze %dma_start3A_466 : memref<1x64x128xf32, #tpu.memory_space<vmem>> -> memref<64x128xf32, #tpu.memory_space<vmem>>
        %dma_start3A_468 = tpu.memref_slice %arg6[%add3A_356, %sub3A_22] : memref<32x128xi32, #tpu.memory_space<vmem>> -> memref<1x64xi32, #tpu.memory_space<vmem>>
        %dma_start3A_469 = tpu.memref_squeeze %dma_start3A_468 : memref<1x64xi32, #tpu.memory_space<vmem>> -> memref<64xi32, #tpu.memory_space<vmem>>
        %dma_start3A_470 = arith.constant 0 : i32
        %dma_start3A_471 = arith.constant 0 : i32
        %dma_start3A_472 = tpu.memref_slice %arg3[%dma_start3A_470, %dma_start3A_471] : memref<100000x128xf32, #tpu.memory_space<hbm>> -> memref<100000x128xf32, #tpu.memory_space<hbm>>
        %dma_start3A_473 = tpu.memref_slice %arg10[%dma_start3A_463] : memref<4x!tpu.dma_semaphore, #tpu.memory_space<semaphore_mem>> -> memref<1x!tpu.dma_semaphore, #tpu.memory_space<semaphore_mem>>
        %dma_start3A_474 = tpu.memref_squeeze %dma_start3A_473 : memref<1x!tpu.dma_semaphore, #tpu.memory_space<semaphore_mem>> -> memref<!tpu.dma_semaphore, #tpu.memory_space<semaphore_mem>>
        tpu.enqueue_indirect_dma source(%dma_start3A_472 : memref<100000x128xf32, #tpu.memory_space<hbm>>) target(%dma_start3A_467 : memref<64x128xf32, #tpu.memory_space<vmem>>) offsets(%dma_start3A_469 : memref<64xi32, #tpu.memory_space<vmem>>) semaphore(%dma_start3A_474 : memref<!tpu.dma_semaphore, #tpu.memory_space<semaphore_mem>>)
      } else {
      }
      %mul3A_362 = arith.constant 4 : i32
      %mul3A_363 = arith.muli %scan3A_266, %mul3A_362 : i32
      %add3A_364 = arith.constant 2 : i32
      %add3A_365 = arith.addi %mul3A_363, %add3A_364 : i32
      %dma_wait3A_366 = arith.constant 2 : i32
      %dma_wait3A_367 = arith.constant 2 : i32
      %dma_wait3A_368 = arith.constant 0 : i32
      %dma_wait3A_369 = arith.constant 0 : i32
      %dma_wait3A_370 = tpu.memref_slice %arg8[%dma_wait3A_366, %dma_wait3A_368, %dma_wait3A_369] : memref<4x64x128xf32, #tpu.memory_space<vmem>> -> memref<1x64x128xf32, #tpu.memory_space<vmem>>
      %dma_wait3A_371 = tpu.memref_squeeze %dma_wait3A_370 : memref<1x64x128xf32, #tpu.memory_space<vmem>> -> memref<64x128xf32, #tpu.memory_space<vmem>>
      %dma_wait3A_372 = tpu.memref_slice %arg6[%add3A_365, %sub3A_22] : memref<32x128xi32, #tpu.memory_space<vmem>> -> memref<1x64xi32, #tpu.memory_space<vmem>>
      %dma_wait3A_373 = tpu.memref_squeeze %dma_wait3A_372 : memref<1x64xi32, #tpu.memory_space<vmem>> -> memref<64xi32, #tpu.memory_space<vmem>>
      %dma_wait3A_374 = arith.constant 0 : i32
      %dma_wait3A_375 = arith.constant 0 : i32
      %dma_wait3A_376 = tpu.memref_slice %arg3[%dma_wait3A_374, %dma_wait3A_375] : memref<100000x128xf32, #tpu.memory_space<hbm>> -> memref<100000x128xf32, #tpu.memory_space<hbm>>
      %dma_wait3A_377 = tpu.memref_slice %arg10[%dma_wait3A_367] : memref<4x!tpu.dma_semaphore, #tpu.memory_space<semaphore_mem>> -> memref<1x!tpu.dma_semaphore, #tpu.memory_space<semaphore_mem>>
      %dma_wait3A_378 = tpu.memref_squeeze %dma_wait3A_377 : memref<1x!tpu.dma_semaphore, #tpu.memory_space<semaphore_mem>> -> memref<!tpu.dma_semaphore, #tpu.memory_space<semaphore_mem>>
      tpu.wait_indirect_dma semaphore(%dma_wait3A_378 : memref<!tpu.dma_semaphore, #tpu.memory_space<semaphore_mem>>) src(%dma_wait3A_376 : memref<100000x128xf32, #tpu.memory_space<hbm>>) dst(%dma_wait3A_371 : memref<64x128xf32, #tpu.memory_space<vmem>>)
      %ge3A_379 = arith.constant 4 : i32
      %ge3A_380 = arith.cmpi sge, %add3A_365, %ge3A_379 : i32
      %convert_element_type3A_381 = arith.extui %ge3A_380 : i1 to i32
      %cond3A_382 = arith.constant 0 : i32
      %cond3A_383 = arith.cmpi ne, %convert_element_type3A_381, %cond3A_382 : i32
      scf.if %cond3A_383 {
        %dma_wait3A_462 = arith.constant 2 : i32
        %dma_wait3A_463 = arith.constant 2 : i32
        %dma_wait3A_464 = arith.constant 0 : i32
        %dma_wait3A_465 = arith.constant 0 : i32
        %dma_wait3A_466 = tpu.memref_slice %arg9[%dma_wait3A_462, %dma_wait3A_464, %dma_wait3A_465] : memref<4x64x128xf32, #tpu.memory_space<vmem>> -> memref<1x64x128xf32, #tpu.memory_space<vmem>>
        %dma_wait3A_467 = tpu.memref_squeeze %dma_wait3A_466 : memref<1x64x128xf32, #tpu.memory_space<vmem>> -> memref<64x128xf32, #tpu.memory_space<vmem>>
        %dma_wait3A_468 = arith.constant 0 : i32
        %dma_wait3A_469 = tpu.memref_slice %arg5[%add3A_365, %multiple_of3A, %dma_wait3A_468] : memref<32x2048x128xf32, #tpu.memory_space<hbm>> -> memref<1x64x128xf32, #tpu.memory_space<hbm>>
        %dma_wait3A_470 = tpu.memref_squeeze %dma_wait3A_469 : memref<1x64x128xf32, #tpu.memory_space<hbm>> -> memref<64x128xf32, #tpu.memory_space<hbm>>
        %dma_wait3A_471 = tpu.memref_slice %arg11[%dma_wait3A_463] : memref<4x!tpu.dma_semaphore, #tpu.memory_space<semaphore_mem>> -> memref<1x!tpu.dma_semaphore, #tpu.memory_space<semaphore_mem>>
        %dma_wait3A_472 = tpu.memref_squeeze %dma_wait3A_471 : memref<1x!tpu.dma_semaphore, #tpu.memory_space<semaphore_mem>> -> memref<!tpu.dma_semaphore, #tpu.memory_space<semaphore_mem>>
        %dma_wait3A_473 = arith.constant 0 : i32
        %dma_wait3A_474 = tpu.memref_slice %arg5[%add3A_365, %multiple_of3A, %dma_wait3A_473] : memref<32x2048x128xf32, #tpu.memory_space<hbm>> -> memref<1x64x128xf32, #tpu.memory_space<hbm>>
        %dma_wait3A_475 = tpu.memref_squeeze %dma_wait3A_474 : memref<1x64x128xf32, #tpu.memory_space<hbm>> -> memref<64x128xf32, #tpu.memory_space<hbm>>
        %dma_wait3A_476 = arith.constant 0 : i32
        %dma_wait3A_477 = arith.constant 0 : i32
        %dma_wait3A_478 = tpu.memref_slice %arg9[%dma_wait3A_462, %dma_wait3A_476, %dma_wait3A_477] : memref<4x64x128xf32, #tpu.memory_space<vmem>> -> memref<1x64x128xf32, #tpu.memory_space<vmem>>
        %dma_wait3A_479 = tpu.memref_squeeze %dma_wait3A_478 : memref<1x64x128xf32, #tpu.memory_space<vmem>> -> memref<64x128xf32, #tpu.memory_space<vmem>>
        tpu.wait_dma2 semaphore(%dma_wait3A_472 : memref<!tpu.dma_semaphore, #tpu.memory_space<semaphore_mem>>) src(%dma_wait3A_479 : memref<64x128xf32, #tpu.memory_space<vmem>>) dst(%dma_wait3A_475 : memref<64x128xf32, #tpu.memory_space<hbm>>)
      } else {
      }
      %parallel_loop3A_384 = arith.constant 0 : i32
      %parallel_loop3A_385 = arith.constant 64 : i32
      %parallel_loop3A_386 = arith.constant 1 : i32
      scf.for %parallel_loop3A_462 = %parallel_loop3A_384 to %parallel_loop3A_385 step %parallel_loop3A_386  : i32 {
        %parallel_loop3A_463 = arith.constant 2 : i32
        %parallel_loop3A_464 = arith.index_cast %parallel_loop3A_463 : i32 to index
        %parallel_loop3A_465 = arith.index_cast %parallel_loop3A_462 : i32 to index
        %parallel_loop3A_466 = arith.constant 0 : index
        %parallel_loop3A_467 = tpu.vector_load %arg8[%parallel_loop3A_464, %parallel_loop3A_465, %parallel_loop3A_466] {strides = array<i32>} : memref<4x64x128xf32, #tpu.memory_space<vmem>>, vector<1x1x16xf32>,
        %parallel_loop3A_468 = vector.shape_cast %parallel_loop3A_467 : vector<1x1x16xf32> to vector<16xf32>
        %parallel_loop3A_469 = arith.constant 2.000000e+00 : f32
        %parallel_loop3A_470 = vector.broadcast %parallel_loop3A_469 : f32 to vector<16xf32>
        %parallel_loop3A_471 = arith.mulf %parallel_loop3A_468, %parallel_loop3A_470 : vector<16xf32>
        %parallel_loop3A_472 = arith.index_cast %parallel_loop3A_462 : i32 to index
        %parallel_loop3A_473 = arith.constant 0 : index
        %parallel_loop3A_474 = tpu.vector_load %arg7[%parallel_loop3A_472, %parallel_loop3A_473] {strides = array<i32>} : memref<64x128xf32, #tpu.memory_space<vmem>>, vector<1x16xf32>,
        %parallel_loop3A_475 = vector.shape_cast %parallel_loop3A_474 : vector<1x16xf32> to vector<16xf32>
        %parallel_loop3A_476 = arith.addf %parallel_loop3A_471, %parallel_loop3A_475 : vector<16xf32>
        %parallel_loop3A_477 = arith.constant 2 : i32
        %parallel_loop3A_478 = arith.index_cast %parallel_loop3A_477 : i32 to index
        %parallel_loop3A_479 = arith.index_cast %parallel_loop3A_462 : i32 to index
        %parallel_loop3A_480 = arith.constant 0 : index
        %parallel_loop3A_481 = tpu.vector_load %arg9[%parallel_loop3A_478, %parallel_loop3A_479, %parallel_loop3A_480] {strides = array<i32>} : memref<4x64x128xf32, #tpu.memory_space<vmem>>, vector<1x1x16xf32>,
        %parallel_loop3A_482 = vector.shape_cast %parallel_loop3A_481 : vector<1x1x16xf32> to vector<16xf32>
        %parallel_loop3A_483 = vector.shape_cast %parallel_loop3A_476 : vector<16xf32> to vector<1x1x16xf32>
        tpu.vector_store %arg9[%parallel_loop3A_478, %parallel_loop3A_479, %parallel_loop3A_480], %parallel_loop3A_483 {strides = array<i32>} : memref<4x64x128xf32, #tpu.memory_space<vmem>>, vector<1x1x16xf32>,
        %parallel_loop3A_484 = arith.constant 2 : i32
        %parallel_loop3A_485 = arith.index_cast %parallel_loop3A_484 : i32 to index
        %parallel_loop3A_486 = arith.index_cast %parallel_loop3A_462 : i32 to index
        %parallel_loop3A_487 = arith.constant 16 : index
        %parallel_loop3A_488 = tpu.vector_load %arg8[%parallel_loop3A_485, %parallel_loop3A_486, %parallel_loop3A_487] {strides = array<i32>} : memref<4x64x128xf32, #tpu.memory_space<vmem>>, vector<1x1x16xf32>,
        %parallel_loop3A_489 = vector.shape_cast %parallel_loop3A_488 : vector<1x1x16xf32> to vector<16xf32>
        %parallel_loop3A_490 = arith.constant 2.000000e+00 : f32
        %parallel_loop3A_491 = vector.broadcast %parallel_loop3A_490 : f32 to vector<16xf32>
        %parallel_loop3A_492 = arith.mulf %parallel_loop3A_489, %parallel_loop3A_491 : vector<16xf32>
        %parallel_loop3A_493 = arith.index_cast %parallel_loop3A_462 : i32 to index
        %parallel_loop3A_494 = arith.constant 16 : index
        %parallel_loop3A_495 = tpu.vector_load %arg7[%parallel_loop3A_493, %parallel_loop3A_494] {strides = array<i32>} : memref<64x128xf32, #tpu.memory_space<vmem>>, vector<1x16xf32>,
        %parallel_loop3A_496 = vector.shape_cast %parallel_loop3A_495 : vector<1x16xf32> to vector<16xf32>
        %parallel_loop3A_497 = arith.addf %parallel_loop3A_492, %parallel_loop3A_496 : vector<16xf32>
        %parallel_loop3A_498 = arith.constant 2 : i32
        %parallel_loop3A_499 = arith.index_cast %parallel_loop3A_498 : i32 to index
        %parallel_loop3A_500 = arith.index_cast %parallel_loop3A_462 : i32 to index
        %parallel_loop3A_501 = arith.constant 16 : index
        %parallel_loop3A_502 = tpu.vector_load %arg9[%parallel_loop3A_499, %parallel_loop3A_500, %parallel_loop3A_501] {strides = array<i32>} : memref<4x64x128xf32, #tpu.memory_space<vmem>>, vector<1x1x16xf32>,
        %parallel_loop3A_503 = vector.shape_cast %parallel_loop3A_502 : vector<1x1x16xf32> to vector<16xf32>
        %parallel_loop3A_504 = vector.shape_cast %parallel_loop3A_497 : vector<16xf32> to vector<1x1x16xf32>
        tpu.vector_store %arg9[%parallel_loop3A_499, %parallel_loop3A_500, %parallel_loop3A_501], %parallel_loop3A_504 {strides = array<i32>} : memref<4x64x128xf32, #tpu.memory_space<vmem>>, vector<1x1x16xf32>,
        %parallel_loop3A_505 = arith.constant 2 : i32
        %parallel_loop3A_506 = arith.index_cast %parallel_loop3A_505 : i32 to index
        %parallel_loop3A_507 = arith.index_cast %parallel_loop3A_462 : i32 to index
        %parallel_loop3A_508 = arith.constant 32 : index
        %parallel_loop3A_509 = tpu.vector_load %arg8[%parallel_loop3A_506, %parallel_loop3A_507, %parallel_loop3A_508] {strides = array<i32>} : memref<4x64x128xf32, #tpu.memory_space<vmem>>, vector<1x1x16xf32>,
        %parallel_loop3A_510 = vector.shape_cast %parallel_loop3A_509 : vector<1x1x16xf32> to vector<16xf32>
        %parallel_loop3A_511 = arith.constant 2.000000e+00 : f32
        %parallel_loop3A_512 = vector.broadcast %parallel_loop3A_511 : f32 to vector<16xf32>
        %parallel_loop3A_513 = arith.mulf %parallel_loop3A_510, %parallel_loop3A_512 : vector<16xf32>
        %parallel_loop3A_514 = arith.index_cast %parallel_loop3A_462 : i32 to index
        %parallel_loop3A_515 = arith.constant 32 : index
        %parallel_loop3A_516 = tpu.vector_load %arg7[%parallel_loop3A_514, %parallel_loop3A_515] {strides = array<i32>} : memref<64x128xf32, #tpu.memory_space<vmem>>, vector<1x16xf32>,
        %parallel_loop3A_517 = vector.shape_cast %parallel_loop3A_516 : vector<1x16xf32> to vector<16xf32>
        %parallel_loop3A_518 = arith.addf %parallel_loop3A_513, %parallel_loop3A_517 : vector<16xf32>
        %parallel_loop3A_519 = arith.constant 2 : i32
        %parallel_loop3A_520 = arith.index_cast %parallel_loop3A_519 : i32 to index
        %parallel_loop3A_521 = arith.index_cast %parallel_loop3A_462 : i32 to index
        %parallel_loop3A_522 = arith.constant 32 : index
        %parallel_loop3A_523 = tpu.vector_load %arg9[%parallel_loop3A_520, %parallel_loop3A_521, %parallel_loop3A_522] {strides = array<i32>} : memref<4x64x128xf32, #tpu.memory_space<vmem>>, vector<1x1x16xf32>,
        %parallel_loop3A_524 = vector.shape_cast %parallel_loop3A_523 : vector<1x1x16xf32> to vector<16xf32>
        %parallel_loop3A_525 = vector.shape_cast %parallel_loop3A_518 : vector<16xf32> to vector<1x1x16xf32>
        tpu.vector_store %arg9[%parallel_loop3A_520, %parallel_loop3A_521, %parallel_loop3A_522], %parallel_loop3A_525 {strides = array<i32>} : memref<4x64x128xf32, #tpu.memory_space<vmem>>, vector<1x1x16xf32>,
        %parallel_loop3A_526 = arith.constant 2 : i32
        %parallel_loop3A_527 = arith.index_cast %parallel_loop3A_526 : i32 to index
        %parallel_loop3A_528 = arith.index_cast %parallel_loop3A_462 : i32 to index
        %parallel_loop3A_529 = arith.constant 48 : index
        %parallel_loop3A_530 = tpu.vector_load %arg8[%parallel_loop3A_527, %parallel_loop3A_528, %parallel_loop3A_529] {strides = array<i32>} : memref<4x64x128xf32, #tpu.memory_space<vmem>>, vector<1x1x16xf32>,
        %parallel_loop3A_531 = vector.shape_cast %parallel_loop3A_530 : vector<1x1x16xf32> to vector<16xf32>
        %parallel_loop3A_532 = arith.constant 2.000000e+00 : f32
        %parallel_loop3A_533 = vector.broadcast %parallel_loop3A_532 : f32 to vector<16xf32>
        %parallel_loop3A_534 = arith.mulf %parallel_loop3A_531, %parallel_loop3A_533 : vector<16xf32>
        %parallel_loop3A_535 = arith.index_cast %parallel_loop3A_462 : i32 to index
        %parallel_loop3A_536 = arith.constant 48 : index
        %parallel_loop3A_537 = tpu.vector_load %arg7[%parallel_loop3A_535, %parallel_loop3A_536] {strides = array<i32>} : memref<64x128xf32, #tpu.memory_space<vmem>>, vector<1x16xf32>,
        %parallel_loop3A_538 = vector.shape_cast %parallel_loop3A_537 : vector<1x16xf32> to vector<16xf32>
        %parallel_loop3A_539 = arith.addf %parallel_loop3A_534, %parallel_loop3A_538 : vector<16xf32>
        %parallel_loop3A_540 = arith.constant 2 : i32
        %parallel_loop3A_541 = arith.index_cast %parallel_loop3A_540 : i32 to index
        %parallel_loop3A_542 = arith.index_cast %parallel_loop3A_462 : i32 to index
        %parallel_loop3A_543 = arith.constant 48 : index
        %parallel_loop3A_544 = tpu.vector_load %arg9[%parallel_loop3A_541, %parallel_loop3A_542, %parallel_loop3A_543] {strides = array<i32>} : memref<4x64x128xf32, #tpu.memory_space<vmem>>, vector<1x1x16xf32>,
        %parallel_loop3A_545 = vector.shape_cast %parallel_loop3A_544 : vector<1x1x16xf32> to vector<16xf32>
        %parallel_loop3A_546 = vector.shape_cast %parallel_loop3A_539 : vector<16xf32> to vector<1x1x16xf32>
        tpu.vector_store %arg9[%parallel_loop3A_541, %parallel_loop3A_542, %parallel_loop3A_543], %parallel_loop3A_546 {strides = array<i32>} : memref<4x64x128xf32, #tpu.memory_space<vmem>>, vector<1x1x16xf32>,
        %parallel_loop3A_547 = arith.constant 2 : i32
        %parallel_loop3A_548 = arith.index_cast %parallel_loop3A_547 : i32 to index
        %parallel_loop3A_549 = arith.index_cast %parallel_loop3A_462 : i32 to index
        %parallel_loop3A_550 = arith.constant 64 : index
        %parallel_loop3A_551 = tpu.vector_load %arg8[%parallel_loop3A_548, %parallel_loop3A_549, %parallel_loop3A_550] {strides = array<i32>} : memref<4x64x128xf32, #tpu.memory_space<vmem>>, vector<1x1x16xf32>,
        %parallel_loop3A_552 = vector.shape_cast %parallel_loop3A_551 : vector<1x1x16xf32> to vector<16xf32>
        %parallel_loop3A_553 = arith.constant 2.000000e+00 : f32
        %parallel_loop3A_554 = vector.broadcast %parallel_loop3A_553 : f32 to vector<16xf32>
        %parallel_loop3A_555 = arith.mulf %parallel_loop3A_552, %parallel_loop3A_554 : vector<16xf32>
        %parallel_loop3A_556 = arith.index_cast %parallel_loop3A_462 : i32 to index
        %parallel_loop3A_557 = arith.constant 64 : index
        %parallel_loop3A_558 = tpu.vector_load %arg7[%parallel_loop3A_556, %parallel_loop3A_557] {strides = array<i32>} : memref<64x128xf32, #tpu.memory_space<vmem>>, vector<1x16xf32>,
        %parallel_loop3A_559 = vector.shape_cast %parallel_loop3A_558 : vector<1x16xf32> to vector<16xf32>
        %parallel_loop3A_560 = arith.addf %parallel_loop3A_555, %parallel_loop3A_559 : vector<16xf32>
        %parallel_loop3A_561 = arith.constant 2 : i32
        %parallel_loop3A_562 = arith.index_cast %parallel_loop3A_561 : i32 to index
        %parallel_loop3A_563 = arith.index_cast %parallel_loop3A_462 : i32 to index
        %parallel_loop3A_564 = arith.constant 64 : index
        %parallel_loop3A_565 = tpu.vector_load %arg9[%parallel_loop3A_562, %parallel_loop3A_563, %parallel_loop3A_564] {strides = array<i32>} : memref<4x64x128xf32, #tpu.memory_space<vmem>>, vector<1x1x16xf32>,
        %parallel_loop3A_566 = vector.shape_cast %parallel_loop3A_565 : vector<1x1x16xf32> to vector<16xf32>
        %parallel_loop3A_567 = vector.shape_cast %parallel_loop3A_560 : vector<16xf32> to vector<1x1x16xf32>
        tpu.vector_store %arg9[%parallel_loop3A_562, %parallel_loop3A_563, %parallel_loop3A_564], %parallel_loop3A_567 {strides = array<i32>} : memref<4x64x128xf32, #tpu.memory_space<vmem>>, vector<1x1x16xf32>,
        %parallel_loop3A_568 = arith.constant 2 : i32
        %parallel_loop3A_569 = arith.index_cast %parallel_loop3A_568 : i32 to index
        %parallel_loop3A_570 = arith.index_cast %parallel_loop3A_462 : i32 to index
        %parallel_loop3A_571 = arith.constant 80 : index
        %parallel_loop3A_572 = tpu.vector_load %arg8[%parallel_loop3A_569, %parallel_loop3A_570, %parallel_loop3A_571] {strides = array<i32>} : memref<4x64x128xf32, #tpu.memory_space<vmem>>, vector<1x1x16xf32>,
        %parallel_loop3A_573 = vector.shape_cast %parallel_loop3A_572 : vector<1x1x16xf32> to vector<16xf32>
        %parallel_loop3A_574 = arith.constant 2.000000e+00 : f32
        %parallel_loop3A_575 = vector.broadcast %parallel_loop3A_574 : f32 to vector<16xf32>
        %parallel_loop3A_576 = arith.mulf %parallel_loop3A_573, %parallel_loop3A_575 : vector<16xf32>
        %parallel_loop3A_577 = arith.index_cast %parallel_loop3A_462 : i32 to index
        %parallel_loop3A_578 = arith.constant 80 : index
        %parallel_loop3A_579 = tpu.vector_load %arg7[%parallel_loop3A_577, %parallel_loop3A_578] {strides = array<i32>} : memref<64x128xf32, #tpu.memory_space<vmem>>, vector<1x16xf32>,
        %parallel_loop3A_580 = vector.shape_cast %parallel_loop3A_579 : vector<1x16xf32> to vector<16xf32>
        %parallel_loop3A_581 = arith.addf %parallel_loop3A_576, %parallel_loop3A_580 : vector<16xf32>
        %parallel_loop3A_582 = arith.constant 2 : i32
        %parallel_loop3A_583 = arith.index_cast %parallel_loop3A_582 : i32 to index
        %parallel_loop3A_584 = arith.index_cast %parallel_loop3A_462 : i32 to index
        %parallel_loop3A_585 = arith.constant 80 : index
        %parallel_loop3A_586 = tpu.vector_load %arg9[%parallel_loop3A_583, %parallel_loop3A_584, %parallel_loop3A_585] {strides = array<i32>} : memref<4x64x128xf32, #tpu.memory_space<vmem>>, vector<1x1x16xf32>,
        %parallel_loop3A_587 = vector.shape_cast %parallel_loop3A_586 : vector<1x1x16xf32> to vector<16xf32>
        %parallel_loop3A_588 = vector.shape_cast %parallel_loop3A_581 : vector<16xf32> to vector<1x1x16xf32>
        tpu.vector_store %arg9[%parallel_loop3A_583, %parallel_loop3A_584, %parallel_loop3A_585], %parallel_loop3A_588 {strides = array<i32>} : memref<4x64x128xf32, #tpu.memory_space<vmem>>, vector<1x1x16xf32>,
        %parallel_loop3A_589 = arith.constant 2 : i32
        %parallel_loop3A_590 = arith.index_cast %parallel_loop3A_589 : i32 to index
        %parallel_loop3A_591 = arith.index_cast %parallel_loop3A_462 : i32 to index
        %parallel_loop3A_592 = arith.constant 96 : index
        %parallel_loop3A_593 = tpu.vector_load %arg8[%parallel_loop3A_590, %parallel_loop3A_591, %parallel_loop3A_592] {strides = array<i32>} : memref<4x64x128xf32, #tpu.memory_space<vmem>>, vector<1x1x16xf32>,
        %parallel_loop3A_594 = vector.shape_cast %parallel_loop3A_593 : vector<1x1x16xf32> to vector<16xf32>
        %parallel_loop3A_595 = arith.constant 2.000000e+00 : f32
        %parallel_loop3A_596 = vector.broadcast %parallel_loop3A_595 : f32 to vector<16xf32>
        %parallel_loop3A_597 = arith.mulf %parallel_loop3A_594, %parallel_loop3A_596 : vector<16xf32>
        %parallel_loop3A_598 = arith.index_cast %parallel_loop3A_462 : i32 to index
        %parallel_loop3A_599 = arith.constant 96 : index
        %parallel_loop3A_600 = tpu.vector_load %arg7[%parallel_loop3A_598, %parallel_loop3A_599] {strides = array<i32>} : memref<64x128xf32, #tpu.memory_space<vmem>>, vector<1x16xf32>,
        %parallel_loop3A_601 = vector.shape_cast %parallel_loop3A_600 : vector<1x16xf32> to vector<16xf32>
        %parallel_loop3A_602 = arith.addf %parallel_loop3A_597, %parallel_loop3A_601 : vector<16xf32>
        %parallel_loop3A_603 = arith.constant 2 : i32
        %parallel_loop3A_604 = arith.index_cast %parallel_loop3A_603 : i32 to index
        %parallel_loop3A_605 = arith.index_cast %parallel_loop3A_462 : i32 to index
        %parallel_loop3A_606 = arith.constant 96 : index
        %parallel_loop3A_607 = tpu.vector_load %arg9[%parallel_loop3A_604, %parallel_loop3A_605, %parallel_loop3A_606] {strides = array<i32>} : memref<4x64x128xf32, #tpu.memory_space<vmem>>, vector<1x1x16xf32>,
        %parallel_loop3A_608 = vector.shape_cast %parallel_loop3A_607 : vector<1x1x16xf32> to vector<16xf32>
        %parallel_loop3A_609 = vector.shape_cast %parallel_loop3A_602 : vector<16xf32> to vector<1x1x16xf32>
        tpu.vector_store %arg9[%parallel_loop3A_604, %parallel_loop3A_605, %parallel_loop3A_606], %parallel_loop3A_609 {strides = array<i32>} : memref<4x64x128xf32, #tpu.memory_space<vmem>>, vector<1x1x16xf32>,
        %parallel_loop3A_610 = arith.constant 2 : i32
        %parallel_loop3A_611 = arith.index_cast %parallel_loop3A_610 : i32 to index
        %parallel_loop3A_612 = arith.index_cast %parallel_loop3A_462 : i32 to index
        %parallel_loop3A_613 = arith.constant 112 : index
        %parallel_loop3A_614 = tpu.vector_load %arg8[%parallel_loop3A_611, %parallel_loop3A_612, %parallel_loop3A_613] {strides = array<i32>} : memref<4x64x128xf32, #tpu.memory_space<vmem>>, vector<1x1x16xf32>,
        %parallel_loop3A_615 = vector.shape_cast %parallel_loop3A_614 : vector<1x1x16xf32> to vector<16xf32>
        %parallel_loop3A_616 = arith.constant 2.000000e+00 : f32
        %parallel_loop3A_617 = vector.broadcast %parallel_loop3A_616 : f32 to vector<16xf32>
        %parallel_loop3A_618 = arith.mulf %parallel_loop3A_615, %parallel_loop3A_617 : vector<16xf32>
        %parallel_loop3A_619 = arith.index_cast %parallel_loop3A_462 : i32 to index
        %parallel_loop3A_620 = arith.constant 112 : index
        %parallel_loop3A_621 = tpu.vector_load %arg7[%parallel_loop3A_619, %parallel_loop3A_620] {strides = array<i32>} : memref<64x128xf32, #tpu.memory_space<vmem>>, vector<1x16xf32>,
        %parallel_loop3A_622 = vector.shape_cast %parallel_loop3A_621 : vector<1x16xf32> to vector<16xf32>
        %parallel_loop3A_623 = arith.addf %parallel_loop3A_618, %parallel_loop3A_622 : vector<16xf32>
        %parallel_loop3A_624 = arith.constant 2 : i32
        %parallel_loop3A_625 = arith.index_cast %parallel_loop3A_624 : i32 to index
        %parallel_loop3A_626 = arith.index_cast %parallel_loop3A_462 : i32 to index
        %parallel_loop3A_627 = arith.constant 112 : index
        %parallel_loop3A_628 = tpu.vector_load %arg9[%parallel_loop3A_625, %parallel_loop3A_626, %parallel_loop3A_627] {strides = array<i32>} : memref<4x64x128xf32, #tpu.memory_space<vmem>>, vector<1x1x16xf32>,
        %parallel_loop3A_629 = vector.shape_cast %parallel_loop3A_628 : vector<1x1x16xf32> to vector<16xf32>
        %parallel_loop3A_630 = vector.shape_cast %parallel_loop3A_623 : vector<16xf32> to vector<1x1x16xf32>
        tpu.vector_store %arg9[%parallel_loop3A_625, %parallel_loop3A_626, %parallel_loop3A_627], %parallel_loop3A_630 {strides = array<i32>} : memref<4x64x128xf32, #tpu.memory_space<vmem>>, vector<1x1x16xf32>,
      } {sc.loop_unroll_factor = 2 : i64, sc.parallel_access}
      %dma_start3A_387 = arith.constant 2 : i32
      %dma_start3A_388 = arith.constant 2 : i32
      %dma_start3A_389 = arith.constant 0 : i32
      %dma_start3A_390 = arith.constant 0 : i32
      %dma_start3A_391 = tpu.memref_slice %arg9[%dma_start3A_387, %dma_start3A_389, %dma_start3A_390] : memref<4x64x128xf32, #tpu.memory_space<vmem>> -> memref<1x64x128xf32, #tpu.memory_space<vmem>>
      %dma_start3A_392 = tpu.memref_squeeze %dma_start3A_391 : memref<1x64x128xf32, #tpu.memory_space<vmem>> -> memref<64x128xf32, #tpu.memory_space<vmem>>
      %dma_start3A_393 = arith.constant 0 : i32
      %dma_start3A_394 = tpu.memref_slice %arg5[%add3A_365, %multiple_of3A, %dma_start3A_393] : memref<32x2048x128xf32, #tpu.memory_space<hbm>> -> memref<1x64x128xf32, #tpu.memory_space<hbm>>
      %dma_start3A_395 = tpu.memref_squeeze %dma_start3A_394 : memref<1x64x128xf32, #tpu.memory_space<hbm>> -> memref<64x128xf32, #tpu.memory_space<hbm>>
      %dma_start3A_396 = tpu.memref_slice %arg11[%dma_start3A_388] : memref<4x!tpu.dma_semaphore, #tpu.memory_space<semaphore_mem>> -> memref<1x!tpu.dma_semaphore, #tpu.memory_space<semaphore_mem>>
      %dma_start3A_397 = tpu.memref_squeeze %dma_start3A_396 : memref<1x!tpu.dma_semaphore, #tpu.memory_space<semaphore_mem>> -> memref<!tpu.dma_semaphore, #tpu.memory_space<semaphore_mem>>
      %dma_start3A_398 = arith.constant 0 : i32
      %dma_start3A_399 = tpu.memref_slice %arg5[%add3A_365, %multiple_of3A, %dma_start3A_398] : memref<32x2048x128xf32, #tpu.memory_space<hbm>> -> memref<1x64x128xf32, #tpu.memory_space<hbm>>
      %dma_start3A_400 = tpu.memref_squeeze %dma_start3A_399 : memref<1x64x128xf32, #tpu.memory_space<hbm>> -> memref<64x128xf32, #tpu.memory_space<hbm>>
      %dma_start3A_401 = arith.constant 0 : i32
      %dma_start3A_402 = arith.constant 0 : i32
      %dma_start3A_403 = tpu.memref_slice %arg9[%dma_start3A_387, %dma_start3A_401, %dma_start3A_402] : memref<4x64x128xf32, #tpu.memory_space<vmem>> -> memref<1x64x128xf32, #tpu.memory_space<vmem>>
      %dma_start3A_404 = tpu.memref_squeeze %dma_start3A_403 : memref<1x64x128xf32, #tpu.memory_space<vmem>> -> memref<64x128xf32, #tpu.memory_space<vmem>>
      tpu.enqueue_dma source(%dma_start3A_404 : memref<64x128xf32, #tpu.memory_space<vmem>>) target(%dma_start3A_400 : memref<64x128xf32, #tpu.memory_space<hbm>>) target_semaphore(%dma_start3A_397 : memref<!tpu.dma_semaphore, #tpu.memory_space<semaphore_mem>>)
      %add3A_405 = arith.constant 4 : i32
      %add3A_406 = arith.addi %add3A_365, %add3A_405 : i32
      %lt3A_407 = arith.constant 32 : i32
      %lt3A_408 = arith.cmpi slt, %add3A_406, %lt3A_407 : i32
      %convert_element_type3A_409 = arith.extui %lt3A_408 : i1 to i32
      %cond3A_410 = arith.constant 0 : i32
      %cond3A_411 = arith.cmpi ne, %convert_element_type3A_409, %cond3A_410 : i32
      scf.if %cond3A_411 {
        %dma_start3A_462 = arith.constant 2 : i32
        %dma_start3A_463 = arith.constant 2 : i32
        %dma_start3A_464 = arith.constant 0 : i32
        %dma_start3A_465 = arith.constant 0 : i32
        %dma_start3A_466 = tpu.memref_slice %arg8[%dma_start3A_462, %dma_start3A_464, %dma_start3A_465] : memref<4x64x128xf32, #tpu.memory_space<vmem>> -> memref<1x64x128xf32, #tpu.memory_space<vmem>>
        %dma_start3A_467 = tpu.memref_squeeze %dma_start3A_466 : memref<1x64x128xf32, #tpu.memory_space<vmem>> -> memref<64x128xf32, #tpu.memory_space<vmem>>
        %dma_start3A_468 = tpu.memref_slice %arg6[%add3A_406, %sub3A_22] : memref<32x128xi32, #tpu.memory_space<vmem>> -> memref<1x64xi32, #tpu.memory_space<vmem>>
        %dma_start3A_469 = tpu.memref_squeeze %dma_start3A_468 : memref<1x64xi32, #tpu.memory_space<vmem>> -> memref<64xi32, #tpu.memory_space<vmem>>
        %dma_start3A_470 = arith.constant 0 : i32
        %dma_start3A_471 = arith.constant 0 : i32
        %dma_start3A_472 = tpu.memref_slice %arg3[%dma_start3A_470, %dma_start3A_471] : memref<100000x128xf32, #tpu.memory_space<hbm>> -> memref<100000x128xf32, #tpu.memory_space<hbm>>
        %dma_start3A_473 = tpu.memref_slice %arg10[%dma_start3A_463] : memref<4x!tpu.dma_semaphore, #tpu.memory_space<semaphore_mem>> -> memref<1x!tpu.dma_semaphore, #tpu.memory_space<semaphore_mem>>
        %dma_start3A_474 = tpu.memref_squeeze %dma_start3A_473 : memref<1x!tpu.dma_semaphore, #tpu.memory_space<semaphore_mem>> -> memref<!tpu.dma_semaphore, #tpu.memory_space<semaphore_mem>>
        tpu.enqueue_indirect_dma source(%dma_start3A_472 : memref<100000x128xf32, #tpu.memory_space<hbm>>) target(%dma_start3A_467 : memref<64x128xf32, #tpu.memory_space<vmem>>) offsets(%dma_start3A_469 : memref<64xi32, #tpu.memory_space<vmem>>) semaphore(%dma_start3A_474 : memref<!tpu.dma_semaphore, #tpu.memory_space<semaphore_mem>>)
      } else {
      }
      %mul3A_412 = arith.constant 4 : i32
      %mul3A_413 = arith.muli %scan3A_266, %mul3A_412 : i32
      %add3A_414 = arith.constant 3 : i32
      %add3A_415 = arith.addi %mul3A_413, %add3A_414 : i32
      %dma_wait3A_416 = arith.constant 3 : i32
      %dma_wait3A_417 = arith.constant 3 : i32
      %dma_wait3A_418 = arith.constant 0 : i32
      %dma_wait3A_419 = arith.constant 0 : i32
      %dma_wait3A_420 = tpu.memref_slice %arg8[%dma_wait3A_416, %dma_wait3A_418, %dma_wait3A_419] : memref<4x64x128xf32, #tpu.memory_space<vmem>> -> memref<1x64x128xf32, #tpu.memory_space<vmem>>
      %dma_wait3A_421 = tpu.memref_squeeze %dma_wait3A_420 : memref<1x64x128xf32, #tpu.memory_space<vmem>> -> memref<64x128xf32, #tpu.memory_space<vmem>>
      %dma_wait3A_422 = tpu.memref_slice %arg6[%add3A_415, %sub3A_22] : memref<32x128xi32, #tpu.memory_space<vmem>> -> memref<1x64xi32, #tpu.memory_space<vmem>>
      %dma_wait3A_423 = tpu.memref_squeeze %dma_wait3A_422 : memref<1x64xi32, #tpu.memory_space<vmem>> -> memref<64xi32, #tpu.memory_space<vmem>>
      %dma_wait3A_424 = arith.constant 0 : i32
      %dma_wait3A_425 = arith.constant 0 : i32
      %dma_wait3A_426 = tpu.memref_slice %arg3[%dma_wait3A_424, %dma_wait3A_425] : memref<100000x128xf32, #tpu.memory_space<hbm>> -> memref<100000x128xf32, #tpu.memory_space<hbm>>
      %dma_wait3A_427 = tpu.memref_slice %arg10[%dma_wait3A_417] : memref<4x!tpu.dma_semaphore, #tpu.memory_space<semaphore_mem>> -> memref<1x!tpu.dma_semaphore, #tpu.memory_space<semaphore_mem>>
      %dma_wait3A_428 = tpu.memref_squeeze %dma_wait3A_427 : memref<1x!tpu.dma_semaphore, #tpu.memory_space<semaphore_mem>> -> memref<!tpu.dma_semaphore, #tpu.memory_space<semaphore_mem>>
      tpu.wait_indirect_dma semaphore(%dma_wait3A_428 : memref<!tpu.dma_semaphore, #tpu.memory_space<semaphore_mem>>) src(%dma_wait3A_426 : memref<100000x128xf32, #tpu.memory_space<hbm>>) dst(%dma_wait3A_421 : memref<64x128xf32, #tpu.memory_space<vmem>>)
      %ge3A_429 = arith.constant 4 : i32
      %ge3A_430 = arith.cmpi sge, %add3A_415, %ge3A_429 : i32
      %convert_element_type3A_431 = arith.extui %ge3A_430 : i1 to i32
      %cond3A_432 = arith.constant 0 : i32
      %cond3A_433 = arith.cmpi ne, %convert_element_type3A_431, %cond3A_432 : i32
      scf.if %cond3A_433 {
        %dma_wait3A_462 = arith.constant 3 : i32
        %dma_wait3A_463 = arith.constant 3 : i32
        %dma_wait3A_464 = arith.constant 0 : i32
        %dma_wait3A_465 = arith.constant 0 : i32
        %dma_wait3A_466 = tpu.memref_slice %arg9[%dma_wait3A_462, %dma_wait3A_464, %dma_wait3A_465] : memref<4x64x128xf32, #tpu.memory_space<vmem>> -> memref<1x64x128xf32, #tpu.memory_space<vmem>>
        %dma_wait3A_467 = tpu.memref_squeeze %dma_wait3A_466 : memref<1x64x128xf32, #tpu.memory_space<vmem>> -> memref<64x128xf32, #tpu.memory_space<vmem>>
        %dma_wait3A_468 = arith.constant 0 : i32
        %dma_wait3A_469 = tpu.memref_slice %arg5[%add3A_415, %multiple_of3A, %dma_wait3A_468] : memref<32x2048x128xf32, #tpu.memory_space<hbm>> -> memref<1x64x128xf32, #tpu.memory_space<hbm>>
        %dma_wait3A_470 = tpu.memref_squeeze %dma_wait3A_469 : memref<1x64x128xf32, #tpu.memory_space<hbm>> -> memref<64x128xf32, #tpu.memory_space<hbm>>
        %dma_wait3A_471 = tpu.memref_slice %arg11[%dma_wait3A_463] : memref<4x!tpu.dma_semaphore, #tpu.memory_space<semaphore_mem>> -> memref<1x!tpu.dma_semaphore, #tpu.memory_space<semaphore_mem>>
        %dma_wait3A_472 = tpu.memref_squeeze %dma_wait3A_471 : memref<1x!tpu.dma_semaphore, #tpu.memory_space<semaphore_mem>> -> memref<!tpu.dma_semaphore, #tpu.memory_space<semaphore_mem>>
        %dma_wait3A_473 = arith.constant 0 : i32
        %dma_wait3A_474 = tpu.memref_slice %arg5[%add3A_415, %multiple_of3A, %dma_wait3A_473] : memref<32x2048x128xf32, #tpu.memory_space<hbm>> -> memref<1x64x128xf32, #tpu.memory_space<hbm>>
        %dma_wait3A_475 = tpu.memref_squeeze %dma_wait3A_474 : memref<1x64x128xf32, #tpu.memory_space<hbm>> -> memref<64x128xf32, #tpu.memory_space<hbm>>
        %dma_wait3A_476 = arith.constant 0 : i32
        %dma_wait3A_477 = arith.constant 0 : i32
        %dma_wait3A_478 = tpu.memref_slice %arg9[%dma_wait3A_462, %dma_wait3A_476, %dma_wait3A_477] : memref<4x64x128xf32, #tpu.memory_space<vmem>> -> memref<1x64x128xf32, #tpu.memory_space<vmem>>
        %dma_wait3A_479 = tpu.memref_squeeze %dma_wait3A_478 : memref<1x64x128xf32, #tpu.memory_space<vmem>> -> memref<64x128xf32, #tpu.memory_space<vmem>>
        tpu.wait_dma2 semaphore(%dma_wait3A_472 : memref<!tpu.dma_semaphore, #tpu.memory_space<semaphore_mem>>) src(%dma_wait3A_479 : memref<64x128xf32, #tpu.memory_space<vmem>>) dst(%dma_wait3A_475 : memref<64x128xf32, #tpu.memory_space<hbm>>)
      } else {
      }
      %parallel_loop3A_434 = arith.constant 0 : i32
      %parallel_loop3A_435 = arith.constant 64 : i32
      %parallel_loop3A_436 = arith.constant 1 : i32
      scf.for %parallel_loop3A_462 = %parallel_loop3A_434 to %parallel_loop3A_435 step %parallel_loop3A_436  : i32 {
        %parallel_loop3A_463 = arith.constant 3 : i32
        %parallel_loop3A_464 = arith.index_cast %parallel_loop3A_463 : i32 to index
        %parallel_loop3A_465 = arith.index_cast %parallel_loop3A_462 : i32 to index
        %parallel_loop3A_466 = arith.constant 0 : index
        %parallel_loop3A_467 = tpu.vector_load %arg8[%parallel_loop3A_464, %parallel_loop3A_465, %parallel_loop3A_466] {strides = array<i32>} : memref<4x64x128xf32, #tpu.memory_space<vmem>>, vector<1x1x16xf32>,
        %parallel_loop3A_468 = vector.shape_cast %parallel_loop3A_467 : vector<1x1x16xf32> to vector<16xf32>
        %parallel_loop3A_469 = arith.constant 2.000000e+00 : f32
        %parallel_loop3A_470 = vector.broadcast %parallel_loop3A_469 : f32 to vector<16xf32>
        %parallel_loop3A_471 = arith.mulf %parallel_loop3A_468, %parallel_loop3A_470 : vector<16xf32>
        %parallel_loop3A_472 = arith.index_cast %parallel_loop3A_462 : i32 to index
        %parallel_loop3A_473 = arith.constant 0 : index
        %parallel_loop3A_474 = tpu.vector_load %arg7[%parallel_loop3A_472, %parallel_loop3A_473] {strides = array<i32>} : memref<64x128xf32, #tpu.memory_space<vmem>>, vector<1x16xf32>,
        %parallel_loop3A_475 = vector.shape_cast %parallel_loop3A_474 : vector<1x16xf32> to vector<16xf32>
        %parallel_loop3A_476 = arith.addf %parallel_loop3A_471, %parallel_loop3A_475 : vector<16xf32>
        %parallel_loop3A_477 = arith.constant 3 : i32
        %parallel_loop3A_478 = arith.index_cast %parallel_loop3A_477 : i32 to index
        %parallel_loop3A_479 = arith.index_cast %parallel_loop3A_462 : i32 to index
        %parallel_loop3A_480 = arith.constant 0 : index
        %parallel_loop3A_481 = tpu.vector_load %arg9[%parallel_loop3A_478, %parallel_loop3A_479, %parallel_loop3A_480] {strides = array<i32>} : memref<4x64x128xf32, #tpu.memory_space<vmem>>, vector<1x1x16xf32>,
        %parallel_loop3A_482 = vector.shape_cast %parallel_loop3A_481 : vector<1x1x16xf32> to vector<16xf32>
        %parallel_loop3A_483 = vector.shape_cast %parallel_loop3A_476 : vector<16xf32> to vector<1x1x16xf32>
        tpu.vector_store %arg9[%parallel_loop3A_478, %parallel_loop3A_479, %parallel_loop3A_480], %parallel_loop3A_483 {strides = array<i32>} : memref<4x64x128xf32, #tpu.memory_space<vmem>>, vector<1x1x16xf32>,
        %parallel_loop3A_484 = arith.constant 3 : i32
        %parallel_loop3A_485 = arith.index_cast %parallel_loop3A_484 : i32 to index
        %parallel_loop3A_486 = arith.index_cast %parallel_loop3A_462 : i32 to index
        %parallel_loop3A_487 = arith.constant 16 : index
        %parallel_loop3A_488 = tpu.vector_load %arg8[%parallel_loop3A_485, %parallel_loop3A_486, %parallel_loop3A_487] {strides = array<i32>} : memref<4x64x128xf32, #tpu.memory_space<vmem>>, vector<1x1x16xf32>,
        %parallel_loop3A_489 = vector.shape_cast %parallel_loop3A_488 : vector<1x1x16xf32> to vector<16xf32>
        %parallel_loop3A_490 = arith.constant 2.000000e+00 : f32
        %parallel_loop3A_491 = vector.broadcast %parallel_loop3A_490 : f32 to vector<16xf32>
        %parallel_loop3A_492 = arith.mulf %parallel_loop3A_489, %parallel_loop3A_491 : vector<16xf32>
        %parallel_loop3A_493 = arith.index_cast %parallel_loop3A_462 : i32 to index
        %parallel_loop3A_494 = arith.constant 16 : index
        %parallel_loop3A_495 = tpu.vector_load %arg7[%parallel_loop3A_493, %parallel_loop3A_494] {strides = array<i32>} : memref<64x128xf32, #tpu.memory_space<vmem>>, vector<1x16xf32>,
        %parallel_loop3A_496 = vector.shape_cast %parallel_loop3A_495 : vector<1x16xf32> to vector<16xf32>
        %parallel_loop3A_497 = arith.addf %parallel_loop3A_492, %parallel_loop3A_496 : vector<16xf32>
        %parallel_loop3A_498 = arith.constant 3 : i32
        %parallel_loop3A_499 = arith.index_cast %parallel_loop3A_498 : i32 to index
        %parallel_loop3A_500 = arith.index_cast %parallel_loop3A_462 : i32 to index
        %parallel_loop3A_501 = arith.constant 16 : index
        %parallel_loop3A_502 = tpu.vector_load %arg9[%parallel_loop3A_499, %parallel_loop3A_500, %parallel_loop3A_501] {strides = array<i32>} : memref<4x64x128xf32, #tpu.memory_space<vmem>>, vector<1x1x16xf32>,
        %parallel_loop3A_503 = vector.shape_cast %parallel_loop3A_502 : vector<1x1x16xf32> to vector<16xf32>
        %parallel_loop3A_504 = vector.shape_cast %parallel_loop3A_497 : vector<16xf32> to vector<1x1x16xf32>
        tpu.vector_store %arg9[%parallel_loop3A_499, %parallel_loop3A_500, %parallel_loop3A_501], %parallel_loop3A_504 {strides = array<i32>} : memref<4x64x128xf32, #tpu.memory_space<vmem>>, vector<1x1x16xf32>,
        %parallel_loop3A_505 = arith.constant 3 : i32
        %parallel_loop3A_506 = arith.index_cast %parallel_loop3A_505 : i32 to index
        %parallel_loop3A_507 = arith.index_cast %parallel_loop3A_462 : i32 to index
        %parallel_loop3A_508 = arith.constant 32 : index
        %parallel_loop3A_509 = tpu.vector_load %arg8[%parallel_loop3A_506, %parallel_loop3A_507, %parallel_loop3A_508] {strides = array<i32>} : memref<4x64x128xf32, #tpu.memory_space<vmem>>, vector<1x1x16xf32>,
        %parallel_loop3A_510 = vector.shape_cast %parallel_loop3A_509 : vector<1x1x16xf32> to vector<16xf32>
        %parallel_loop3A_511 = arith.constant 2.000000e+00 : f32
        %parallel_loop3A_512 = vector.broadcast %parallel_loop3A_511 : f32 to vector<16xf32>
        %parallel_loop3A_513 = arith.mulf %parallel_loop3A_510, %parallel_loop3A_512 : vector<16xf32>
        %parallel_loop3A_514 = arith.index_cast %parallel_loop3A_462 : i32 to index
        %parallel_loop3A_515 = arith.constant 32 : index
        %parallel_loop3A_516 = tpu.vector_load %arg7[%parallel_loop3A_514, %parallel_loop3A_515] {strides = array<i32>} : memref<64x128xf32, #tpu.memory_space<vmem>>, vector<1x16xf32>,
        %parallel_loop3A_517 = vector.shape_cast %parallel_loop3A_516 : vector<1x16xf32> to vector<16xf32>
        %parallel_loop3A_518 = arith.addf %parallel_loop3A_513, %parallel_loop3A_517 : vector<16xf32>
        %parallel_loop3A_519 = arith.constant 3 : i32
        %parallel_loop3A_520 = arith.index_cast %parallel_loop3A_519 : i32 to index
        %parallel_loop3A_521 = arith.index_cast %parallel_loop3A_462 : i32 to index
        %parallel_loop3A_522 = arith.constant 32 : index
        %parallel_loop3A_523 = tpu.vector_load %arg9[%parallel_loop3A_520, %parallel_loop3A_521, %parallel_loop3A_522] {strides = array<i32>} : memref<4x64x128xf32, #tpu.memory_space<vmem>>, vector<1x1x16xf32>,
        %parallel_loop3A_524 = vector.shape_cast %parallel_loop3A_523 : vector<1x1x16xf32> to vector<16xf32>
        %parallel_loop3A_525 = vector.shape_cast %parallel_loop3A_518 : vector<16xf32> to vector<1x1x16xf32>
        tpu.vector_store %arg9[%parallel_loop3A_520, %parallel_loop3A_521, %parallel_loop3A_522], %parallel_loop3A_525 {strides = array<i32>} : memref<4x64x128xf32, #tpu.memory_space<vmem>>, vector<1x1x16xf32>,
        %parallel_loop3A_526 = arith.constant 3 : i32
        %parallel_loop3A_527 = arith.index_cast %parallel_loop3A_526 : i32 to index
        %parallel_loop3A_528 = arith.index_cast %parallel_loop3A_462 : i32 to index
        %parallel_loop3A_529 = arith.constant 48 : index
        %parallel_loop3A_530 = tpu.vector_load %arg8[%parallel_loop3A_527, %parallel_loop3A_528, %parallel_loop3A_529] {strides = array<i32>} : memref<4x64x128xf32, #tpu.memory_space<vmem>>, vector<1x1x16xf32>,
        %parallel_loop3A_531 = vector.shape_cast %parallel_loop3A_530 : vector<1x1x16xf32> to vector<16xf32>
        %parallel_loop3A_532 = arith.constant 2.000000e+00 : f32
        %parallel_loop3A_533 = vector.broadcast %parallel_loop3A_532 : f32 to vector<16xf32>
        %parallel_loop3A_534 = arith.mulf %parallel_loop3A_531, %parallel_loop3A_533 : vector<16xf32>
        %parallel_loop3A_535 = arith.index_cast %parallel_loop3A_462 : i32 to index
        %parallel_loop3A_536 = arith.constant 48 : index
        %parallel_loop3A_537 = tpu.vector_load %arg7[%parallel_loop3A_535, %parallel_loop3A_536] {strides = array<i32>} : memref<64x128xf32, #tpu.memory_space<vmem>>, vector<1x16xf32>,
        %parallel_loop3A_538 = vector.shape_cast %parallel_loop3A_537 : vector<1x16xf32> to vector<16xf32>
        %parallel_loop3A_539 = arith.addf %parallel_loop3A_534, %parallel_loop3A_538 : vector<16xf32>
        %parallel_loop3A_540 = arith.constant 3 : i32
        %parallel_loop3A_541 = arith.index_cast %parallel_loop3A_540 : i32 to index
        %parallel_loop3A_542 = arith.index_cast %parallel_loop3A_462 : i32 to index
        %parallel_loop3A_543 = arith.constant 48 : index
        %parallel_loop3A_544 = tpu.vector_load %arg9[%parallel_loop3A_541, %parallel_loop3A_542, %parallel_loop3A_543] {strides = array<i32>} : memref<4x64x128xf32, #tpu.memory_space<vmem>>, vector<1x1x16xf32>,
        %parallel_loop3A_545 = vector.shape_cast %parallel_loop3A_544 : vector<1x1x16xf32> to vector<16xf32>
        %parallel_loop3A_546 = vector.shape_cast %parallel_loop3A_539 : vector<16xf32> to vector<1x1x16xf32>
        tpu.vector_store %arg9[%parallel_loop3A_541, %parallel_loop3A_542, %parallel_loop3A_543], %parallel_loop3A_546 {strides = array<i32>} : memref<4x64x128xf32, #tpu.memory_space<vmem>>, vector<1x1x16xf32>,
        %parallel_loop3A_547 = arith.constant 3 : i32
        %parallel_loop3A_548 = arith.index_cast %parallel_loop3A_547 : i32 to index
        %parallel_loop3A_549 = arith.index_cast %parallel_loop3A_462 : i32 to index
        %parallel_loop3A_550 = arith.constant 64 : index
        %parallel_loop3A_551 = tpu.vector_load %arg8[%parallel_loop3A_548, %parallel_loop3A_549, %parallel_loop3A_550] {strides = array<i32>} : memref<4x64x128xf32, #tpu.memory_space<vmem>>, vector<1x1x16xf32>,
        %parallel_loop3A_552 = vector.shape_cast %parallel_loop3A_551 : vector<1x1x16xf32> to vector<16xf32>
        %parallel_loop3A_553 = arith.constant 2.000000e+00 : f32
        %parallel_loop3A_554 = vector.broadcast %parallel_loop3A_553 : f32 to vector<16xf32>
        %parallel_loop3A_555 = arith.mulf %parallel_loop3A_552, %parallel_loop3A_554 : vector<16xf32>
        %parallel_loop3A_556 = arith.index_cast %parallel_loop3A_462 : i32 to index
        %parallel_loop3A_557 = arith.constant 64 : index
        %parallel_loop3A_558 = tpu.vector_load %arg7[%parallel_loop3A_556, %parallel_loop3A_557] {strides = array<i32>} : memref<64x128xf32, #tpu.memory_space<vmem>>, vector<1x16xf32>,
        %parallel_loop3A_559 = vector.shape_cast %parallel_loop3A_558 : vector<1x16xf32> to vector<16xf32>
        %parallel_loop3A_560 = arith.addf %parallel_loop3A_555, %parallel_loop3A_559 : vector<16xf32>
        %parallel_loop3A_561 = arith.constant 3 : i32
        %parallel_loop3A_562 = arith.index_cast %parallel_loop3A_561 : i32 to index
        %parallel_loop3A_563 = arith.index_cast %parallel_loop3A_462 : i32 to index
        %parallel_loop3A_564 = arith.constant 64 : index
        %parallel_loop3A_565 = tpu.vector_load %arg9[%parallel_loop3A_562, %parallel_loop3A_563, %parallel_loop3A_564] {strides = array<i32>} : memref<4x64x128xf32, #tpu.memory_space<vmem>>, vector<1x1x16xf32>,
        %parallel_loop3A_566 = vector.shape_cast %parallel_loop3A_565 : vector<1x1x16xf32> to vector<16xf32>
        %parallel_loop3A_567 = vector.shape_cast %parallel_loop3A_560 : vector<16xf32> to vector<1x1x16xf32>
        tpu.vector_store %arg9[%parallel_loop3A_562, %parallel_loop3A_563, %parallel_loop3A_564], %parallel_loop3A_567 {strides = array<i32>} : memref<4x64x128xf32, #tpu.memory_space<vmem>>, vector<1x1x16xf32>,
        %parallel_loop3A_568 = arith.constant 3 : i32
        %parallel_loop3A_569 = arith.index_cast %parallel_loop3A_568 : i32 to index
        %parallel_loop3A_570 = arith.index_cast %parallel_loop3A_462 : i32 to index
        %parallel_loop3A_571 = arith.constant 80 : index
        %parallel_loop3A_572 = tpu.vector_load %arg8[%parallel_loop3A_569, %parallel_loop3A_570, %parallel_loop3A_571] {strides = array<i32>} : memref<4x64x128xf32, #tpu.memory_space<vmem>>, vector<1x1x16xf32>,
        %parallel_loop3A_573 = vector.shape_cast %parallel_loop3A_572 : vector<1x1x16xf32> to vector<16xf32>
        %parallel_loop3A_574 = arith.constant 2.000000e+00 : f32
        %parallel_loop3A_575 = vector.broadcast %parallel_loop3A_574 : f32 to vector<16xf32>
        %parallel_loop3A_576 = arith.mulf %parallel_loop3A_573, %parallel_loop3A_575 : vector<16xf32>
        %parallel_loop3A_577 = arith.index_cast %parallel_loop3A_462 : i32 to index
        %parallel_loop3A_578 = arith.constant 80 : index
        %parallel_loop3A_579 = tpu.vector_load %arg7[%parallel_loop3A_577, %parallel_loop3A_578] {strides = array<i32>} : memref<64x128xf32, #tpu.memory_space<vmem>>, vector<1x16xf32>,
        %parallel_loop3A_580 = vector.shape_cast %parallel_loop3A_579 : vector<1x16xf32> to vector<16xf32>
        %parallel_loop3A_581 = arith.addf %parallel_loop3A_576, %parallel_loop3A_580 : vector<16xf32>
        %parallel_loop3A_582 = arith.constant 3 : i32
        %parallel_loop3A_583 = arith.index_cast %parallel_loop3A_582 : i32 to index
        %parallel_loop3A_584 = arith.index_cast %parallel_loop3A_462 : i32 to index
        %parallel_loop3A_585 = arith.constant 80 : index
        %parallel_loop3A_586 = tpu.vector_load %arg9[%parallel_loop3A_583, %parallel_loop3A_584, %parallel_loop3A_585] {strides = array<i32>} : memref<4x64x128xf32, #tpu.memory_space<vmem>>, vector<1x1x16xf32>,
        %parallel_loop3A_587 = vector.shape_cast %parallel_loop3A_586 : vector<1x1x16xf32> to vector<16xf32>
        %parallel_loop3A_588 = vector.shape_cast %parallel_loop3A_581 : vector<16xf32> to vector<1x1x16xf32>
        tpu.vector_store %arg9[%parallel_loop3A_583, %parallel_loop3A_584, %parallel_loop3A_585], %parallel_loop3A_588 {strides = array<i32>} : memref<4x64x128xf32, #tpu.memory_space<vmem>>, vector<1x1x16xf32>,
        %parallel_loop3A_589 = arith.constant 3 : i32
        %parallel_loop3A_590 = arith.index_cast %parallel_loop3A_589 : i32 to index
        %parallel_loop3A_591 = arith.index_cast %parallel_loop3A_462 : i32 to index
        %parallel_loop3A_592 = arith.constant 96 : index
        %parallel_loop3A_593 = tpu.vector_load %arg8[%parallel_loop3A_590, %parallel_loop3A_591, %parallel_loop3A_592] {strides = array<i32>} : memref<4x64x128xf32, #tpu.memory_space<vmem>>, vector<1x1x16xf32>,
        %parallel_loop3A_594 = vector.shape_cast %parallel_loop3A_593 : vector<1x1x16xf32> to vector<16xf32>
        %parallel_loop3A_595 = arith.constant 2.000000e+00 : f32
        %parallel_loop3A_596 = vector.broadcast %parallel_loop3A_595 : f32 to vector<16xf32>
        %parallel_loop3A_597 = arith.mulf %parallel_loop3A_594, %parallel_loop3A_596 : vector<16xf32>
        %parallel_loop3A_598 = arith.index_cast %parallel_loop3A_462 : i32 to index
        %parallel_loop3A_599 = arith.constant 96 : index
        %parallel_loop3A_600 = tpu.vector_load %arg7[%parallel_loop3A_598, %parallel_loop3A_599] {strides = array<i32>} : memref<64x128xf32, #tpu.memory_space<vmem>>, vector<1x16xf32>,
        %parallel_loop3A_601 = vector.shape_cast %parallel_loop3A_600 : vector<1x16xf32> to vector<16xf32>
        %parallel_loop3A_602 = arith.addf %parallel_loop3A_597, %parallel_loop3A_601 : vector<16xf32>
        %parallel_loop3A_603 = arith.constant 3 : i32
        %parallel_loop3A_604 = arith.index_cast %parallel_loop3A_603 : i32 to index
        %parallel_loop3A_605 = arith.index_cast %parallel_loop3A_462 : i32 to index
        %parallel_loop3A_606 = arith.constant 96 : index
        %parallel_loop3A_607 = tpu.vector_load %arg9[%parallel_loop3A_604, %parallel_loop3A_605, %parallel_loop3A_606] {strides = array<i32>} : memref<4x64x128xf32, #tpu.memory_space<vmem>>, vector<1x1x16xf32>,
        %parallel_loop3A_608 = vector.shape_cast %parallel_loop3A_607 : vector<1x1x16xf32> to vector<16xf32>
        %parallel_loop3A_609 = vector.shape_cast %parallel_loop3A_602 : vector<16xf32> to vector<1x1x16xf32>
        tpu.vector_store %arg9[%parallel_loop3A_604, %parallel_loop3A_605, %parallel_loop3A_606], %parallel_loop3A_609 {strides = array<i32>} : memref<4x64x128xf32, #tpu.memory_space<vmem>>, vector<1x1x16xf32>,
        %parallel_loop3A_610 = arith.constant 3 : i32
        %parallel_loop3A_611 = arith.index_cast %parallel_loop3A_610 : i32 to index
        %parallel_loop3A_612 = arith.index_cast %parallel_loop3A_462 : i32 to index
        %parallel_loop3A_613 = arith.constant 112 : index
        %parallel_loop3A_614 = tpu.vector_load %arg8[%parallel_loop3A_611, %parallel_loop3A_612, %parallel_loop3A_613] {strides = array<i32>} : memref<4x64x128xf32, #tpu.memory_space<vmem>>, vector<1x1x16xf32>,
        %parallel_loop3A_615 = vector.shape_cast %parallel_loop3A_614 : vector<1x1x16xf32> to vector<16xf32>
        %parallel_loop3A_616 = arith.constant 2.000000e+00 : f32
        %parallel_loop3A_617 = vector.broadcast %parallel_loop3A_616 : f32 to vector<16xf32>
        %parallel_loop3A_618 = arith.mulf %parallel_loop3A_615, %parallel_loop3A_617 : vector<16xf32>
        %parallel_loop3A_619 = arith.index_cast %parallel_loop3A_462 : i32 to index
        %parallel_loop3A_620 = arith.constant 112 : index
        %parallel_loop3A_621 = tpu.vector_load %arg7[%parallel_loop3A_619, %parallel_loop3A_620] {strides = array<i32>} : memref<64x128xf32, #tpu.memory_space<vmem>>, vector<1x16xf32>,
        %parallel_loop3A_622 = vector.shape_cast %parallel_loop3A_621 : vector<1x16xf32> to vector<16xf32>
        %parallel_loop3A_623 = arith.addf %parallel_loop3A_618, %parallel_loop3A_622 : vector<16xf32>
        %parallel_loop3A_624 = arith.constant 3 : i32
        %parallel_loop3A_625 = arith.index_cast %parallel_loop3A_624 : i32 to index
        %parallel_loop3A_626 = arith.index_cast %parallel_loop3A_462 : i32 to index
        %parallel_loop3A_627 = arith.constant 112 : index
        %parallel_loop3A_628 = tpu.vector_load %arg9[%parallel_loop3A_625, %parallel_loop3A_626, %parallel_loop3A_627] {strides = array<i32>} : memref<4x64x128xf32, #tpu.memory_space<vmem>>, vector<1x1x16xf32>,
        %parallel_loop3A_629 = vector.shape_cast %parallel_loop3A_628 : vector<1x1x16xf32> to vector<16xf32>
        %parallel_loop3A_630 = vector.shape_cast %parallel_loop3A_623 : vector<16xf32> to vector<1x1x16xf32>
        tpu.vector_store %arg9[%parallel_loop3A_625, %parallel_loop3A_626, %parallel_loop3A_627], %parallel_loop3A_630 {strides = array<i32>} : memref<4x64x128xf32, #tpu.memory_space<vmem>>, vector<1x1x16xf32>,
      } {sc.loop_unroll_factor = 2 : i64, sc.parallel_access}
      %dma_start3A_437 = arith.constant 3 : i32
      %dma_start3A_438 = arith.constant 3 : i32
      %dma_start3A_439 = arith.constant 0 : i32
      %dma_start3A_440 = arith.constant 0 : i32
      %dma_start3A_441 = tpu.memref_slice %arg9[%dma_start3A_437, %dma_start3A_439, %dma_start3A_440] : memref<4x64x128xf32, #tpu.memory_space<vmem>> -> memref<1x64x128xf32, #tpu.memory_space<vmem>>
      %dma_start3A_442 = tpu.memref_squeeze %dma_start3A_441 : memref<1x64x128xf32, #tpu.memory_space<vmem>> -> memref<64x128xf32, #tpu.memory_space<vmem>>
      %dma_start3A_443 = arith.constant 0 : i32
      %dma_start3A_444 = tpu.memref_slice %arg5[%add3A_415, %multiple_of3A, %dma_start3A_443] : memref<32x2048x128xf32, #tpu.memory_space<hbm>> -> memref<1x64x128xf32, #tpu.memory_space<hbm>>
      %dma_start3A_445 = tpu.memref_squeeze %dma_start3A_444 : memref<1x64x128xf32, #tpu.memory_space<hbm>> -> memref<64x128xf32, #tpu.memory_space<hbm>>
      %dma_start3A_446 = tpu.memref_slice %arg11[%dma_start3A_438] : memref<4x!tpu.dma_semaphore, #tpu.memory_space<semaphore_mem>> -> memref<1x!tpu.dma_semaphore, #tpu.memory_space<semaphore_mem>>
      %dma_start3A_447 = tpu.memref_squeeze %dma_start3A_446 : memref<1x!tpu.dma_semaphore, #tpu.memory_space<semaphore_mem>> -> memref<!tpu.dma_semaphore, #tpu.memory_space<semaphore_mem>>
      %dma_start3A_448 = arith.constant 0 : i32
      %dma_start3A_449 = tpu.memref_slice %arg5[%add3A_415, %multiple_of3A, %dma_start3A_448] : memref<32x2048x128xf32, #tpu.memory_space<hbm>> -> memref<1x64x128xf32, #tpu.memory_space<hbm>>
      %dma_start3A_450 = tpu.memref_squeeze %dma_start3A_449 : memref<1x64x128xf32, #tpu.memory_space<hbm>> -> memref<64x128xf32, #tpu.memory_space<hbm>>
      %dma_start3A_451 = arith.constant 0 : i32
      %dma_start3A_452 = arith.constant 0 : i32
      %dma_start3A_453 = tpu.memref_slice %arg9[%dma_start3A_437, %dma_start3A_451, %dma_start3A_452] : memref<4x64x128xf32, #tpu.memory_space<vmem>> -> memref<1x64x128xf32, #tpu.memory_space<vmem>>
      %dma_start3A_454 = tpu.memref_squeeze %dma_start3A_453 : memref<1x64x128xf32, #tpu.memory_space<vmem>> -> memref<64x128xf32, #tpu.memory_space<vmem>>
      tpu.enqueue_dma source(%dma_start3A_454 : memref<64x128xf32, #tpu.memory_space<vmem>>) target(%dma_start3A_450 : memref<64x128xf32, #tpu.memory_space<hbm>>) target_semaphore(%dma_start3A_447 : memref<!tpu.dma_semaphore, #tpu.memory_space<semaphore_mem>>)
      %add3A_455 = arith.constant 4 : i32
      %add3A_456 = arith.addi %add3A_415, %add3A_455 : i32
      %lt3A_457 = arith.constant 32 : i32
      %lt3A_458 = arith.cmpi slt, %add3A_456, %lt3A_457 : i32
      %convert_element_type3A_459 = arith.extui %lt3A_458 : i1 to i32
      %cond3A_460 = arith.constant 0 : i32
      %cond3A_461 = arith.cmpi ne, %convert_element_type3A_459, %cond3A_460 : i32
      scf.if %cond3A_461 {
        %dma_start3A_462 = arith.constant 3 : i32
        %dma_start3A_463 = arith.constant 3 : i32
        %dma_start3A_464 = arith.constant 0 : i32
        %dma_start3A_465 = arith.constant 0 : i32
        %dma_start3A_466 = tpu.memref_slice %arg8[%dma_start3A_462, %dma_start3A_464, %dma_start3A_465] : memref<4x64x128xf32, #tpu.memory_space<vmem>> -> memref<1x64x128xf32, #tpu.memory_space<vmem>>
        %dma_start3A_467 = tpu.memref_squeeze %dma_start3A_466 : memref<1x64x128xf32, #tpu.memory_space<vmem>> -> memref<64x128xf32, #tpu.memory_space<vmem>>
        %dma_start3A_468 = tpu.memref_slice %arg6[%add3A_456, %sub3A_22] : memref<32x128xi32, #tpu.memory_space<vmem>> -> memref<1x64xi32, #tpu.memory_space<vmem>>
        %dma_start3A_469 = tpu.memref_squeeze %dma_start3A_468 : memref<1x64xi32, #tpu.memory_space<vmem>> -> memref<64xi32, #tpu.memory_space<vmem>>
        %dma_start3A_470 = arith.constant 0 : i32
        %dma_start3A_471 = arith.constant 0 : i32
        %dma_start3A_472 = tpu.memref_slice %arg3[%dma_start3A_470, %dma_start3A_471] : memref<100000x128xf32, #tpu.memory_space<hbm>> -> memref<100000x128xf32, #tpu.memory_space<hbm>>
        %dma_start3A_473 = tpu.memref_slice %arg10[%dma_start3A_463] : memref<4x!tpu.dma_semaphore, #tpu.memory_space<semaphore_mem>> -> memref<1x!tpu.dma_semaphore, #tpu.memory_space<semaphore_mem>>
        %dma_start3A_474 = tpu.memref_squeeze %dma_start3A_473 : memref<1x!tpu.dma_semaphore, #tpu.memory_space<semaphore_mem>> -> memref<!tpu.dma_semaphore, #tpu.memory_space<semaphore_mem>>
        tpu.enqueue_indirect_dma source(%dma_start3A_472 : memref<100000x128xf32, #tpu.memory_space<hbm>>) target(%dma_start3A_467 : memref<64x128xf32, #tpu.memory_space<vmem>>) offsets(%dma_start3A_469 : memref<64xi32, #tpu.memory_space<vmem>>) semaphore(%dma_start3A_474 : memref<!tpu.dma_semaphore, #tpu.memory_space<semaphore_mem>>)
      } else {
      }
    }
    %scan3A_189 = arith.constant 8 : i32
    %dma_wait3A_190 = arith.constant 0 : i32
    %dma_wait3A_191 = arith.constant 28 : i32
    %dma_wait3A_192 = arith.constant 0 : i32
    %dma_wait3A_193 = arith.constant 0 : i32
    %dma_wait3A_194 = arith.constant 0 : i32
    %dma_wait3A_195 = tpu.memref_slice %arg9[%dma_wait3A_190, %dma_wait3A_193, %dma_wait3A_194] : memref<4x64x128xf32, #tpu.memory_space<vmem>> -> memref<1x64x128xf32, #tpu.memory_space<vmem>>
    %dma_wait3A_196 = tpu.memref_squeeze %dma_wait3A_195 : memref<1x64x128xf32, #tpu.memory_space<vmem>> -> memref<64x128xf32, #tpu.memory_space<vmem>>
    %dma_wait3A_197 = arith.constant 0 : i32
    %dma_wait3A_198 = tpu.memref_slice %arg5[%dma_wait3A_191, %multiple_of3A, %dma_wait3A_197] : memref<32x2048x128xf32, #tpu.memory_space<hbm>> -> memref<1x64x128xf32, #tpu.memory_space<hbm>>
    %dma_wait3A_199 = tpu.memref_squeeze %dma_wait3A_198 : memref<1x64x128xf32, #tpu.memory_space<hbm>> -> memref<64x128xf32, #tpu.memory_space<hbm>>
    %dma_wait3A_200 = tpu.memref_slice %arg11[%dma_wait3A_192] : memref<4x!tpu.dma_semaphore, #tpu.memory_space<semaphore_mem>> -> memref<1x!tpu.dma_semaphore, #tpu.memory_space<semaphore_mem>>
    %dma_wait3A_201 = tpu.memref_squeeze %dma_wait3A_200 : memref<1x!tpu.dma_semaphore, #tpu.memory_space<semaphore_mem>> -> memref<!tpu.dma_semaphore, #tpu.memory_space<semaphore_mem>>
    %dma_wait3A_202 = arith.constant 0 : i32
    %dma_wait3A_203 = tpu.memref_slice %arg5[%dma_wait3A_191, %multiple_of3A, %dma_wait3A_202] : memref<32x2048x128xf32, #tpu.memory_space<hbm>> -> memref<1x64x128xf32, #tpu.memory_space<hbm>>
    %dma_wait3A_204 = tpu.memref_squeeze %dma_wait3A_203 : memref<1x64x128xf32, #tpu.memory_space<hbm>> -> memref<64x128xf32, #tpu.memory_space<hbm>>
    %dma_wait3A_205 = arith.constant 0 : i32
    %dma_wait3A_206 = arith.constant 0 : i32
    %dma_wait3A_207 = tpu.memref_slice %arg9[%dma_wait3A_190, %dma_wait3A_205, %dma_wait3A_206] : memref<4x64x128xf32, #tpu.memory_space<vmem>> -> memref<1x64x128xf32, #tpu.memory_space<vmem>>
    %dma_wait3A_208 = tpu.memref_squeeze %dma_wait3A_207 : memref<1x64x128xf32, #tpu.memory_space<vmem>> -> memref<64x128xf32, #tpu.memory_space<vmem>>
    tpu.wait_dma2 semaphore(%dma_wait3A_201 : memref<!tpu.dma_semaphore, #tpu.memory_space<semaphore_mem>>) src(%dma_wait3A_208 : memref<64x128xf32, #tpu.memory_space<vmem>>) dst(%dma_wait3A_204 : memref<64x128xf32, #tpu.memory_space<hbm>>)
    %dma_wait3A_209 = arith.constant 1 : i32
    %dma_wait3A_210 = arith.constant 29 : i32
    %dma_wait3A_211 = arith.constant 1 : i32
    %dma_wait3A_212 = arith.constant 0 : i32
    %dma_wait3A_213 = arith.constant 0 : i32
    %dma_wait3A_214 = tpu.memref_slice %arg9[%dma_wait3A_209, %dma_wait3A_212, %dma_wait3A_213] : memref<4x64x128xf32, #tpu.memory_space<vmem>> -> memref<1x64x128xf32, #tpu.memory_space<vmem>>
    %dma_wait3A_215 = tpu.memref_squeeze %dma_wait3A_214 : memref<1x64x128xf32, #tpu.memory_space<vmem>> -> memref<64x128xf32, #tpu.memory_space<vmem>>
    %dma_wait3A_216 = arith.constant 0 : i32
    %dma_wait3A_217 = tpu.memref_slice %arg5[%dma_wait3A_210, %multiple_of3A, %dma_wait3A_216] : memref<32x2048x128xf32, #tpu.memory_space<hbm>> -> memref<1x64x128xf32, #tpu.memory_space<hbm>>
    %dma_wait3A_218 = tpu.memref_squeeze %dma_wait3A_217 : memref<1x64x128xf32, #tpu.memory_space<hbm>> -> memref<64x128xf32, #tpu.memory_space<hbm>>
    %dma_wait3A_219 = tpu.memref_slice %arg11[%dma_wait3A_211] : memref<4x!tpu.dma_semaphore, #tpu.memory_space<semaphore_mem>> -> memref<1x!tpu.dma_semaphore, #tpu.memory_space<semaphore_mem>>
    %dma_wait3A_220 = tpu.memref_squeeze %dma_wait3A_219 : memref<1x!tpu.dma_semaphore, #tpu.memory_space<semaphore_mem>> -> memref<!tpu.dma_semaphore, #tpu.memory_space<semaphore_mem>>
    %dma_wait3A_221 = arith.constant 0 : i32
    %dma_wait3A_222 = tpu.memref_slice %arg5[%dma_wait3A_210, %multiple_of3A, %dma_wait3A_221] : memref<32x2048x128xf32, #tpu.memory_space<hbm>> -> memref<1x64x128xf32, #tpu.memory_space<hbm>>
    %dma_wait3A_223 = tpu.memref_squeeze %dma_wait3A_222 : memref<1x64x128xf32, #tpu.memory_space<hbm>> -> memref<64x128xf32, #tpu.memory_space<hbm>>
    %dma_wait3A_224 = arith.constant 0 : i32
    %dma_wait3A_225 = arith.constant 0 : i32
    %dma_wait3A_226 = tpu.memref_slice %arg9[%dma_wait3A_209, %dma_wait3A_224, %dma_wait3A_225] : memref<4x64x128xf32, #tpu.memory_space<vmem>> -> memref<1x64x128xf32, #tpu.memory_space<vmem>>
    %dma_wait3A_227 = tpu.memref_squeeze %dma_wait3A_226 : memref<1x64x128xf32, #tpu.memory_space<vmem>> -> memref<64x128xf32, #tpu.memory_space<vmem>>
    tpu.wait_dma2 semaphore(%dma_wait3A_220 : memref<!tpu.dma_semaphore, #tpu.memory_space<semaphore_mem>>) src(%dma_wait3A_227 : memref<64x128xf32, #tpu.memory_space<vmem>>) dst(%dma_wait3A_223 : memref<64x128xf32, #tpu.memory_space<hbm>>)
    %dma_wait3A_228 = arith.constant 2 : i32
    %dma_wait3A_229 = arith.constant 30 : i32
    %dma_wait3A_230 = arith.constant 2 : i32
    %dma_wait3A_231 = arith.constant 0 : i32
    %dma_wait3A_232 = arith.constant 0 : i32
    %dma_wait3A_233 = tpu.memref_slice %arg9[%dma_wait3A_228, %dma_wait3A_231, %dma_wait3A_232] : memref<4x64x128xf32, #tpu.memory_space<vmem>> -> memref<1x64x128xf32, #tpu.memory_space<vmem>>
    %dma_wait3A_234 = tpu.memref_squeeze %dma_wait3A_233 : memref<1x64x128xf32, #tpu.memory_space<vmem>> -> memref<64x128xf32, #tpu.memory_space<vmem>>
    %dma_wait3A_235 = arith.constant 0 : i32
    %dma_wait3A_236 = tpu.memref_slice %arg5[%dma_wait3A_229, %multiple_of3A, %dma_wait3A_235] : memref<32x2048x128xf32, #tpu.memory_space<hbm>> -> memref<1x64x128xf32, #tpu.memory_space<hbm>>
    %dma_wait3A_237 = tpu.memref_squeeze %dma_wait3A_236 : memref<1x64x128xf32, #tpu.memory_space<hbm>> -> memref<64x128xf32, #tpu.memory_space<hbm>>
    %dma_wait3A_238 = tpu.memref_slice %arg11[%dma_wait3A_230] : memref<4x!tpu.dma_semaphore, #tpu.memory_space<semaphore_mem>> -> memref<1x!tpu.dma_semaphore, #tpu.memory_space<semaphore_mem>>
    %dma_wait3A_239 = tpu.memref_squeeze %dma_wait3A_238 : memref<1x!tpu.dma_semaphore, #tpu.memory_space<semaphore_mem>> -> memref<!tpu.dma_semaphore, #tpu.memory_space<semaphore_mem>>
    %dma_wait3A_240 = arith.constant 0 : i32
    %dma_wait3A_241 = tpu.memref_slice %arg5[%dma_wait3A_229, %multiple_of3A, %dma_wait3A_240] : memref<32x2048x128xf32, #tpu.memory_space<hbm>> -> memref<1x64x128xf32, #tpu.memory_space<hbm>>
    %dma_wait3A_242 = tpu.memref_squeeze %dma_wait3A_241 : memref<1x64x128xf32, #tpu.memory_space<hbm>> -> memref<64x128xf32, #tpu.memory_space<hbm>>
    %dma_wait3A_243 = arith.constant 0 : i32
    %dma_wait3A_244 = arith.constant 0 : i32
    %dma_wait3A_245 = tpu.memref_slice %arg9[%dma_wait3A_228, %dma_wait3A_243, %dma_wait3A_244] : memref<4x64x128xf32, #tpu.memory_space<vmem>> -> memref<1x64x128xf32, #tpu.memory_space<vmem>>
    %dma_wait3A_246 = tpu.memref_squeeze %dma_wait3A_245 : memref<1x64x128xf32, #tpu.memory_space<vmem>> -> memref<64x128xf32, #tpu.memory_space<vmem>>
    tpu.wait_dma2 semaphore(%dma_wait3A_239 : memref<!tpu.dma_semaphore, #tpu.memory_space<semaphore_mem>>) src(%dma_wait3A_246 : memref<64x128xf32, #tpu.memory_space<vmem>>) dst(%dma_wait3A_242 : memref<64x128xf32, #tpu.memory_space<hbm>>)
    %dma_wait3A_247 = arith.constant 3 : i32
    %dma_wait3A_248 = arith.constant 31 : i32
    %dma_wait3A_249 = arith.constant 3 : i32
    %dma_wait3A_250 = arith.constant 0 : i32
    %dma_wait3A_251 = arith.constant 0 : i32
    %dma_wait3A_252 = tpu.memref_slice %arg9[%dma_wait3A_247, %dma_wait3A_250, %dma_wait3A_251] : memref<4x64x128xf32, #tpu.memory_space<vmem>> -> memref<1x64x128xf32, #tpu.memory_space<vmem>>
    %dma_wait3A_253 = tpu.memref_squeeze %dma_wait3A_252 : memref<1x64x128xf32, #tpu.memory_space<vmem>> -> memref<64x128xf32, #tpu.memory_space<vmem>>
    %dma_wait3A_254 = arith.constant 0 : i32
    %dma_wait3A_255 = tpu.memref_slice %arg5[%dma_wait3A_248, %multiple_of3A, %dma_wait3A_254] : memref<32x2048x128xf32, #tpu.memory_space<hbm>> -> memref<1x64x128xf32, #tpu.memory_space<hbm>>
    %dma_wait3A_256 = tpu.memref_squeeze %dma_wait3A_255 : memref<1x64x128xf32, #tpu.memory_space<hbm>> -> memref<64x128xf32, #tpu.memory_space<hbm>>
    %dma_wait3A_257 = tpu.memref_slice %arg11[%dma_wait3A_249] : memref<4x!tpu.dma_semaphore, #tpu.memory_space<semaphore_mem>> -> memref<1x!tpu.dma_semaphore, #tpu.memory_space<semaphore_mem>>
    %dma_wait3A_258 = tpu.memref_squeeze %dma_wait3A_257 : memref<1x!tpu.dma_semaphore, #tpu.memory_space<semaphore_mem>> -> memref<!tpu.dma_semaphore, #tpu.memory_space<semaphore_mem>>
    %dma_wait3A_259 = arith.constant 0 : i32
    %dma_wait3A_260 = tpu.memref_slice %arg5[%dma_wait3A_248, %multiple_of3A, %dma_wait3A_259] : memref<32x2048x128xf32, #tpu.memory_space<hbm>> -> memref<1x64x128xf32, #tpu.memory_space<hbm>>
    %dma_wait3A_261 = tpu.memref_squeeze %dma_wait3A_260 : memref<1x64x128xf32, #tpu.memory_space<hbm>> -> memref<64x128xf32, #tpu.memory_space<hbm>>
    %dma_wait3A_262 = arith.constant 0 : i32
    %dma_wait3A_263 = arith.constant 0 : i32
    %dma_wait3A_264 = tpu.memref_slice %arg9[%dma_wait3A_247, %dma_wait3A_262, %dma_wait3A_263] : memref<4x64x128xf32, #tpu.memory_space<vmem>> -> memref<1x64x128xf32, #tpu.memory_space<vmem>>
    %dma_wait3A_265 = tpu.memref_squeeze %dma_wait3A_264 : memref<1x64x128xf32, #tpu.memory_space<vmem>> -> memref<64x128xf32, #tpu.memory_space<vmem>>
    tpu.wait_dma2 semaphore(%dma_wait3A_258 : memref<!tpu.dma_semaphore, #tpu.memory_space<semaphore_mem>>) src(%dma_wait3A_265 : memref<64x128xf32, #tpu.memory_space<vmem>>) dst(%dma_wait3A_261 : memref<64x128xf32, #tpu.memory_space<hbm>>)
    return
  }
}

</mosaic_0001>

<sc_bundles>
// kernel: kernel.3.cloned.1.call-start
scs
__scs_entry_jumppad:
0x0: {  	(pc) =	sbr.rel $0x88, $3  }
0x1: {  	(tag) =	ssettag $0x0;
	lr =	simm.s32 $0x1  }
0x2: {  	[smem:$0x3F9F] =	sst lr;
	_ =	strace $0xD0000000  }
0x3: {  	_ = 	snop  }
0x4: {  	_ = 	snop  }
0x5: {  	_ = 	snop  }
0x6: {  	_ = 	snop  }
0x7: {  	_ = 	snop  }
__scs_overlays_trampoline_lowered:
0x8: {  	[smem:$0x3FAE] =	sst s0  }
0x9: {  	[smem:$0x3FAF] =	sst s1  }
0xa: {  	[smem:$0x3FB0] =	sst s2  }
0xb: {  	[smem:$0x3FB1] =	sst s3  }
0xc: {  	[smem:$0x3FB2] =	sst s4  }
0xd: {  	[smem:$0x3FB3] =	sst s5  }
0xe: {  	[smem:$0x3FB4] =	sst s6  }
0xf: {  	[smem:$0x3FB5] =	sst s7  }
0x10: {  	[smem:$0x3FB6] =	sst s8  }
0x11: {  	[smem:$0x3FB7] =	sst s9;
	s0 =	simm.s32 @!p0 $0x0  }
0x12: {  	s1 =	sld [smem:$0x3F9D];
	s0 =	simm.s32 @p0 $0x1  }
0x13: {  	[smem:$0x3FB8] =	sst s0;
	s0 =	simm.s32 @!p1 $0x0  }
0x14: {  	s2 =	sld [smem:$0x3F9C];
	s0 =	simm.s32 @p1 $0x1  }
0x15: {  	[smem:$0x3FB9] =	sst s0;
	s0 =	simm.s32 @!p2 $0x0  }
0x16: {  	s3 =	sld [smem:$0x3FDB];
	s0 =	simm.s32 @p2 $0x1  }
0x17: {  	s4 =	simm.s32 $0x1BF5;
	[smem:$0x3FBB] =	sst s0  }
0x18: {  	s0 =	sld [smem:$0x3F9E];
	_ =	swait.ge [sflag:s4], $0x0  }
0x19: {  	s7 =	sld [smem:$0x3F9F]  }
0x1a: {  	s8 =	sadd.s32 $0xFFFFE003, lr  }
0x1b: {  	s9 =	sadd.s32 $0xFFFFFEF7, lr;
	s5 =	simm.s32 $0xFFFFFFFF;
	p2 =	slt.u32 s8, $0xFFFFF086  }
0x1c: {  	p1 =	slt.u32 s9, $0xF7A;
	s5 =	simm.s32 @!p2 $0x0  }
0x1d: {  	s5 =	simm.s32 @p1 $0x1;
	p0 =	seq.s32 s7, s2  }
0x1e: {  	s7 =	smul.u32 @!p0 $0xF7A, s2;
	p2 =	seq.s32 @!p0 s5, $0x0  }
0x1f: {  	s9 =	smul.u32 $0xF7A, s1;
	s8 =	simm.s32 @!p0 $0x1BF5;
	p2 =	por !p2, p0  }
0x20: {  	[sflag:s8] =	ssyncset.s32 @!p0 $0xFFFFF086;
	s6 =	sadd.s32 @!p0 s3, s7;
	s7 =	simm.s32 @!p0 $0x108  }
0x21: {  	s3 =	sadd.s32 s3, s9;
	s6 =	sadd.s32 @!p0 $0x88, s6;
	s7 =	simm.s32 @p2 $0x1082  }
0x22: {  	[simem:s7], [sflag:s8] =	dma.local @!p0 [hbm:s6], $0xF7A  }
0x23: {  	s9 =	sor.u32 $0xD0000000, s2;
	s6 =	simm.s32 $0x108;
	_ =	swait.ge @!p0 [sflag:s8], $0x0  }
0x24: {  	s3 =	sadd.s32 $0x88, s3;
	s6 =	simm.s32 @!p1 $0x1082;
	[sflag:s4] =	ssyncset.s32 $0xFFFFF086  }
0x25: {  	[simem:s6], [sflag:s4] =	dma.local [hbm:s3], $0xF7A  }
0x26: {  	[smem:$0x3F9F] =	sst s1;
	(tag) =	ssettag s2;
	_ =	strace s9  }
0x27: {  	s1 =	sld [smem:$0x3FAF]  }
0x28: {  	s2 =	sld [smem:$0x3FB0]  }
0x29: {  	s4 =	sld [smem:$0x3FB2]  }
0x2a: {  	p0 =	seq.s32 s5, $0x0;
	s5 =	sld [smem:$0x3FB3]  }
0x2b: {  	s6 =	sld [smem:$0x3FB4]  }
0x2c: {  	s7 =	sld [smem:$0x3FB5]  }
0x2d: {  	s3 =	simm.s32 $0x108;
	s8 =	sld [smem:$0x3FB6]  }
0x2e: {  	s3 =	simm.s32 @!p0 $0x1082;
	s9 =	sld [smem:$0x3FB7]  }
0x2f: {  	lr =	sadd.s32 s0, s3;
	s0 =	sld [smem:$0x3FAE]  }
0x30: {  	s3 =	sld [smem:$0x3FB1]  }
0x31: {  	[smem:$0x3FBA] =	sst s10  }
0x32: {  	s10 =	sld [smem:$0x3FB8];
	_ =	sdelay $0x3  }
0x33: {  	p0 =	seq.s32 s10, $0x1;
	s10 =	sld [smem:$0x3FBA];
	_ =	sdelay $0x3  }
0x34: {  	[smem:$0x3FBA] =	sst s10  }
0x35: {  	s10 =	sld [smem:$0x3FB9];
	_ =	sdelay $0x3  }
0x36: {  	p1 =	seq.s32 s10, $0x1;
	s10 =	sld [smem:$0x3FBA];
	_ =	sdelay $0x3  }
0x37: {  	[smem:$0x3FBA] =	sst s10  }
0x38: {  	s10 =	sld [smem:$0x3FBB]  }
0x39: {  	_ = 	snop;
	(pc) =	sbr.ind lr, $3  }
0x3a: {  	_ = 	snop  }
0x3b: {  	_ = 	snop  }
0x3c: {  	p2 =	seq.s32 s10, $0x1;
	s10 =	sld [smem:$0x3FBA]  }
0x3d: {  	_ =	shalt  }
0x3e: {  	_ =	shalt  }
0x3f: {  	_ =	shalt  }
0x40: {  	_ =	shalt  }
0x41: {  	_ =	shalt  }
0x42: {  	_ =	shalt  }
0x43: {  	_ =	shalt  }
0x44: {  	_ =	shalt  }
0x45: {  	_ =	shalt  }
0x46: {  	_ =	shalt  }
0x47: {  	_ =	shalt  }
0x48: {  	_ =	shalt  }
0x49: {  	_ =	shalt  }
0x4a: {  	_ =	shalt  }
0x4b: {  	_ =	shalt  }
0x4c: {  	_ =	shalt  }
0x4d: {  	_ =	shalt  }
0x4e: {  	_ =	shalt  }
0x4f: {  	_ =	shalt  }
0x50: {  	_ =	shalt  }
0x51: {  	_ =	shalt  }
0x52: {  	_ =	shalt  }
0x53: {  	_ =	shalt  }
0x54: {  	_ =	shalt  }
0x55: {  	_ =	shalt  }
0x56: {  	_ =	shalt  }
0x57: {  	_ =	shalt  }
0x58: {  	_ =	shalt  }
0x59: {  	_ =	shalt  }
0x5a: {  	_ =	shalt  }
0x5b: {  	_ =	shalt  }
0x5c: {  	_ =	shalt  }
0x5d: {  	_ =	shalt  }
0x5e: {  	_ =	shalt  }
0x5f: {  	_ =	shalt  }
0x60: {  	_ =	shalt  }
0x61: {  	_ =	shalt  }
0x62: {  	_ =	shalt  }
0x63: {  	_ =	shalt  }
0x64: {  	_ =	shalt  }
0x65: {  	_ =	shalt  }
0x66: {  	_ =	shalt  }
0x67: {  	_ =	shalt  }
0x68: {  	_ =	shalt  }
0x69: {  	_ =	shalt  }
0x6a: {  	_ =	shalt  }
0x6b: {  	_ =	shalt  }
0x6c: {  	_ =	shalt  }
0x6d: {  	_ =	shalt  }
0x6e: {  	_ =	shalt  }
0x6f: {  	_ =	shalt  }
0x70: {  	_ =	shalt  }
0x71: {  	_ =	shalt  }
0x72: {  	_ =	shalt  }
0x73: {  	_ =	shalt  }
0x74: {  	_ =	shalt  }
0x75: {  	_ =	shalt  }
0x76: {  	_ =	shalt  }
0x77: {  	_ =	shalt  }
0x78: {  	_ =	shalt  }
0x79: {  	_ =	shalt  }
0x7a: {  	_ =	shalt  }
0x7b: {  	_ =	shalt  }
0x7c: {  	_ =	shalt  }
0x7d: {  	_ =	shalt  }
0x7e: {  	_ =	shalt  }
0x7f: {  	_ =	shalt  }
0x80: {  	_ =	shalt  }
0x81: {  	_ =	shalt  }
0x82: {  	_ =	shalt  }
0x83: {  	_ =	shalt  }
0x84: {  	_ =	shalt  }
0x85: {  	_ =	shalt  }
0x86: {  	_ =	shalt  }
0x87: {  	_ =	shalt  }
.Lfunc_end0:
.L_simem_size_0:
called_computation_lowered:
.L_overlay_start_0:
0x88: {  	s2 =	sld [smem:$0x3FD9]  }
0x89: {  	s3 =	sld [smem:$0x3FFE];
	_ =	sdelay $0x1  }
0x8a: {  	s1 =	srdreg.scid  }
0x8b: {  	s0 =	sand.u32 $0x1, s1  }
0x8c: {  	s17 =	sshll.u32 s0, $0xA;
	s2 =	sadd.s32 s3, s2  }
0x8d: {  	s2 =	sadd.s32 s2, s17  }
0x8e: {  	[smem:$0x3FC6] =	sst s2  }
0x8f: {  	_ = 	snop  }
0x90: {  	s2 =	sld [smem:$0x3FC9]  }
0x91: {  	s18 =	sld [smem:$0x3FC8]  }
0x92: {  	s4 =	sld [smem:$0x3FD0];
	(tm) =	ssettm $0x1  }
0x93: {  	s5 =	sld [smem:$0x3FFB];
	_ =	sdelay $0x3  }
0x94: {  	_ =	strace s5  }
0x95: {  	s5 =	sld [smem:$0x3FFC];
	_ =	sdelay $0x3  }
0x96: {  	_ =	strace s5  }
0x97: {  	s5 =	sld [smem:$0x3FFD];
	_ =	sdelay $0x3  }
0x98: {  	_ =	strace s5  }
0x99: {  	_ =	strace $0x8FFFFFFF  }
0x9a: {  	s19 =	sld [smem:$0x3FDB];
	_ =	sdelay $0x1  }
0x9b: {  	s6 =	simm.s32 $_scs_section_size  }
0x9c: {  	s7 =	simm.s32 $_size__tile_overlayer_lowered;
	s8 =	simm.s32 $_tile_overlayer_lowered  }
0x9d: {  	s22 =	simm.s32 $0x1BFF;
	s21 =	sshll.u32 s8, $0x1;
	s5 =	sadd.s32 s6, s19  }
0x9e: {  	s9 =	simm.s32 $0x0;
	s20 =	sshll.u32 s7, $0x1;
	s7 =	sadd.s32 s21, s5  }
0x9f: {  	[timem:s9], [sflag:s22] =	dma.local [hbm:s7], s20  }
0xa0: {  	_ =	swait.ge [sflag:s22], s20  }
0xa1: {  	s6 =	ssub.s32 $0x0, s20;
	[sflag:s22] =	ssyncset.done $0x0  }
0xa2: {  	[sflag:s22] =	ssyncadd.s32 s6;
	_ =	sdelay $0x1  }
0xa3: {  	s23 =	simm.s32 $0x1B8B  }
0xa4: {  	_ =	swait.ge [sflag:s23], $0x1  }
0xa5: {  	[sflag:s23] =	ssyncset.done $0x0  }
0xa6: {  	s25 =	simm.s32 $0x1B8E;
	s24 =	sld [smem:$0x3FFE];
	[sflag:s23] =	ssyncadd.s32 $0xFFFFFFFF  }
0xa7: {  	s26 =	simm.s32 $execute0_lowered;
	[smem:$0x3FD2] =	sst s25  }
0xa8: {  	s7 =	sshll.u32 s26, $0x1;
	_ =	strace $0x80000046;
	[dreg:$0x1] =	wrdreg $0xFFFFFFFF  }
0xa9: {  	s28 =	simm.s32 $_size_execute0_lowered;
	s5 =	sadd.s32 s5, s7;
	[dreg:$0x0] =	wrdreg $0x0  }
0xaa: {  	s7 =	sshll.u32 s28, $0x1;
	[dreg:$0x2] =	wrdreg s5  }
0xab: {  	[dreg:$0x3] =	wrdreg s7  }
0xac: {  	[dreg:$0x4] =	wrdreg $0xC0  }
0xad: {  	_ =	task [dreg:s9], $0x5FFFF  }
0xae: {  	[dreg:$0x1] =	wrdreg $0xFFFFFFFF  }
0xaf: {  	[dreg:$0x0] =	wrdreg $0x60  }
0xb0: {  	[dreg:$0x2] =	wrdreg s2  }
0xb1: {  	[dreg:$0x3] =	wrdreg s18  }
0xb2: {  	[dreg:$0x4] =	wrdreg s24  }
0xb3: {  	[dreg:$0x5] =	wrdreg s4  }
0xb4: {  	[dreg:$0x6] =	wrdreg $0x9  }
0xb5: {  	_ =	task.clear_ibuf [dreg:s9], $0x7FFFF;
	_ =	strace $0x90000046  }
0xb6: {  	s29 =	simm.s32 $0x9;
	_ =	strace $0x80000048  }
0xb7: {  	_ =	swait.ge [sflag:s29], $0x1  }
0xb8: {  	[sflag:s29] =	ssyncadd.s32 $0xFFFFFFFF  }
0xb9: {  	_ =	strace $0x90000048  }
0xba: {  	_ =	sfence  }
0xbb: {  	s30 =	sld [smem:$0x0];
	_ =	sdelay $0x2  }
0xbc: {  	s31 =	sshll.u32 s1, $0xD;
	s1 =	sshrl.u32 s1, $0x2  }
0xbd: {  	s3 =	sand.u32 $0x4000, s31;
	s1 =	sadd.s32 s1, s30  }
0xbe: {  	s0 =	sor.u32 s3, s0;
	s1 =	sshll.u32 s1, $0x11  }
0xbf: {  	s0 =	sor.u32 s1, s0  }
0xc0: {  	s0 =	sadd.s32 $0x8F2B, s0  }
0xc1: {  	[sflag:s0] =	ssyncadd.remote.s32 $0x1  }
0xc2: {  	_ =	sfence.sel $0xFFFF  }
0xc3: {  	[dreg:$0x0] =	wrdreg $0xFFFFFFFF;
	(pc) =	sbr.abs _section_cstart, $3  }
0xc4: {  	[dreg:$0x1] =	wrdreg $0xFFFFFFFF  }
0xc5: {  	_ =	task.clear_ibuf [dreg:s9], $0x2FFFF;
	_ =	strace $0x9FFFFFFF  }
0xc6: {  	(tm) =	ssettm $0x7FFFFFFF  }
0xc7: {  	_ =	shalt  }
tec
execute0_lowered:
.L_overlay_start_1:
0x0: {  	(tag) =	ssettag $0x1  }
0x1: {  	s1 =	rddreg [dreg:$0x0]  }
0x2: {  	s2 =	rddreg [dreg:$0x1]  }
0x3: {  	s0 =	rddreg [dreg:$0x2]  }
0x4: {  	s3 =	srdreg.scid;
	s7 =	stileid.u32  }
0x5: {  	s12 =	rddreg [dreg:$0x3];
	s5 =	simm.s32 $0x0;
	s6 =	simm.s32 $0x1  }
0x6: {  	s11 =	simm.s32 $0x1;
	s28 =	simm.s32 $0x9;
	s29 =	simm.s32 $0x40  }
0x7: {  	s15 =	simm.s32 $0x3;
	s16 =	simm.s32 $0x7;
	s3 =	sand.u32 $0x1, s3  }
0x8: {  	s4 =	sshll.u32 s7, $0x1;
	[smem:$0x7FF] =	sst s5;
	s26 =	sadd.s32 $0x8000, s12  }
0x9: {  	s30 =	sadd.s32 $0x10000, s12;
	s4 =	sor.u32 s3, s4;
	p1 =	seq.s32 s3, $0x1  }
0xa: {  	_ =	strace $0x80000047;
	[dreg:$0xf] =	wrdreg s26;
	p0 =	seq.s32 s4, $0x0  }
0xb: {  	s3 =	ssub.s32 $0x2, s3;
	[dreg:$0x10] =	wrdreg s30;
	p0 =	por !p0, !p1  }
0xc: {  	s8 =	sshll.u32 s4, $0xA;
	s17 =	sshrl.u32 s3, $0x1;
	p0 =	por !p0, !p0  }
0xd: {  	s4 =	sshll.u32 s4, $0x6;
	[dreg:$0x5] =	wrdreg s8;
	s6 =	simm.s32 @!p0 $0x0  }
0xe: {  	s0 =	sadd.s32 s8, s0;
	s3 =	ssub.s32 s3, s17;
	s6 =	ssub.s32 s7, s6  }
0xf: {  	s10 =	sand.u32 $0x40, s4;
	s0 =	sadd.s32 $0x400, s0;
	s7 =	sshll.u32 s6, $0xA  }
0x10: {  	s31 =	smax.u32 s3, $0x1;
	[dreg:$0xe] =	wrdreg s0;
	s19 =	sshrl.u32 s7, $0x3  }
0x11: {  	s3 =	simm.s32 $0x0;
	[dreg:$0x11] =	wrdreg s31;
	s8 =	sadd.s32 s1, s19  }
0x12: {  	s9 =	sshll.u32 s6, $0x7;
	s20 =	sadd.s32 $0x10, s8;
	[dreg:$0x6] =	wrdreg s8  }
0x13: {  	s18 =	ssub.s32 s4, s9;
	s22 =	sadd.s32 $0x20, s8;
	[dreg:$0x7] =	wrdreg s20  }
0x14: {  	s9 =	sand.u32 $0xFFFFFF80, s18;
	s23 =	sadd.s32 $0x30, s8;
	[dreg:$0x9] =	wrdreg s22  }
.Ltmp0:
0x15: {  	s21 =	sor.u32 s10, s9;
	[dreg:$0xa] =	wrdreg s23;
	(pc) =	sbr.rel .LBB2_1-.Ltmp0, $4  }
0x16: {  	s18 =	simm.s32 $0x4;
	s24 =	sadd.s32 $0x80, s21;
	[dreg:$0x8] =	wrdreg s21  }
0x17: {  	s19 =	simm.s32 $0x8;
	s25 =	sadd.s32 $0x100, s21;
	[dreg:$0xb] =	wrdreg s24  }
0x18: {  	s4 =	sadd.s32 $0x180, s21;
	s22 =	sadd.s32 $0x18000, s12;
	[dreg:$0xc] =	wrdreg s25  }
0x19: {  	s12 =	simm.s32 $0x6;
	[dreg:$0xd] =	wrdreg s4;
	s24 =	simm.s32 $0x2  }
.LBB2_26:
0x1a: {  	s0 =	simm.s32 $0x5  }
0x1b: {  	_ =	swait.ge [sflag:s0], $0x2000  }
0x1c: {  	[sflag:s0] =	ssyncset.done $0x0  }
0x1d: {  	[sflag:s0] =	ssyncadd.s32 $0xFFFFE000  }
0x1e: {  	_ =	swait.ge [sflag:s12], $0x2000  }
0x1f: {  	[sflag:s12] =	ssyncset.done $0x0  }
0x20: {  	[sflag:s12] =	ssyncadd.s32 $0xFFFFE000  }
0x21: {  	_ =	swait.ge [sflag:s16], $0x2000  }
0x22: {  	[sflag:s16] =	ssyncset.done $0x0  }
0x23: {  	[sflag:s16] =	ssyncadd.s32 $0xFFFFE000  }
0x24: {  	_ =	swait.ge [sflag:s19], $0x2000  }
0x25: {  	s3 =	rddreg [dreg:$0x12]  }
0x26: {  	s31 =	rddreg [dreg:$0x11];
	s3 =	sadd.s32 $0x1, s3  }
0x27: {  	p0 =	sne.s32 s3, s31  }
.Ltmp1:
0x28: {  	_ = 	snop;
	(pc) =	sbr.rel @!p0 .LBB2_27-.Ltmp1, $3  }
0x29: {  	_ =	sdelay $0x1  }
0x2a: {  	[sflag:s19] =	ssyncset.done $0x0  }
0x2b: {  	[sflag:s19] =	ssyncadd.s32 $0xFFFFE000  }
.LBB2_1:
0x2c: {  	[dreg:$0x12] =	wrdreg s3  }
0x2d: {  	s0 =	rddreg [dreg:$0x6]  }
0x2e: {  	[tilespmem:s5], [sflag:$0x9] =	stream.linear.gather [hbm4b:s0+s5], $0x80, $0x38;
	[tilespmem:$0x13000] =	vst v63  }
0x2f: {  	s30 =	rddreg [dreg:$0x7];
	s31 =	simm.s32 $0x80  }
0x30: {  	[tilespmem:s31], [sflag:$0x9] =	stream.linear.gather [hbm4b:s30+s5], $0x80, $0x38;
	[tilespmem:$0x13000] =	vst v63  }
0x31: {  	s4 =	rddreg [dreg:$0x9];
	s6 =	simm.s32 $0x100  }
0x32: {  	[tilespmem:s6], [sflag:$0x9] =	stream.linear.gather [hbm4b:s4+s5], $0x80, $0x38;
	[tilespmem:$0x13000] =	vst v63  }
0x33: {  	s8 =	rddreg [dreg:$0xa];
	s13 =	simm.s32 $0x180  }
0x34: {  	[tilespmem:s13], [sflag:$0x9] =	stream.linear.gather [hbm4b:s8+s5], $0x80, $0x38;
	[tilespmem:$0x13000] =	vst v63  }
0x35: {  	_ =	swait.ge [sflag:s28], $0x80  }
0x36: {  	[sflag:s28] =	ssyncset.done $0x0  }
0x37: {  	[sflag:s28] =	ssyncadd.s32 $0xFFFFFF80  }
0x38: {  	_ =	swait.ge [sflag:s28], $0x80  }
0x39: {  	[sflag:s28] =	ssyncset.done $0x0  }
0x3a: {  	[sflag:s28] =	ssyncadd.s32 $0xFFFFFF80  }
0x3b: {  	_ =	swait.ge [sflag:s28], $0x80  }
0x3c: {  	[sflag:s28] =	ssyncset.done $0x0  }
0x3d: {  	[sflag:s28] =	ssyncadd.s32 $0xFFFFFF80  }
0x3e: {  	s17 =	simm.s32 $0x3000;
	s21 =	simm.s32 $0x5000;
	_ =	swait.ge [sflag:s28], $0x80  }
0x3f: {  	s0 =	simm.s32 $0x200;
	s31 =	simm.s32 $0x2000;
	[sflag:s28] =	ssyncset.done $0x0  }
0x40: {  	s3 =	sand.u32 $0xC000, s31;
	s14 =	rddreg [dreg:$0x8];
	[sflag:s28] =	ssyncadd.s32 $0xFFFFFF80  }
0x41: {  	[tilespmem:s17], [sflag:$0x1] =	stream.indirect.gather [hbm4b:s2+s29], $0x80, s14, s29, $0xb8;
	[tilespmem:$0x13000] =	vst v63  }
0x42: {  	s3 =	sadd.s32 s7, s3;
	s4 =	sand.u32 $0x380, s0;
	s20 =	rddreg [dreg:$0xb]  }
0x43: {  	[tilespmem:s21], [sflag:$0x2] =	stream.indirect.gather [hbm4b:s2+s29], $0x80, s20, s29, $0xb8;
	[tilespmem:$0x13000] =	vst v63  }
0x44: {  	s25 =	simm.s32 $0x7000;
	s3 =	sor.u32 s4, s3;
	s23 =	rddreg [dreg:$0xc]  }
0x45: {  	[tilespmem:s25], [sflag:$0x3] =	stream.indirect.gather [hbm4b:s2+s29], $0x80, s23, s29, $0xb8;
	[tilespmem:$0x13000] =	vst v63  }
0x46: {  	s30 =	simm.s32 $0x9000;
	s3 =	sshrl.u32 s3, $0x3;
	s26 =	rddreg [dreg:$0xd]  }
0x47: {  	[tilespmem:s30], [sflag:$0x4] =	stream.indirect.gather [hbm4b:s2+s29], $0x80, s26, s29, $0xb8;
	[tilespmem:$0x13000] =	vst v63  }
0x48: {  	s3 =	sadd.s32 s1, s3  }
0x49: {  	[tilespmem:s0], [sflag:$0x9] =	stream.linear.gather [hbm4b:s3+s5], $0x80, $0x38;
	[tilespmem:$0x13000] =	vst v63  }
0x4a: {  	s4 =	simm.s32 $0x280;
	s3 =	simm.s32 $0x2800  }
.LBB2_2:
0x4b: {  	s6 =	sand.u32 $0xC000, s3;
	p0 =	sne.s32 s3, $0xF800;
	s3 =	sadd.s32 $0x800, s3  }
.Ltmp2:
0x4c: {  	s8 =	sand.u32 $0x380, s4;
	s6 =	sadd.s32 s7, s6;
	(pc) =	sbr.rel @p0 .LBB2_2-.Ltmp2, $4  }
0x4d: {  	s6 =	sor.u32 s8, s6  }
0x4e: {  	s6 =	sshrl.u32 s6, $0x3  }
0x4f: {  	s4 =	sadd.s32 $0x80, s4;
	s0 =	sadd.s32 $0x80, s0;
	s6 =	sadd.s32 s1, s6  }
0x50: {  	[tilespmem:s0], [sflag:$0x9] =	stream.linear.gather [hbm4b:s6+s5], $0x80, $0x38;
	[tilespmem:$0x13000] =	vst v63  }
0x51: {  	s25 =	simm.s32 $0x0  }
0x52: {  	s0 =	rddreg [dreg:$0xe];
	s3 =	simm.s32 $0x1000;
	s31 =	simm.s32 $0xA  }
0x53: {  	[tilespmem:s3], [sflag:$0xA] =	stream.linear.gather [hbm4b:s0+s25], $0x2000, $0x38;
	[tilespmem:$0x13000] =	vst v63  }
0x54: {  	_ =	swait.ge [sflag:s31], $0x2000  }
0x55: {  	[sflag:s31] =	ssyncset.done $0x0  }
0x56: {  	[sflag:s31] =	ssyncadd.s32 $0xFFFFE000  }
0x57: {  	_ =	swait.ge [sflag:s28], $0x80  }
0x58: {  	[sflag:s28] =	ssyncset.done $0x0  }
0x59: {  	[sflag:s28] =	ssyncadd.s32 $0xFFFFFF80  }
0x5a: {  	_ =	swait.ge [sflag:s28], $0x80  }
0x5b: {  	[sflag:s28] =	ssyncset.done $0x0  }
0x5c: {  	[sflag:s28] =	ssyncadd.s32 $0xFFFFFF80  }
0x5d: {  	_ =	swait.ge [sflag:s28], $0x80  }
0x5e: {  	[sflag:s28] =	ssyncset.done $0x0  }
0x5f: {  	[sflag:s28] =	ssyncadd.s32 $0xFFFFFF80  }
0x60: {  	_ =	swait.ge [sflag:s28], $0x80  }
0x61: {  	[sflag:s28] =	ssyncset.done $0x0  }
0x62: {  	[sflag:s28] =	ssyncadd.s32 $0xFFFFFF80  }
0x63: {  	_ =	swait.ge [sflag:s28], $0x80  }
0x64: {  	[sflag:s28] =	ssyncset.done $0x0  }
0x65: {  	[sflag:s28] =	ssyncadd.s32 $0xFFFFFF80  }
0x66: {  	_ =	swait.ge [sflag:s28], $0x80  }
0x67: {  	[sflag:s28] =	ssyncset.done $0x0  }
0x68: {  	[sflag:s28] =	ssyncadd.s32 $0xFFFFFF80  }
0x69: {  	_ =	swait.ge [sflag:s28], $0x80  }
0x6a: {  	[sflag:s28] =	ssyncset.done $0x0  }
0x6b: {  	[sflag:s28] =	ssyncadd.s32 $0xFFFFFF80  }
0x6c: {  	_ =	swait.ge [sflag:s28], $0x80  }
0x6d: {  	[sflag:s28] =	ssyncset.done $0x0  }
0x6e: {  	[sflag:s28] =	ssyncadd.s32 $0xFFFFFF80  }
0x6f: {  	_ =	swait.ge [sflag:s28], $0x80  }
0x70: {  	[sflag:s28] =	ssyncset.done $0x0  }
0x71: {  	[sflag:s28] =	ssyncadd.s32 $0xFFFFFF80  }
0x72: {  	_ =	swait.ge [sflag:s28], $0x80  }
0x73: {  	[sflag:s28] =	ssyncset.done $0x0  }
0x74: {  	[sflag:s28] =	ssyncadd.s32 $0xFFFFFF80  }
0x75: {  	_ =	swait.ge [sflag:s28], $0x80  }
0x76: {  	[sflag:s28] =	ssyncset.done $0x0  }
0x77: {  	[sflag:s28] =	ssyncadd.s32 $0xFFFFFF80  }
0x78: {  	_ =	swait.ge [sflag:s28], $0x80  }
0x79: {  	[sflag:s28] =	ssyncset.done $0x0  }
0x7a: {  	[sflag:s28] =	ssyncadd.s32 $0xFFFFFF80  }
0x7b: {  	_ =	swait.ge [sflag:s28], $0x80  }
0x7c: {  	[sflag:s28] =	ssyncset.done $0x0  }
0x7d: {  	[sflag:s28] =	ssyncadd.s32 $0xFFFFFF80  }
0x7e: {  	_ =	swait.ge [sflag:s28], $0x80  }
0x7f: {  	[sflag:s28] =	ssyncset.done $0x0  }
0x80: {  	[sflag:s28] =	ssyncadd.s32 $0xFFFFFF80  }
0x81: {  	_ =	swait.ge [sflag:s28], $0x80  }
0x82: {  	[sflag:s28] =	ssyncset.done $0x0  }
0x83: {  	[sflag:s28] =	ssyncadd.s32 $0xFFFFFF80  }
0x84: {  	_ =	swait.ge [sflag:s28], $0x80  }
0x85: {  	[sflag:s28] =	ssyncset.done $0x0  }
0x86: {  	[sflag:s28] =	ssyncadd.s32 $0xFFFFFF80  }
0x87: {  	_ =	swait.ge [sflag:s28], $0x80  }
0x88: {  	[sflag:s28] =	ssyncset.done $0x0  }
0x89: {  	[sflag:s28] =	ssyncadd.s32 $0xFFFFFF80  }
0x8a: {  	_ =	swait.ge [sflag:s28], $0x80  }
0x8b: {  	[sflag:s28] =	ssyncset.done $0x0  }
0x8c: {  	[sflag:s28] =	ssyncadd.s32 $0xFFFFFF80  }
0x8d: {  	_ =	swait.ge [sflag:s28], $0x80  }
0x8e: {  	[sflag:s28] =	ssyncset.done $0x0  }
0x8f: {  	[sflag:s28] =	ssyncadd.s32 $0xFFFFFF80  }
0x90: {  	_ =	swait.ge [sflag:s28], $0x80  }
0x91: {  	[sflag:s28] =	ssyncset.done $0x0  }
0x92: {  	[sflag:s28] =	ssyncadd.s32 $0xFFFFFF80  }
0x93: {  	_ =	swait.ge [sflag:s28], $0x80  }
0x94: {  	[sflag:s28] =	ssyncset.done $0x0  }
0x95: {  	[sflag:s28] =	ssyncadd.s32 $0xFFFFFF80  }
0x96: {  	_ =	swait.ge [sflag:s28], $0x80  }
0x97: {  	[sflag:s28] =	ssyncset.done $0x0  }
0x98: {  	[sflag:s28] =	ssyncadd.s32 $0xFFFFFF80  }
0x99: {  	_ =	swait.ge [sflag:s28], $0x80  }
0x9a: {  	[sflag:s28] =	ssyncset.done $0x0  }
0x9b: {  	[sflag:s28] =	ssyncadd.s32 $0xFFFFFF80  }
0x9c: {  	_ =	swait.ge [sflag:s28], $0x80  }
0x9d: {  	[sflag:s28] =	ssyncset.done $0x0  }
0x9e: {  	[sflag:s28] =	ssyncadd.s32 $0xFFFFFF80  }
0x9f: {  	_ =	swait.ge [sflag:s28], $0x80  }
0xa0: {  	[sflag:s28] =	ssyncset.done $0x0  }
0xa1: {  	[sflag:s28] =	ssyncadd.s32 $0xFFFFFF80  }
0xa2: {  	_ =	swait.ge [sflag:s28], $0x80  }
0xa3: {  	[sflag:s28] =	ssyncset.done $0x0  }
0xa4: {  	[sflag:s28] =	ssyncadd.s32 $0xFFFFFF80  }
0xa5: {  	_ =	swait.ge [sflag:s28], $0x80  }
0xa6: {  	[sflag:s28] =	ssyncset.done $0x0  }
0xa7: {  	[sflag:s28] =	ssyncadd.s32 $0xFFFFFF80  }
0xa8: {  	_ =	swait.ge [sflag:s28], $0x80  }
0xa9: {  	[sflag:s28] =	ssyncset.done $0x0  }
0xaa: {  	[sflag:s28] =	ssyncadd.s32 $0xFFFFFF80  }
.LBB2_4:
0xab: {  	_ =	swait.ge [sflag:s11], $0x2000  }
0xac: {  	p0 =	seq.s32 s25, $0x0;
	[sflag:s11] =	ssyncset.done $0x0  }
0xad: {  	s0 =	simm.s32 @!p0 $0x5;
	[sflag:s11] =	ssyncadd.s32 $0xFFFFE000  }
0xae: {  	_ =	swait.ge @!p0 [sflag:s0], $0x2000  }
0xaf: {  	[sflag:s0] =	ssyncset.done @!p0 $0x0  }
0xb0: {  	s6 =	simm.s32 $0x3080;
	[sflag:s0] =	ssyncadd.s32 @!p0 $0xFFFFE000  }
0xb1: {  	v0 =	vld [tilespmem:s6+$0x0]  }
0xb2: {  	s30 =	simm.s32 $0x1080  }
0xb3: {  	v1 =	vld [tilespmem:s30+$0x0];
	_ =	sdelay $0x2  }
0xb4: {  	v0 =	vadd.f32 v0, v0;
	_ =	sdelay $0x1  }
0xb5: {  	v2 =	vld [tilespmem:s6+$0xFFFFFF80];
	v0 =	vadd.f32 v1, v0  }
0xb6: {  	s13 =	simm.s32 $0xB080  }
0xb7: {  	v1 =	vld [tilespmem:s30+$0xFFFFFF80];
	[tilespmem:s13+$0x0] =	vst v0  }
0xb8: {  	v0 =	vld [tilespmem:s6+$0x10];
	_ =	sdelay $0x1  }
0xb9: {  	v2 =	vadd.f32 v2, v2;
	v3 =	vld [tilespmem:s30+$0x10];
	_ =	sdelay $0x1  }
0xba: {  	v1 =	vadd.f32 v1, v2  }
0xbb: {  	v0 =	vadd.f32 v0, v0  }
0xbc: {  	[tilespmem:s13+$0xFFFFFF80] =	vst v1  }
0xbd: {  	v1 =	vld [tilespmem:s6+$0xFFFFFF90];
	v0 =	vadd.f32 v3, v0;
	_ =	sdelay $0x1  }
0xbe: {  	v2 =	vld [tilespmem:s30+$0xFFFFFF90];
	[tilespmem:s13+$0x10] =	vst v0  }
0xbf: {  	v0 =	vld [tilespmem:s6+$0x20];
	_ =	sdelay $0x1  }
0xc0: {  	v1 =	vadd.f32 v1, v1;
	v3 =	vld [tilespmem:s30+$0x20];
	_ =	sdelay $0x1  }
0xc1: {  	v1 =	vadd.f32 v2, v1  }
0xc2: {  	v0 =	vadd.f32 v0, v0  }
0xc3: {  	[tilespmem:s13+$0xFFFFFF90] =	vst v1  }
0xc4: {  	v1 =	vld [tilespmem:s6+$0xFFFFFFA0];
	v0 =	vadd.f32 v3, v0;
	_ =	sdelay $0x1  }
0xc5: {  	v2 =	vld [tilespmem:s30+$0xFFFFFFA0];
	[tilespmem:s13+$0x20] =	vst v0  }
0xc6: {  	s4 =	simm.s32 $0x3180;
	v0 =	vld [tilespmem:s6+$0x30]  }
0xc7: {  	v3 =	vld [tilespmem:s4+$0x0]  }
0xc8: {  	s3 =	simm.s32 $0x1180;
	v1 =	vadd.f32 v1, v1;
	v4 =	vld [tilespmem:s30+$0x30]  }
0xc9: {  	v5 =	vld [tilespmem:s3+$0x0]  }
0xca: {  	v1 =	vadd.f32 v2, v1  }
0xcb: {  	v2 =	vld [tilespmem:s4+$0xFFFFFF80];
	v0 =	vadd.f32 v0, v0  }
0xcc: {  	v3 =	vadd.f32 v3, v3;
	[tilespmem:s13+$0xFFFFFFA0] =	vst v1;
	v1 =	vld [tilespmem:s3+$0xFFFFFF80]  }
0xcd: {  	v6 =	vld [tilespmem:s6+$0xFFFFFFB0];
	v0 =	vadd.f32 v4, v0  }
0xce: {  	v3 =	vadd.f32 v5, v3  }
0xcf: {  	s31 =	simm.s32 $0xB180;
	v4 =	vld [tilespmem:s30+$0xFFFFFFB0];
	[tilespmem:s13+$0x30] =	vst v0  }
0xd0: {  	[tilespmem:s31+$0x0] =	vst v3;
	v0 =	vadd.f32 v2, v2;
	v2 =	vld [tilespmem:s6+$0x40]  }
0xd1: {  	v3 =	vld [tilespmem:s4+$0x10]  }
0xd2: {  	v5 =	vld [tilespmem:s30+$0x40];
	v0 =	vadd.f32 v1, v0;
	v1 =	vadd.f32 v6, v6  }
0xd3: {  	v6 =	vld [tilespmem:s3+$0x10]  }
0xd4: {  	[tilespmem:s31+$0xFFFFFF80] =	vst v0;
	v0 =	vadd.f32 v4, v1  }
0xd5: {  	v1 =	vld [tilespmem:s4+$0xFFFFFF90];
	v2 =	vadd.f32 v2, v2  }
0xd6: {  	v3 =	vadd.f32 v3, v3;
	[tilespmem:s13+$0xFFFFFFB0] =	vst v0;
	v0 =	vld [tilespmem:s3+$0xFFFFFF90]  }
0xd7: {  	v4 =	vld [tilespmem:s6+$0xFFFFFFC0];
	v2 =	vadd.f32 v5, v2  }
0xd8: {  	v3 =	vadd.f32 v6, v3  }
0xd9: {  	v5 =	vld [tilespmem:s30+$0xFFFFFFC0];
	[tilespmem:s13+$0x40] =	vst v2  }
0xda: {  	[tilespmem:s31+$0x10] =	vst v3;
	v1 =	vadd.f32 v1, v1;
	v2 =	vld [tilespmem:s6+$0x50]  }
0xdb: {  	v3 =	vld [tilespmem:s4+$0x20]  }
0xdc: {  	v0 =	vadd.f32 v0, v1;
	v1 =	vadd.f32 v4, v4;
	v4 =	vld [tilespmem:s30+$0x50]  }
0xdd: {  	v6 =	vld [tilespmem:s3+$0x20]  }
0xde: {  	[tilespmem:s31+$0xFFFFFF90] =	vst v0;
	v0 =	vadd.f32 v5, v1  }
0xdf: {  	v1 =	vld [tilespmem:s4+$0xFFFFFFA0];
	v2 =	vadd.f32 v2, v2  }
0xe0: {  	v5 =	vld [tilespmem:s3+$0xFFFFFFA0];
	[tilespmem:s13+$0xFFFFFFC0] =	vst v0;
	v0 =	vadd.f32 v3, v3  }
0xe1: {  	v3 =	vld [tilespmem:s6+$0xFFFFFFD0];
	v2 =	vadd.f32 v4, v2  }
0xe2: {  	s0 =	simm.s32 $0x3280;
	v4 =	vld [tilespmem:s30+$0xFFFFFFD0];
	v0 =	vadd.f32 v6, v0  }
0xe3: {  	v6 =	vld [tilespmem:s0+$0x0];
	[tilespmem:s13+$0x50] =	vst v2  }
0xe4: {  	[tilespmem:s31+$0x20] =	vst v0;
	v0 =	vld [tilespmem:s6+$0x60]  }
0xe5: {  	v2 =	vld [tilespmem:s4+$0x30]  }
0xe6: {  	v1 =	vadd.f32 v1, v1;
	v7 =	vld [tilespmem:s30+$0x60]  }
0xe7: {  	s14 =	simm.s32 $0x1280;
	v8 =	vld [tilespmem:s3+$0x30]  }
0xe8: {  	v1 =	vadd.f32 v5, v1;
	v3 =	vadd.f32 v3, v3;
	v5 =	vld [tilespmem:s14+$0x0]  }
0xe9: {  	v9 =	vld [tilespmem:s0+$0xFFFFFF80];
	v0 =	vadd.f32 v0, v0  }
0xea: {  	[tilespmem:s31+$0xFFFFFFA0] =	vst v1;
	v1 =	vadd.f32 v4, v3;
	v3 =	vld [tilespmem:s14+$0xFFFFFF80];
	v2 =	vadd.f32 v2, v2  }
0xeb: {  	v6 =	vadd.f32 v6, v6;
	v4 =	vld [tilespmem:s4+$0xFFFFFFB0];
	v0 =	vadd.f32 v7, v0  }
0xec: {  	[tilespmem:s13+$0xFFFFFFD0] =	vst v1;
	v1 =	vld [tilespmem:s3+$0xFFFFFFB0];
	v2 =	vadd.f32 v8, v2  }
0xed: {  	v7 =	vld [tilespmem:s6+$0xFFFFFFE0];
	[tilespmem:s13+$0x60] =	vst v0;
	v0 =	vadd.f32 v5, v6  }
0xee: {  	s23 =	simm.s32 $0xB280;
	v5 =	vadd.f32 v9, v9;
	[tilespmem:s31+$0x30] =	vst v2;
	v2 =	vld [tilespmem:s6+$0x70]  }
0xef: {  	v6 =	vld [tilespmem:s4+$0x40];
	[tilespmem:s23+$0x0] =	vst v0  }
0xf0: {  	v0 =	vadd.f32 v3, v5;
	v3 =	vadd.f32 v4, v4;
	v4 =	vld [tilespmem:s0+$0x10]  }
0xf1: {  	v5 =	vld [tilespmem:s3+$0x40]  }
0xf2: {  	[tilespmem:s23+$0xFFFFFF80] =	vst v0;
	v0 =	vadd.f32 v1, v3;
	v1 =	vld [tilespmem:s14+$0x10]  }
0xf3: {  	v3 =	vld [tilespmem:s0+$0xFFFFFF90]  }
0xf4: {  	[tilespmem:s31+$0xFFFFFFB0] =	vst v0;
	v0 =	vld [tilespmem:s14+$0xFFFFFF90];
	v6 =	vadd.f32 v6, v6  }
0xf5: {  	v8 =	vld [tilespmem:s4+$0xFFFFFFC0];
	v4 =	vadd.f32 v4, v4  }
0xf6: {  	v63 =	vld [tilespmem:s30+$0x70];
	v5 =	vadd.f32 v5, v6  }
0xf7: {  	v6 =	vld [tilespmem:s3+$0xFFFFFFC0];
	v1 =	vadd.f32 v1, v4  }
0xf8: {  	v4 =	vld [tilespmem:s30+$0xFFFFFFE0];
	v3 =	vadd.f32 v3, v3;
	[tilespmem:s31+$0x40] =	vst v5  }
0xf9: {  	[tilespmem:s23+$0x10] =	vst v1;
	v1 =	vld [tilespmem:s4+$0x50]  }
0xfa: {  	v0 =	vadd.f32 v0, v3;
	v5 =	vadd.f32 v8, v8;
	v3 =	vld [tilespmem:s0+$0x20]  }
0xfb: {  	v8 =	vld [tilespmem:s3+$0x50]  }
0xfc: {  	v7 =	vadd.f32 v7, v7;
	[tilespmem:s23+$0xFFFFFF90] =	vst v0;
	v0 =	vld [tilespmem:s14+$0x20];
	v6 =	vadd.f32 v6, v5  }
0xfd: {  	v2 =	vadd.f32 v2, v2;
	v5 =	vld [tilespmem:s0+$0xFFFFFFA0]  }
0xfe: {  	v7 =	vadd.f32 v4, v7;
	v4 =	vld [tilespmem:s14+$0xFFFFFFA0];
	[tilespmem:s31+$0xFFFFFFC0] =	vst v6;
	v6 =	vadd.f32 v1, v1  }
0xff: {  	v9 =	vadd.f32 v63, v2;
	v2 =	vld [tilespmem:s4+$0xFFFFFFD0];
	v10 =	vadd.f32 v3, v3  }
0x100: {  	s8 =	sshll.u32 s25, $0xB;
	s20 =	simm.s32 $0x4;
	[tilespmem:s13+$0xFFFFFFE0] =	vst v7;
	v1 =	vld [tilespmem:s3+$0xFFFFFFD0];
	v3 =	vadd.f32 v8, v6  }
0x101: {  	s21 =	simm.s32 $0x3380;
	s17 =	simm.s32 $0x1280;
	s26 =	simm.s32 $0xB280;
	[tilespmem:s13+$0x70] =	vst v9;
	v6 =	vadd.f32 v0, v10;
	v0 =	vld [tilespmem:s6+$0xFFFFFFF0]  }
.LBB2_5:
0x102: {  	v7 =	vld [tilespmem:s21+$0x0];
	v5 =	vadd.f32 v5, v5;
	[tilespmem:s31+$0x50] =	vst v3  }
0x103: {  	[tilespmem:s23+$0x20] =	vst v6;
	v3 =	vld [tilespmem:s4+$0x60]  }
0x104: {  	v4 =	vadd.f32 v4, v5;
	v5 =	vld [tilespmem:s0+$0x30];
	v2 =	vadd.f32 v2, v2  }
0x105: {  	v6 =	vld [tilespmem:s3+$0x60]  }
0x106: {  	[tilespmem:s23+$0xFFFFFFA0] =	vst v4;
	v4 =	vld [tilespmem:s14+$0x30];
	v1 =	vadd.f32 v1, v2;
	v0 =	vadd.f32 v0, v0  }
0x107: {  	s20 =	sadd.s32 $0x2, s20;
	s14 =	sadd.s32 $0x100, s14;
	v2 =	vld [tilespmem:s21+$0xFFFFFF80]  }
0x108: {  	p1 =	slt.u32 s20, $0x3E;
	v8 =	vld [tilespmem:s14+$0x0];
	[tilespmem:s31+$0xFFFFFFD0] =	vst v1;
	v1 =	vadd.f32 v3, v3  }
0x109: {  	v3 =	vld [tilespmem:s14+$0xFFFFFF80];
	v5 =	vadd.f32 v5, v5  }
0x10a: {  	v9 =	vld [tilespmem:s0+$0xFFFFFFB0];
	v1 =	vadd.f32 v6, v1  }
0x10b: {  	v6 =	vadd.f32 v7, v7;
	v7 =	vld [tilespmem:s17+$0xFFFFFFB0];
	v4 =	vadd.f32 v4, v5  }
0x10c: {  	v2 =	vadd.f32 v2, v2;
	v5 =	vld [tilespmem:s4+$0xFFFFFFE0];
	[tilespmem:s31+$0x60] =	vst v1  }
0x10d: {  	v1 =	vadd.f32 v8, v6;
	[tilespmem:s23+$0x30] =	vst v4;
	v4 =	vld [tilespmem:s4+$0x70]  }
0x10e: {  	s23 =	sadd.s32 $0x100, s23;
	v2 =	vadd.f32 v3, v2;
	v3 =	vld [tilespmem:s0+$0x40]  }
0x10f: {  	[tilespmem:s23+$0x0] =	vst v1;
	v1 =	vadd.f32 v9, v9;
	v6 =	vld [tilespmem:s3+$0x70]  }
0x110: {  	[tilespmem:s23+$0xFFFFFF80] =	vst v2;
	v2 =	vld [tilespmem:s21+$0x10]  }
0x111: {  	v1 =	vadd.f32 v7, v1;
	v7 =	vld [tilespmem:s17+$0x40];
	v5 =	vadd.f32 v5, v5  }
0x112: {  	v8 =	vld [tilespmem:s14+$0x10];
	v4 =	vadd.f32 v4, v4  }
0x113: {  	v9 =	vld [tilespmem:s21+$0xFFFFFF90];
	[tilespmem:s26+$0xFFFFFFB0] =	vst v1  }
0x114: {  	v3 =	vadd.f32 v3, v3;
	v1 =	vld [tilespmem:s14+$0xFFFFFF90];
	v4 =	vadd.f32 v6, v4  }
0x115: {  	v2 =	vadd.f32 v2, v2;
	v6 =	vld [tilespmem:s0+$0xFFFFFFC0]  }
0x116: {  	v10 =	vld [tilespmem:s17+$0xFFFFFFC0];
	v3 =	vadd.f32 v7, v3;
	[tilespmem:s31+$0x70] =	vst v4  }
0x117: {  	v2 =	vadd.f32 v8, v2;
	v4 =	vld [tilespmem:s3+$0xFFFFFFE0]  }
0x118: {  	v7 =	vadd.f32 v9, v9;
	[tilespmem:s26+$0x40] =	vst v3;
	v3 =	vld [tilespmem:s30+$0xFFFFFFF0];
	s30 =	smov.u32 s3;
	s3 =	smov.u32 s17;
	s17 =	smov.u32 s14  }
0x119: {  	[tilespmem:s23+$0x10] =	vst v2;
	v2 =	vld [tilespmem:s0+$0x50]  }
0x11a: {  	v1 =	vadd.f32 v1, v7;
	v7 =	vld [tilespmem:s21+$0x20];
	v6 =	vadd.f32 v6, v6  }
0x11b: {  	v8 =	vld [tilespmem:s3+$0x50]  }
0x11c: {  	[tilespmem:s23+$0xFFFFFF90] =	vst v1;
	v9 =	vld [tilespmem:s14+$0x20];
	v1 =	vadd.f32 v10, v6;
	v6 =	vadd.f32 v4, v5  }
.Ltmp3:
0x11d: {  	v5 =	vld [tilespmem:s21+$0xFFFFFFA0];
	v0 =	vadd.f32 v3, v0;
	(pc) =	sbr.rel @p1 .LBB2_5-.Ltmp3, $4  }
0x11e: {  	v4 =	vld [tilespmem:s14+$0xFFFFFFA0];
	[tilespmem:s26+$0xFFFFFFC0] =	vst v1;
	v3 =	vadd.f32 v2, v2  }
0x11f: {  	v7 =	vadd.f32 v7, v7;
	v2 =	vld [tilespmem:s0+$0xFFFFFFD0];
	[tilespmem:s31+$0xFFFFFFE0] =	vst v6  }
0x120: {  	v1 =	vld [tilespmem:s3+$0xFFFFFFD0];
	v3 =	vadd.f32 v8, v3;
	[tilespmem:s13+$0xFFFFFFF0] =	vst v0;
	s13 =	smov.u32 s31;
	s31 =	smov.u32 s26;
	s26 =	smov.u32 s23  }
0x121: {  	v6 =	vadd.f32 v9, v7;
	v0 =	vld [tilespmem:s4+$0xFFFFFFF0];
	s4 =	smov.u32 s0;
	s0 =	smov.u32 s21;
	s21 =	sadd.s32 $0x100, s21  }
0x122: {  	v5 =	vadd.f32 v5, v5  }
0x123: {  	[tilespmem:s23+$0x20] =	vst v6  }
0x124: {  	v4 =	vadd.f32 v4, v5;
	v40 =	vld [tilespmem:s0+$0x30];
	_ =	sdelay $0x1  }
0x125: {  	v41 =	vld [tilespmem:s14+$0x30];
	[tilespmem:s23+$0xFFFFFFA0] =	vst v4  }
0x126: {  	v42 =	vld [tilespmem:s0+$0xFFFFFFB0];
	_ =	sdelay $0x1  }
0x127: {  	v7 =	vld [tilespmem:s17+$0xFFFFFFB0];
	v5 =	vadd.f32 v40, v40;
	_ =	sdelay $0x1  }
0x128: {  	v4 =	vadd.f32 v41, v5  }
0x129: {  	v43 =	vadd.f32 v42, v42  }
0x12a: {  	[tilespmem:s23+$0x30] =	vst v4  }
0x12b: {  	v44 =	vadd.f32 v7, v43;
	v45 =	vld [tilespmem:s0+$0x40];
	_ =	sdelay $0x1  }
0x12c: {  	v46 =	vld [tilespmem:s17+$0x40];
	[tilespmem:s26+$0xFFFFFFB0] =	vst v44  }
0x12d: {  	v4 =	vld [tilespmem:s0+$0xFFFFFFC0];
	_ =	sdelay $0x1  }
0x12e: {  	v47 =	vld [tilespmem:s17+$0xFFFFFFC0];
	v5 =	vadd.f32 v45, v45;
	_ =	sdelay $0x1  }
0x12f: {  	v5 =	vadd.f32 v46, v5  }
0x130: {  	v4 =	vadd.f32 v4, v4  }
0x131: {  	[tilespmem:s26+$0x40] =	vst v5  }
0x132: {  	v4 =	vadd.f32 v47, v4;
	v5 =	vld [tilespmem:s0+$0x50];
	_ =	sdelay $0x1  }
0x133: {  	v48 =	vld [tilespmem:s17+$0x50];
	[tilespmem:s26+$0xFFFFFFC0] =	vst v4  }
0x134: {  	v4 =	vld [tilespmem:s0+$0xFFFFFFD0]  }
0x135: {  	v2 =	vadd.f32 v2, v2  }
0x136: {  	v49 =	vld [tilespmem:s17+$0xFFFFFFD0];
	v50 =	vadd.f32 v5, v5  }
0x137: {  	[tilespmem:s31+$0x50] =	vst v3;
	v1 =	vadd.f32 v1, v2  }
0x138: {  	v3 =	vld [tilespmem:s4+$0x60];
	v52 =	vadd.f32 v48, v50  }
0x139: {  	v51 =	vld [tilespmem:s3+$0x60];
	[tilespmem:s31+$0xFFFFFFD0] =	vst v1;
	v53 =	vadd.f32 v4, v4  }
0x13a: {  	v54 =	vld [tilespmem:s4+$0xFFFFFFE0];
	[tilespmem:s26+$0x50] =	vst v52  }
0x13b: {  	v56 =	vadd.f32 v49, v53;
	v57 =	vld [tilespmem:s0+$0x60]  }
0x13c: {  	v55 =	vld [tilespmem:s3+$0xFFFFFFE0]  }
0x13d: {  	v3 =	vadd.f32 v3, v3;
	v58 =	vld [tilespmem:s17+$0x60];
	[tilespmem:s26+$0xFFFFFFD0] =	vst v56  }
0x13e: {  	v1 =	vld [tilespmem:s0+$0xFFFFFFE0]  }
0x13f: {  	v3 =	vadd.f32 v51, v3;
	v4 =	vadd.f32 v54, v54  }
0x140: {  	v59 =	vld [tilespmem:s17+$0xFFFFFFE0];
	v2 =	vadd.f32 v57, v57  }
0x141: {  	v61 =	vld [tilespmem:s30+$0xFFFFFFF0];
	[tilespmem:s31+$0x60] =	vst v3;
	v4 =	vadd.f32 v55, v4  }
0x142: {  	v3 =	vld [tilespmem:s4+$0x70];
	v2 =	vadd.f32 v58, v2  }
0x143: {  	v60 =	vld [tilespmem:s3+$0x70];
	[tilespmem:s31+$0xFFFFFFE0] =	vst v4;
	v1 =	vadd.f32 v1, v1  }
0x144: {  	v4 =	vld [tilespmem:s4+$0xFFFFFFF0];
	[tilespmem:s26+$0x60] =	vst v2  }
0x145: {  	v1 =	vadd.f32 v59, v1;
	v2 =	vld [tilespmem:s0+$0x70]  }
0x146: {  	v8 =	vld [tilespmem:s3+$0xFFFFFFF0]  }
0x147: {  	v0 =	vadd.f32 v0, v0;
	v62 =	vld [tilespmem:s17+$0x70];
	[tilespmem:s26+$0xFFFFFFE0] =	vst v1  }
0x148: {  	v3 =	vadd.f32 v3, v3;
	v1 =	vld [tilespmem:s0+$0xFFFFFFF0]  }
0x149: {  	v0 =	vadd.f32 v61, v0;
	v4 =	vadd.f32 v4, v4  }
0x14a: {  	v3 =	vadd.f32 v60, v3;
	v9 =	vld [tilespmem:s17+$0xFFFFFFF0];
	v2 =	vadd.f32 v2, v2  }
0x14b: {  	[tilespmem:s13+$0xFFFFFFF0] =	vst v0;
	v63 =	vadd.f32 v8, v4  }
0x14c: {  	[tilespmem:s31+$0x70] =	vst v3;
	v2 =	vadd.f32 v62, v2  }
0x14d: {  	p1 =	sne.s32 s25, $0x7;
	[tilespmem:s31+$0xFFFFFFF0] =	vst v63;
	v1 =	vadd.f32 v1, v1  }
.Ltmp4:
0x14e: {  	[tilespmem:s26+$0x70] =	vst v2;
	(pc) =	sbr.rel @p1 .LBB2_8-.Ltmp4, $4  }
0x14f: {  	s21 =	sshll.u32 s25, $0x11;
	v1 =	vadd.f32 v9, v1;
	s23 =	rddreg [dreg:$0x5]  }
0x150: {  	s30 =	rddreg [dreg:$0x3];
	s13 =	sor.u32 s23, s21  }
0x151: {  	s31 =	simm.s32 $0xB000;
	[tilespmem:s26+$0xFFFFFFF0] =	vst v1;
	s0 =	sadd.s32 s30, s13  }
0x152: {  	[hbm4b:s0+s5] =	stream.linear.scatter [tilespmem:s31], [sflag:$0x5], $0x2000, $0x38;
	[tilespmem:$0x13000] =	vst v63  }
.Ltmp5:
0x153: {  	(pc) =	sbr.rel .LBB2_9-.Ltmp5, $4  }
0x154: {  	_ = 	snop  }
0x155: {  	_ =	swait.ge [sflag:s24], $0x2000  }
0x156: {  	[sflag:s24] =	ssyncset.done $0x0  }
0x157: {  	[sflag:s24] =	ssyncadd.s32 $0xFFFFE000  }
.LBB2_8:
0x158: {  	s0 =	sshrl.u32 s8, $0x2  }
0x159: {  	s0 =	sadd.s32 s9, s0  }
0x15a: {  	s0 =	sadd.s32 s10, s0  }
.Ltmp6:
0x15b: {  	s3 =	simm.s32 $0x3000;
	s0 =	sadd.s32 $0x200, s0;
	(pc) =	sbr.rel @p0 .LBB2_10-.Ltmp6, $4  }
0x15c: {  	[tilespmem:s3], [sflag:$0x1] =	stream.indirect.gather [hbm4b:s2+s29], $0x80, s0, s29, $0xb8;
	[tilespmem:$0x13000] =	vst v63  }
0x15d: {  	_ =	swait.ge [sflag:s24], $0x2000  }
0x15e: {  	[sflag:s24] =	ssyncset.done $0x0  }
0x15f: {  	[sflag:s24] =	ssyncadd.s32 $0xFFFFE000  }
.LBB2_9:
0x160: {  	_ =	swait.ge [sflag:s12], $0x2000  }
0x161: {  	[sflag:s12] =	ssyncset.done $0x0  }
0x162: {  	[sflag:s12] =	ssyncadd.s32 $0xFFFFE000  }
.LBB2_10:
0x163: {  	s14 =	simm.s32 $0x50F0  }
0x164: {  	v0 =	vld [tilespmem:s14+$0xFFFFFF90]  }
0x165: {  	s31 =	simm.s32 $0x1080  }
0x166: {  	v1 =	vld [tilespmem:s31+$0x0];
	_ =	sdelay $0x2  }
0x167: {  	v0 =	vadd.f32 v0, v0;
	_ =	sdelay $0x1  }
0x168: {  	v2 =	vld [tilespmem:s14+$0xFFFFFF10];
	v0 =	vadd.f32 v1, v0  }
0x169: {  	s30 =	simm.s32 $0xD0F0  }
0x16a: {  	v1 =	vld [tilespmem:s31+$0xFFFFFF80];
	[tilespmem:s30+$0xFFFFFF90] =	vst v0  }
0x16b: {  	v0 =	vld [tilespmem:s14+$0xFFFFFFA0];
	_ =	sdelay $0x1  }
0x16c: {  	v2 =	vadd.f32 v2, v2;
	v3 =	vld [tilespmem:s31+$0x10];
	_ =	sdelay $0x1  }
0x16d: {  	v1 =	vadd.f32 v1, v2  }
0x16e: {  	v0 =	vadd.f32 v0, v0  }
0x16f: {  	[tilespmem:s30+$0xFFFFFF10] =	vst v1  }
0x170: {  	v1 =	vld [tilespmem:s14+$0xFFFFFF20];
	v0 =	vadd.f32 v3, v0;
	_ =	sdelay $0x1  }
0x171: {  	v2 =	vld [tilespmem:s31+$0xFFFFFF90];
	[tilespmem:s30+$0xFFFFFFA0] =	vst v0  }
0x172: {  	v0 =	vld [tilespmem:s14+$0xFFFFFFB0];
	_ =	sdelay $0x1  }
0x173: {  	v1 =	vadd.f32 v1, v1;
	v3 =	vld [tilespmem:s31+$0x20];
	_ =	sdelay $0x1  }
0x174: {  	v1 =	vadd.f32 v2, v1  }
0x175: {  	v0 =	vadd.f32 v0, v0  }
0x176: {  	[tilespmem:s30+$0xFFFFFF20] =	vst v1  }
0x177: {  	v1 =	vld [tilespmem:s14+$0xFFFFFF30];
	v0 =	vadd.f32 v3, v0;
	_ =	sdelay $0x1  }
0x178: {  	v2 =	vld [tilespmem:s31+$0xFFFFFFA0];
	[tilespmem:s30+$0xFFFFFFB0] =	vst v0  }
0x179: {  	s0 =	simm.s32 $0x51F0;
	v0 =	vld [tilespmem:s14+$0xFFFFFFC0]  }
0x17a: {  	v3 =	vld [tilespmem:s0+$0xFFFFFF90]  }
0x17b: {  	s4 =	simm.s32 $0x1180;
	v1 =	vadd.f32 v1, v1;
	v4 =	vld [tilespmem:s31+$0x30]  }
0x17c: {  	v5 =	vld [tilespmem:s4+$0x0]  }
0x17d: {  	v1 =	vadd.f32 v2, v1  }
0x17e: {  	v2 =	vld [tilespmem:s0+$0xFFFFFF10];
	v0 =	vadd.f32 v0, v0  }
0x17f: {  	v3 =	vadd.f32 v3, v3;
	[tilespmem:s30+$0xFFFFFF30] =	vst v1;
	v1 =	vld [tilespmem:s4+$0xFFFFFF80]  }
0x180: {  	v6 =	vld [tilespmem:s14+$0xFFFFFF40];
	v0 =	vadd.f32 v4, v0  }
0x181: {  	v3 =	vadd.f32 v5, v3  }
0x182: {  	s3 =	simm.s32 $0xD1F0;
	v4 =	vld [tilespmem:s31+$0xFFFFFFB0];
	[tilespmem:s30+$0xFFFFFFC0] =	vst v0  }
0x183: {  	[tilespmem:s3+$0xFFFFFF90] =	vst v3;
	v0 =	vadd.f32 v2, v2;
	v2 =	vld [tilespmem:s14+$0xFFFFFFD0]  }
0x184: {  	v3 =	vld [tilespmem:s0+$0xFFFFFFA0]  }
0x185: {  	v5 =	vld [tilespmem:s31+$0x40];
	v0 =	vadd.f32 v1, v0;
	v1 =	vadd.f32 v6, v6  }
0x186: {  	v6 =	vld [tilespmem:s4+$0x10]  }
0x187: {  	[tilespmem:s3+$0xFFFFFF10] =	vst v0;
	v0 =	vadd.f32 v4, v1  }
0x188: {  	v1 =	vld [tilespmem:s0+$0xFFFFFF20];
	v2 =	vadd.f32 v2, v2  }
0x189: {  	v3 =	vadd.f32 v3, v3;
	[tilespmem:s30+$0xFFFFFF40] =	vst v0;
	v0 =	vld [tilespmem:s4+$0xFFFFFF90]  }
0x18a: {  	v4 =	vld [tilespmem:s14+$0xFFFFFF50];
	v2 =	vadd.f32 v5, v2  }
0x18b: {  	v3 =	vadd.f32 v6, v3  }
0x18c: {  	v5 =	vld [tilespmem:s31+$0xFFFFFFC0];
	[tilespmem:s30+$0xFFFFFFD0] =	vst v2  }
0x18d: {  	[tilespmem:s3+$0xFFFFFFA0] =	vst v3;
	v1 =	vadd.f32 v1, v1;
	v2 =	vld [tilespmem:s14+$0xFFFFFFE0]  }
0x18e: {  	v3 =	vld [tilespmem:s0+$0xFFFFFFB0]  }
0x18f: {  	v0 =	vadd.f32 v0, v1;
	v1 =	vadd.f32 v4, v4;
	v4 =	vld [tilespmem:s31+$0x50]  }
0x190: {  	v6 =	vld [tilespmem:s4+$0x20]  }
0x191: {  	[tilespmem:s3+$0xFFFFFF20] =	vst v0;
	v0 =	vadd.f32 v5, v1  }
0x192: {  	v1 =	vld [tilespmem:s0+$0xFFFFFF30];
	v2 =	vadd.f32 v2, v2  }
0x193: {  	v5 =	vld [tilespmem:s4+$0xFFFFFFA0];
	[tilespmem:s30+$0xFFFFFF50] =	vst v0;
	v0 =	vadd.f32 v3, v3  }
0x194: {  	v3 =	vld [tilespmem:s14+$0xFFFFFF60];
	v2 =	vadd.f32 v4, v2  }
0x195: {  	s26 =	simm.s32 $0x52F0;
	v4 =	vld [tilespmem:s31+$0xFFFFFFD0];
	v0 =	vadd.f32 v6, v0  }
0x196: {  	v6 =	vld [tilespmem:s26+$0xFFFFFF90];
	[tilespmem:s30+$0xFFFFFFE0] =	vst v2  }
0x197: {  	[tilespmem:s3+$0xFFFFFFB0] =	vst v0;
	v0 =	vld [tilespmem:s14+$0xFFFFFFF0]  }
0x198: {  	v2 =	vld [tilespmem:s0+$0xFFFFFFC0]  }
0x199: {  	v1 =	vadd.f32 v1, v1;
	v7 =	vld [tilespmem:s31+$0x60]  }
0x19a: {  	s17 =	simm.s32 $0x1280;
	v8 =	vld [tilespmem:s4+$0x30]  }
0x19b: {  	v1 =	vadd.f32 v5, v1;
	v3 =	vadd.f32 v3, v3;
	v5 =	vld [tilespmem:s17+$0x0]  }
0x19c: {  	v9 =	vld [tilespmem:s26+$0xFFFFFF10];
	v0 =	vadd.f32 v0, v0  }
0x19d: {  	[tilespmem:s3+$0xFFFFFF30] =	vst v1;
	v1 =	vadd.f32 v4, v3;
	v3 =	vld [tilespmem:s17+$0xFFFFFF80];
	v2 =	vadd.f32 v2, v2  }
0x19e: {  	v6 =	vadd.f32 v6, v6;
	v4 =	vld [tilespmem:s0+$0xFFFFFF40];
	v0 =	vadd.f32 v7, v0  }
0x19f: {  	[tilespmem:s30+$0xFFFFFF60] =	vst v1;
	v1 =	vld [tilespmem:s4+$0xFFFFFFB0];
	v2 =	vadd.f32 v8, v2  }
0x1a0: {  	v7 =	vld [tilespmem:s14+$0xFFFFFF70];
	[tilespmem:s30+$0xFFFFFFF0] =	vst v0;
	v0 =	vadd.f32 v5, v6  }
0x1a1: {  	s6 =	simm.s32 $0xD2F0;
	v5 =	vadd.f32 v9, v9;
	[tilespmem:s3+$0xFFFFFFC0] =	vst v2;
	v2 =	vld [tilespmem:s14+$0x0]  }
0x1a2: {  	v6 =	vld [tilespmem:s0+$0xFFFFFFD0];
	[tilespmem:s6+$0xFFFFFF90] =	vst v0  }
0x1a3: {  	v0 =	vadd.f32 v3, v5;
	v3 =	vadd.f32 v4, v4;
	v4 =	vld [tilespmem:s26+$0xFFFFFFA0]  }
0x1a4: {  	v5 =	vld [tilespmem:s4+$0x40]  }
0x1a5: {  	[tilespmem:s6+$0xFFFFFF10] =	vst v0;
	v0 =	vadd.f32 v1, v3;
	v1 =	vld [tilespmem:s17+$0x10]  }
0x1a6: {  	v3 =	vld [tilespmem:s26+$0xFFFFFF20]  }
0x1a7: {  	[tilespmem:s3+$0xFFFFFF40] =	vst v0;
	v0 =	vld [tilespmem:s17+$0xFFFFFF90];
	v6 =	vadd.f32 v6, v6  }
0x1a8: {  	v8 =	vld [tilespmem:s0+$0xFFFFFF50];
	v4 =	vadd.f32 v4, v4  }
0x1a9: {  	v63 =	vld [tilespmem:s31+$0x70];
	v5 =	vadd.f32 v5, v6  }
0x1aa: {  	v6 =	vld [tilespmem:s4+$0xFFFFFFC0];
	v1 =	vadd.f32 v1, v4  }
0x1ab: {  	v4 =	vld [tilespmem:s31+$0xFFFFFFE0];
	v3 =	vadd.f32 v3, v3;
	[tilespmem:s3+$0xFFFFFFD0] =	vst v5  }
0x1ac: {  	[tilespmem:s6+$0xFFFFFFA0] =	vst v1;
	v1 =	vld [tilespmem:s0+$0xFFFFFFE0]  }
0x1ad: {  	v0 =	vadd.f32 v0, v3;
	v5 =	vadd.f32 v8, v8;
	v3 =	vld [tilespmem:s26+$0xFFFFFFB0]  }
0x1ae: {  	v8 =	vld [tilespmem:s4+$0x50]  }
0x1af: {  	v7 =	vadd.f32 v7, v7;
	[tilespmem:s6+$0xFFFFFF20] =	vst v0;
	v0 =	vld [tilespmem:s17+$0x20];
	v6 =	vadd.f32 v6, v5  }
0x1b0: {  	v2 =	vadd.f32 v2, v2;
	v5 =	vld [tilespmem:s26+$0xFFFFFF30]  }
0x1b1: {  	v7 =	vadd.f32 v4, v7;
	v4 =	vld [tilespmem:s17+$0xFFFFFFA0];
	[tilespmem:s3+$0xFFFFFF50] =	vst v6;
	v6 =	vadd.f32 v1, v1  }
0x1b2: {  	v9 =	vadd.f32 v63, v2;
	v2 =	vld [tilespmem:s0+$0xFFFFFF60];
	v10 =	vadd.f32 v3, v3  }
0x1b3: {  	s20 =	simm.s32 $0x4;
	[tilespmem:s30+$0xFFFFFF70] =	vst v7;
	v1 =	vld [tilespmem:s4+$0xFFFFFFD0];
	v3 =	vadd.f32 v8, v6  }
0x1b4: {  	s21 =	simm.s32 $0x53F0;
	s23 =	simm.s32 $0x1280;
	[tilespmem:s30+$0x0] =	vst v9;
	v6 =	vadd.f32 v0, v10;
	v0 =	vld [tilespmem:s14+$0xFFFFFF80];
	s14 =	simm.s32 $0xD2F0  }
.LBB2_11:
0x1b5: {  	v7 =	vld [tilespmem:s21+$0xFFFFFF90];
	v5 =	vadd.f32 v5, v5;
	[tilespmem:s3+$0xFFFFFFE0] =	vst v3  }
0x1b6: {  	[tilespmem:s6+$0xFFFFFFB0] =	vst v6;
	v3 =	vld [tilespmem:s0+$0xFFFFFFF0]  }
0x1b7: {  	v4 =	vadd.f32 v4, v5;
	v5 =	vld [tilespmem:s26+$0xFFFFFFC0];
	v2 =	vadd.f32 v2, v2  }
0x1b8: {  	v6 =	vld [tilespmem:s4+$0x60]  }
0x1b9: {  	[tilespmem:s6+$0xFFFFFF30] =	vst v4;
	v4 =	vld [tilespmem:s17+$0x30];
	v1 =	vadd.f32 v1, v2;
	v0 =	vadd.f32 v0, v0  }
0x1ba: {  	s20 =	sadd.s32 $0x2, s20;
	s17 =	sadd.s32 $0x100, s17;
	v2 =	vld [tilespmem:s21+$0xFFFFFF10]  }
0x1bb: {  	p2 =	slt.u32 s20, $0x3E;
	v8 =	vld [tilespmem:s17+$0x0];
	[tilespmem:s3+$0xFFFFFF60] =	vst v1;
	v1 =	vadd.f32 v3, v3  }
0x1bc: {  	v3 =	vld [tilespmem:s17+$0xFFFFFF80];
	v5 =	vadd.f32 v5, v5  }
0x1bd: {  	v9 =	vld [tilespmem:s26+$0xFFFFFF40];
	v1 =	vadd.f32 v6, v1  }
0x1be: {  	v6 =	vadd.f32 v7, v7;
	v7 =	vld [tilespmem:s23+$0xFFFFFFB0];
	v4 =	vadd.f32 v4, v5  }
0x1bf: {  	v2 =	vadd.f32 v2, v2;
	v5 =	vld [tilespmem:s0+$0xFFFFFF70];
	[tilespmem:s3+$0xFFFFFFF0] =	vst v1  }
0x1c0: {  	v1 =	vadd.f32 v8, v6;
	[tilespmem:s6+$0xFFFFFFC0] =	vst v4;
	v4 =	vld [tilespmem:s0+$0x0]  }
0x1c1: {  	s6 =	sadd.s32 $0x100, s6;
	v2 =	vadd.f32 v3, v2;
	v3 =	vld [tilespmem:s26+$0xFFFFFFD0]  }
0x1c2: {  	[tilespmem:s6+$0xFFFFFF90] =	vst v1;
	v1 =	vadd.f32 v9, v9;
	v6 =	vld [tilespmem:s4+$0x70]  }
0x1c3: {  	[tilespmem:s6+$0xFFFFFF10] =	vst v2;
	v2 =	vld [tilespmem:s21+$0xFFFFFFA0]  }
0x1c4: {  	v1 =	vadd.f32 v7, v1;
	v7 =	vld [tilespmem:s23+$0x40];
	v5 =	vadd.f32 v5, v5  }
0x1c5: {  	v8 =	vld [tilespmem:s17+$0x10];
	v4 =	vadd.f32 v4, v4  }
0x1c6: {  	v9 =	vld [tilespmem:s21+$0xFFFFFF20];
	[tilespmem:s14+$0xFFFFFF40] =	vst v1  }
0x1c7: {  	v3 =	vadd.f32 v3, v3;
	v1 =	vld [tilespmem:s17+$0xFFFFFF90];
	v4 =	vadd.f32 v6, v4  }
0x1c8: {  	v2 =	vadd.f32 v2, v2;
	v6 =	vld [tilespmem:s26+$0xFFFFFF50]  }
0x1c9: {  	v10 =	vld [tilespmem:s23+$0xFFFFFFC0];
	v3 =	vadd.f32 v7, v3;
	[tilespmem:s3+$0x0] =	vst v4  }
0x1ca: {  	v2 =	vadd.f32 v8, v2;
	v4 =	vld [tilespmem:s4+$0xFFFFFFE0]  }
0x1cb: {  	v7 =	vadd.f32 v9, v9;
	[tilespmem:s14+$0xFFFFFFD0] =	vst v3;
	v3 =	vld [tilespmem:s31+$0xFFFFFFF0];
	s31 =	smov.u32 s4;
	s4 =	smov.u32 s23;
	s23 =	smov.u32 s17  }
0x1cc: {  	[tilespmem:s6+$0xFFFFFFA0] =	vst v2;
	v2 =	vld [tilespmem:s26+$0xFFFFFFE0]  }
0x1cd: {  	v1 =	vadd.f32 v1, v7;
	v7 =	vld [tilespmem:s21+$0xFFFFFFB0];
	v6 =	vadd.f32 v6, v6  }
0x1ce: {  	v8 =	vld [tilespmem:s4+$0x50]  }
0x1cf: {  	[tilespmem:s6+$0xFFFFFF20] =	vst v1;
	v9 =	vld [tilespmem:s17+$0x20];
	v1 =	vadd.f32 v10, v6;
	v6 =	vadd.f32 v4, v5  }
.Ltmp7:
0x1d0: {  	v5 =	vld [tilespmem:s21+$0xFFFFFF30];
	v0 =	vadd.f32 v3, v0;
	(pc) =	sbr.rel @p2 .LBB2_11-.Ltmp7, $4  }
0x1d1: {  	v4 =	vld [tilespmem:s17+$0xFFFFFFA0];
	[tilespmem:s14+$0xFFFFFF50] =	vst v1;
	v3 =	vadd.f32 v2, v2  }
0x1d2: {  	v7 =	vadd.f32 v7, v7;
	v2 =	vld [tilespmem:s26+$0xFFFFFF60];
	[tilespmem:s3+$0xFFFFFF70] =	vst v6  }
0x1d3: {  	v1 =	vld [tilespmem:s4+$0xFFFFFFD0];
	v3 =	vadd.f32 v8, v3;
	[tilespmem:s30+$0xFFFFFF80] =	vst v0;
	s30 =	smov.u32 s3;
	s3 =	smov.u32 s14;
	s14 =	smov.u32 s6  }
0x1d4: {  	v6 =	vadd.f32 v9, v7;
	v0 =	vld [tilespmem:s0+$0xFFFFFF80];
	s0 =	smov.u32 s26;
	s26 =	smov.u32 s21;
	s21 =	sadd.s32 $0x100, s21  }
0x1d5: {  	v5 =	vadd.f32 v5, v5;
	_ =	sdelay $0x1  }
0x1d6: {  	v4 =	vadd.f32 v4, v5  }
0x1d7: {  	[tilespmem:s6+$0xFFFFFFB0] =	vst v6  }
0x1d8: {  	v40 =	vld [tilespmem:s26+$0xFFFFFFC0];
	[tilespmem:s6+$0xFFFFFF30] =	vst v4  }
0x1d9: {  	v42 =	vld [tilespmem:s26+$0xFFFFFF40]  }
0x1da: {  	v41 =	vld [tilespmem:s17+$0x30]  }
0x1db: {  	v7 =	vld [tilespmem:s23+$0xFFFFFFB0];
	_ =	sdelay $0x1  }
0x1dc: {  	v5 =	vadd.f32 v40, v40  }
0x1dd: {  	v43 =	vadd.f32 v42, v42  }
0x1de: {  	v4 =	vadd.f32 v41, v5  }
0x1df: {  	v44 =	vadd.f32 v7, v43  }
0x1e0: {  	[tilespmem:s6+$0xFFFFFFC0] =	vst v4  }
0x1e1: {  	v45 =	vld [tilespmem:s26+$0xFFFFFFD0];
	[tilespmem:s14+$0xFFFFFF40] =	vst v44  }
0x1e2: {  	v4 =	vld [tilespmem:s26+$0xFFFFFF50]  }
0x1e3: {  	v46 =	vld [tilespmem:s23+$0x40]  }
0x1e4: {  	v47 =	vld [tilespmem:s23+$0xFFFFFFC0];
	_ =	sdelay $0x1  }
0x1e5: {  	v5 =	vadd.f32 v45, v45  }
0x1e6: {  	v4 =	vadd.f32 v4, v4  }
0x1e7: {  	v5 =	vadd.f32 v46, v5  }
0x1e8: {  	v4 =	vadd.f32 v47, v4  }
0x1e9: {  	[tilespmem:s14+$0xFFFFFFD0] =	vst v5  }
0x1ea: {  	v5 =	vld [tilespmem:s26+$0xFFFFFFE0];
	[tilespmem:s14+$0xFFFFFF50] =	vst v4  }
0x1eb: {  	v4 =	vld [tilespmem:s26+$0xFFFFFF60]  }
0x1ec: {  	v48 =	vld [tilespmem:s23+$0x50]  }
0x1ed: {  	v2 =	vadd.f32 v2, v2;
	v49 =	vld [tilespmem:s23+$0xFFFFFFD0];
	_ =	sdelay $0x1  }
0x1ee: {  	[tilespmem:s3+$0xFFFFFFE0] =	vst v3;
	v1 =	vadd.f32 v1, v2;
	v50 =	vadd.f32 v5, v5  }
0x1ef: {  	v3 =	vld [tilespmem:s0+$0xFFFFFFF0];
	v53 =	vadd.f32 v4, v4  }
0x1f0: {  	v51 =	vld [tilespmem:s4+$0x60];
	[tilespmem:s3+$0xFFFFFF60] =	vst v1;
	v52 =	vadd.f32 v48, v50  }
0x1f1: {  	v54 =	vld [tilespmem:s0+$0xFFFFFF70];
	v56 =	vadd.f32 v49, v53  }
0x1f2: {  	v55 =	vld [tilespmem:s4+$0xFFFFFFE0];
	[tilespmem:s14+$0xFFFFFFE0] =	vst v52  }
0x1f3: {  	v57 =	vld [tilespmem:s26+$0xFFFFFFF0];
	[tilespmem:s14+$0xFFFFFF60] =	vst v56  }
0x1f4: {  	v3 =	vadd.f32 v3, v3;
	v1 =	vld [tilespmem:s26+$0xFFFFFF70]  }
0x1f5: {  	v58 =	vld [tilespmem:s23+$0x60]  }
0x1f6: {  	v3 =	vadd.f32 v51, v3;
	v4 =	vadd.f32 v54, v54;
	v59 =	vld [tilespmem:s23+$0xFFFFFFE0];
	_ =	sdelay $0x1  }
0x1f7: {  	v61 =	vld [tilespmem:s31+$0xFFFFFFF0];
	[tilespmem:s3+$0xFFFFFFF0] =	vst v3;
	v4 =	vadd.f32 v55, v4;
	v2 =	vadd.f32 v57, v57  }
0x1f8: {  	v3 =	vld [tilespmem:s0+$0x0];
	v1 =	vadd.f32 v1, v1  }
0x1f9: {  	v60 =	vld [tilespmem:s4+$0x70];
	[tilespmem:s3+$0xFFFFFF70] =	vst v4;
	v2 =	vadd.f32 v58, v2  }
0x1fa: {  	v4 =	vld [tilespmem:s0+$0xFFFFFF80];
	v1 =	vadd.f32 v59, v1  }
0x1fb: {  	v8 =	vld [tilespmem:s4+$0xFFFFFFF0];
	[tilespmem:s14+$0xFFFFFFF0] =	vst v2  }
0x1fc: {  	v2 =	vld [tilespmem:s26+$0x0];
	[tilespmem:s14+$0xFFFFFF70] =	vst v1  }
0x1fd: {  	v1 =	vld [tilespmem:s26+$0xFFFFFF80]  }
0x1fe: {  	v0 =	vadd.f32 v0, v0;
	v62 =	vld [tilespmem:s23+$0x70]  }
0x1ff: {  	v3 =	vadd.f32 v3, v3;
	v9 =	vld [tilespmem:s23+$0xFFFFFFF0]  }
0x200: {  	v0 =	vadd.f32 v61, v0;
	v4 =	vadd.f32 v4, v4  }
0x201: {  	v3 =	vadd.f32 v60, v3;
	v2 =	vadd.f32 v2, v2  }
0x202: {  	[tilespmem:s30+$0xFFFFFF80] =	vst v0;
	v63 =	vadd.f32 v8, v4;
	v1 =	vadd.f32 v1, v1  }
0x203: {  	[tilespmem:s3+$0x0] =	vst v3;
	v2 =	vadd.f32 v62, v2  }
0x204: {  	[tilespmem:s3+$0xFFFFFF80] =	vst v63;
	v1 =	vadd.f32 v9, v1  }
.Ltmp8:
0x205: {  	[tilespmem:s14+$0x0] =	vst v2;
	(pc) =	sbr.rel @p1 .LBB2_14-.Ltmp8, $4  }
0x206: {  	[tilespmem:s14+$0xFFFFFF80] =	vst v1  }
0x207: {  	s30 =	rddreg [dreg:$0xf]  }
0x208: {  	s31 =	simm.s32 $0xD000;
	s0 =	sadd.s32 s13, s30  }
0x209: {  	[hbm4b:s0+s5] =	stream.linear.scatter [tilespmem:s31], [sflag:$0x6], $0x2000, $0x38;
	[tilespmem:$0x13000] =	vst v63  }
.Ltmp9:
0x20a: {  	(pc) =	sbr.rel .LBB2_15-.Ltmp9, $4  }
0x20b: {  	_ = 	snop  }
0x20c: {  	_ =	swait.ge [sflag:s15], $0x2000  }
0x20d: {  	[sflag:s15] =	ssyncset.done $0x0  }
0x20e: {  	[sflag:s15] =	ssyncadd.s32 $0xFFFFE000  }
.LBB2_14:
0x20f: {  	s0 =	sshrl.u32 s8, $0x2  }
0x210: {  	s0 =	sadd.s32 s9, s0  }
0x211: {  	s0 =	sadd.s32 s10, s0  }
.Ltmp10:
0x212: {  	s3 =	simm.s32 $0x5000;
	s0 =	sadd.s32 $0x280, s0;
	(pc) =	sbr.rel @p0 .LBB2_16-.Ltmp10, $4  }
0x213: {  	[tilespmem:s3], [sflag:$0x2] =	stream.indirect.gather [hbm4b:s2+s29], $0x80, s0, s29, $0xb8;
	[tilespmem:$0x13000] =	vst v63  }
0x214: {  	_ =	swait.ge [sflag:s15], $0x2000  }
0x215: {  	[sflag:s15] =	ssyncset.done $0x0  }
0x216: {  	[sflag:s15] =	ssyncadd.s32 $0xFFFFE000  }
.LBB2_15:
0x217: {  	_ =	swait.ge [sflag:s16], $0x2000  }
0x218: {  	[sflag:s16] =	ssyncset.done $0x0  }
0x219: {  	[sflag:s16] =	ssyncadd.s32 $0xFFFFE000  }
.LBB2_16:
0x21a: {  	s0 =	simm.s32 $0x0  }
0x21b: {  	v0 =	vld [tilespmem:s0+$0x70F0]  }
0x21c: {  	v1 =	vld [tilespmem:s0+$0x7000]  }
0x21d: {  	v2 =	vld [tilespmem:s0+$0x10F0]  }
0x21e: {  	v3 =	vld [tilespmem:s0+$0x7010]  }
0x21f: {  	v4 =	vld [tilespmem:s0+$0x7020]  }
0x220: {  	v5 =	vld [tilespmem:s0+$0x7030]  }
0x221: {  	v6 =	vld [tilespmem:s0+$0x7040]  }
0x222: {  	v7 =	vld [tilespmem:s0+$0x7050]  }
0x223: {  	v8 =	vld [tilespmem:s0+$0x7070]  }
0x224: {  	v9 =	vld [tilespmem:s0+$0x7090]  }
0x225: {  	v10 =	vld [tilespmem:s0+$0x70A0]  }
0x226: {  	v11 =	vld [tilespmem:s0+$0x70B0]  }
0x227: {  	v12 =	vld [tilespmem:s0+$0x70C0]  }
0x228: {  	v13 =	vld [tilespmem:s0+$0x70D0]  }
0x229: {  	v14 =	vld [tilespmem:s0+$0x1000]  }
0x22a: {  	v15 =	vld [tilespmem:s0+$0x1010]  }
0x22b: {  	v16 =	vld [tilespmem:s0+$0x1020]  }
0x22c: {  	v17 =	vld [tilespmem:s0+$0x1030]  }
0x22d: {  	v18 =	vld [tilespmem:s0+$0x1040];
	v0 =	vadd.f32 v0, v0;
	v1 =	vadd.f32 v1, v1  }
0x22e: {  	v21 =	vld [tilespmem:s0+$0x1060];
	v3 =	vadd.f32 v3, v3;
	v4 =	vadd.f32 v4, v4  }
0x22f: {  	v5 =	vadd.f32 v5, v5;
	v0 =	vadd.f32 v2, v0;
	v2 =	vld [tilespmem:s0+$0x7060]  }
0x230: {  	v6 =	vadd.f32 v6, v6;
	v1 =	vadd.f32 v14, v1;
	v14 =	vld [tilespmem:s0+$0x1050]  }
0x231: {  	v19 =	vadd.f32 v7, v7;
	v22 =	vadd.f32 v8, v8;
	[tilespmem:s0+$0xF0F0] =	vst v0;
	v0 =	vld [tilespmem:s0+$0x7080]  }
0x232: {  	v62 =	vld [tilespmem:s0+$0x1070];
	v4 =	vadd.f32 v16, v4;
	v5 =	vadd.f32 v17, v5  }
0x233: {  	v63 =	vld [tilespmem:s0+$0x1080];
	v8 =	vadd.f32 v18, v6;
	[tilespmem:s0+$0xF000] =	vst v1;
	v1 =	vadd.f32 v9, v9  }
0x234: {  	[tilespmem:s0+$0xF020] =	vst v4;
	v20 =	vadd.f32 v2, v2;
	v2 =	vadd.f32 v15, v3;
	v3 =	vld [tilespmem:s0+$0x70E0]  }
0x235: {  	v7 =	vld [tilespmem:s0+$0x1090];
	[tilespmem:s0+$0xF030] =	vst v5;
	v4 =	vadd.f32 v12, v12;
	v5 =	vadd.f32 v13, v13  }
0x236: {  	v6 =	vld [tilespmem:s0+$0x10A0];
	[tilespmem:s0+$0xF040] =	vst v8;
	v9 =	vadd.f32 v14, v19;
	v15 =	vadd.f32 v0, v0  }
0x237: {  	v8 =	vld [tilespmem:s0+$0x10B0];
	[tilespmem:s0+$0xF010] =	vst v2;
	v0 =	vadd.f32 v10, v10;
	v10 =	vadd.f32 v21, v20  }
0x238: {  	v12 =	vadd.f32 v62, v22;
	v2 =	vadd.f32 v11, v11;
	[tilespmem:s0+$0xF050] =	vst v9;
	v9 =	vld [tilespmem:s0+$0x10C0]  }
0x239: {  	s3 =	simm.s32 $0x0;
	s4 =	simm.s32 $0x400;
	[tilespmem:s0+$0xF060] =	vst v10;
	v11 =	vadd.f32 v63, v15;
	v10 =	vld [tilespmem:s0+$0x10D0];
	v3 =	vadd.f32 v3, v3  }
.LBB2_17:
0x23a: {  	s6 =	sshra.s32 s4, $0x2;
	s3 =	sadd.s32 $0x2, s3;
	[tilespmem:s0+$0xF070] =	vst v12;
	v1 =	vadd.f32 v7, v1;
	v7 =	vld [tilespmem:s0+$0x10E0]  }
0x23b: {  	v12 =	vld [tilespmem:s6+$0x70F0];
	p2 =	slt.u32 s3, $0x3E;
	[tilespmem:s0+$0xF080] =	vst v11;
	v0 =	vadd.f32 v6, v0  }
0x23c: {  	v6 =	vld [tilespmem:s6+$0x7000];
	[tilespmem:s0+$0xF090] =	vst v1;
	v1 =	vadd.f32 v8, v2  }
0x23d: {  	v2 =	vld [tilespmem:s6+$0x10F0];
	[tilespmem:s0+$0xF0A0] =	vst v0;
	v0 =	vadd.f32 v9, v4  }
0x23e: {  	v4 =	vld [tilespmem:s6+$0x7010];
	[tilespmem:s0+$0xF0B0] =	vst v1;
	v1 =	vadd.f32 v10, v5  }
0x23f: {  	v5 =	vld [tilespmem:s6+$0x7020];
	[tilespmem:s0+$0xF0C0] =	vst v0;
	v0 =	vadd.f32 v7, v3  }
0x240: {  	v3 =	vld [tilespmem:s6+$0x7030];
	v7 =	vadd.f32 v12, v12;
	[tilespmem:s0+$0xF0D0] =	vst v1  }
0x241: {  	v6 =	vadd.f32 v6, v6;
	v1 =	vld [tilespmem:s6+$0x7040];
	[tilespmem:s0+$0xF0E0] =	vst v0;
	s0 =	smov.u32 s6  }
0x242: {  	v0 =	vld [tilespmem:s0+$0x7050];
	v2 =	vadd.f32 v2, v7  }
0x243: {  	v7 =	vadd.f32 v4, v4;
	v4 =	vld [tilespmem:s0+$0x7060]  }
0x244: {  	v8 =	vadd.f32 v5, v5;
	v5 =	vld [tilespmem:s0+$0x7070];
	[tilespmem:s0+$0xF0F0] =	vst v2  }
0x245: {  	v9 =	vadd.f32 v3, v3;
	v2 =	vld [tilespmem:s0+$0x7080]  }
0x246: {  	v10 =	vadd.f32 v1, v1;
	v1 =	vld [tilespmem:s0+$0x7090]  }
0x247: {  	v11 =	vadd.f32 v0, v0;
	v0 =	vld [tilespmem:s0+$0x70A0]  }
0x248: {  	v12 =	vadd.f32 v4, v4;
	v3 =	vld [tilespmem:s0+$0x70B0]  }
0x249: {  	v13 =	vadd.f32 v5, v5;
	v4 =	vld [tilespmem:s0+$0x70C0]  }
0x24a: {  	v14 =	vadd.f32 v2, v2;
	v5 =	vld [tilespmem:s0+$0x70D0]  }
0x24b: {  	v1 =	vadd.f32 v1, v1;
	v15 =	vld [tilespmem:s0+$0x70E0]  }
0x24c: {  	v16 =	vld [tilespmem:s0+$0x1000];
	v0 =	vadd.f32 v0, v0  }
0x24d: {  	v17 =	vld [tilespmem:s0+$0x1010];
	v2 =	vadd.f32 v3, v3  }
0x24e: {  	v18 =	vld [tilespmem:s0+$0x1020];
	v4 =	vadd.f32 v4, v4  }
0x24f: {  	v19 =	vld [tilespmem:s0+$0x1030];
	v5 =	vadd.f32 v5, v5  }
0x250: {  	v20 =	vld [tilespmem:s0+$0x1040];
	v3 =	vadd.f32 v15, v15  }
0x251: {  	v6 =	vadd.f32 v16, v6;
	v15 =	vld [tilespmem:s0+$0x1050]  }
0x252: {  	v7 =	vadd.f32 v17, v7;
	v16 =	vld [tilespmem:s0+$0x1060]  }
0x253: {  	[tilespmem:s0+$0xF000] =	vst v6;
	v6 =	vadd.f32 v18, v8;
	v17 =	vld [tilespmem:s0+$0x1070]  }
0x254: {  	[tilespmem:s0+$0xF010] =	vst v7;
	v8 =	vadd.f32 v19, v9;
	v18 =	vld [tilespmem:s0+$0x1080]  }
.Ltmp11:
0x255: {  	[tilespmem:s0+$0xF020] =	vst v6;
	v9 =	vadd.f32 v20, v10;
	v7 =	vld [tilespmem:s0+$0x1090];
	(pc) =	sbr.rel @p2 .LBB2_17-.Ltmp11, $4  }
0x256: {  	[tilespmem:s0+$0xF030] =	vst v8;
	v10 =	vadd.f32 v15, v11;
	v6 =	vld [tilespmem:s0+$0x10A0]  }
0x257: {  	[tilespmem:s0+$0xF040] =	vst v9;
	v11 =	vadd.f32 v16, v12;
	v8 =	vld [tilespmem:s0+$0x10B0]  }
0x258: {  	[tilespmem:s0+$0xF050] =	vst v10;
	v12 =	vadd.f32 v17, v13;
	v9 =	vld [tilespmem:s0+$0x10C0]  }
0x259: {  	s4 =	sadd.s32 $0x400, s4;
	[tilespmem:s0+$0xF060] =	vst v11;
	v11 =	vadd.f32 v18, v14;
	v10 =	vld [tilespmem:s0+$0x10D0]  }
0x25a: {  	[tilespmem:s0+$0xF070] =	vst v12;
	v1 =	vadd.f32 v7, v1;
	v59 =	vld [tilespmem:s0+$0x10E0]  }
0x25b: {  	[tilespmem:s0+$0xF080] =	vst v11;
	v0 =	vadd.f32 v6, v0  }
0x25c: {  	[tilespmem:s0+$0xF090] =	vst v1;
	v60 =	vadd.f32 v8, v2  }
0x25d: {  	[tilespmem:s0+$0xF0A0] =	vst v0;
	v61 =	vadd.f32 v9, v4  }
0x25e: {  	[tilespmem:s0+$0xF0B0] =	vst v60;
	v62 =	vadd.f32 v10, v5  }
0x25f: {  	[tilespmem:s0+$0xF0C0] =	vst v61;
	v63 =	vadd.f32 v59, v3  }
.Ltmp12:
0x260: {  	[tilespmem:s0+$0xF0D0] =	vst v62;
	(pc) =	sbr.rel @p1 .LBB2_20-.Ltmp12, $4  }
0x261: {  	[tilespmem:s0+$0xF0E0] =	vst v63  }
0x262: {  	s0 =	rddreg [dreg:$0x10]  }
0x263: {  	s3 =	simm.s32 $0xF000;
	s0 =	sadd.s32 s13, s0  }
0x264: {  	[hbm4b:s0+s5] =	stream.linear.scatter [tilespmem:s3], [sflag:$0x7], $0x2000, $0x38;
	[tilespmem:$0x13000] =	vst v63  }
.Ltmp13:
0x265: {  	(pc) =	sbr.rel .LBB2_21-.Ltmp13, $4  }
0x266: {  	_ = 	snop  }
0x267: {  	_ =	swait.ge [sflag:s18], $0x2000  }
0x268: {  	[sflag:s18] =	ssyncset.done $0x0  }
0x269: {  	[sflag:s18] =	ssyncadd.s32 $0xFFFFE000  }
.LBB2_20:
0x26a: {  	s0 =	sshrl.u32 s8, $0x2  }
0x26b: {  	s0 =	sadd.s32 s9, s0  }
0x26c: {  	s0 =	sadd.s32 s10, s0  }
.Ltmp14:
0x26d: {  	s3 =	simm.s32 $0x7000;
	s0 =	sadd.s32 $0x300, s0;
	(pc) =	sbr.rel @p0 .LBB2_22-.Ltmp14, $4  }
0x26e: {  	[tilespmem:s3], [sflag:$0x3] =	stream.indirect.gather [hbm4b:s2+s29], $0x80, s0, s29, $0xb8;
	[tilespmem:$0x13000] =	vst v63  }
0x26f: {  	_ =	swait.ge [sflag:s18], $0x2000  }
0x270: {  	[sflag:s18] =	ssyncset.done $0x0  }
0x271: {  	[sflag:s18] =	ssyncadd.s32 $0xFFFFE000  }
.LBB2_21:
0x272: {  	_ =	swait.ge [sflag:s19], $0x2000  }
0x273: {  	[sflag:s19] =	ssyncset.done $0x0  }
0x274: {  	[sflag:s19] =	ssyncadd.s32 $0xFFFFE000  }
.LBB2_22:
0x275: {  	s0 =	simm.s32 $0x0  }
0x276: {  	v0 =	vld [tilespmem:s0+$0x90F0]  }
0x277: {  	v1 =	vld [tilespmem:s0+$0x9000]  }
0x278: {  	v2 =	vld [tilespmem:s0+$0x10F0]  }
0x279: {  	v3 =	vld [tilespmem:s0+$0x9010]  }
0x27a: {  	v4 =	vld [tilespmem:s0+$0x9020]  }
0x27b: {  	v5 =	vld [tilespmem:s0+$0x9030]  }
0x27c: {  	v6 =	vld [tilespmem:s0+$0x9040]  }
0x27d: {  	v7 =	vld [tilespmem:s0+$0x9050]  }
0x27e: {  	v8 =	vld [tilespmem:s0+$0x9070]  }
0x27f: {  	v9 =	vld [tilespmem:s0+$0x9090]  }
0x280: {  	v10 =	vld [tilespmem:s0+$0x90A0]  }
0x281: {  	v11 =	vld [tilespmem:s0+$0x90B0]  }
0x282: {  	v12 =	vld [tilespmem:s0+$0x90C0]  }
0x283: {  	v13 =	vld [tilespmem:s0+$0x90D0]  }
0x284: {  	v14 =	vld [tilespmem:s0+$0x1000]  }
0x285: {  	v15 =	vld [tilespmem:s0+$0x1010]  }
0x286: {  	v16 =	vld [tilespmem:s0+$0x1020]  }
0x287: {  	v17 =	vld [tilespmem:s0+$0x1030]  }
0x288: {  	v18 =	vld [tilespmem:s0+$0x1040];
	v0 =	vadd.f32 v0, v0;
	v1 =	vadd.f32 v1, v1  }
0x289: {  	v21 =	vld [tilespmem:s0+$0x1060];
	v3 =	vadd.f32 v3, v3;
	v4 =	vadd.f32 v4, v4  }
0x28a: {  	v5 =	vadd.f32 v5, v5;
	v0 =	vadd.f32 v2, v0;
	v2 =	vld [tilespmem:s0+$0x9060]  }
0x28b: {  	v6 =	vadd.f32 v6, v6;
	v1 =	vadd.f32 v14, v1;
	v14 =	vld [tilespmem:s0+$0x1050]  }
0x28c: {  	v19 =	vadd.f32 v7, v7;
	v22 =	vadd.f32 v8, v8;
	[tilespmem:s0+$0x110F0] =	vst v0;
	v0 =	vld [tilespmem:s0+$0x9080]  }
0x28d: {  	v62 =	vld [tilespmem:s0+$0x1070];
	v4 =	vadd.f32 v16, v4;
	v5 =	vadd.f32 v17, v5  }
0x28e: {  	v63 =	vld [tilespmem:s0+$0x1080];
	v8 =	vadd.f32 v18, v6;
	[tilespmem:s0+$0x11000] =	vst v1;
	v1 =	vadd.f32 v9, v9  }
0x28f: {  	[tilespmem:s0+$0x11020] =	vst v4;
	v20 =	vadd.f32 v2, v2;
	v2 =	vadd.f32 v15, v3;
	v3 =	vld [tilespmem:s0+$0x90E0]  }
0x290: {  	v7 =	vld [tilespmem:s0+$0x1090];
	[tilespmem:s0+$0x11030] =	vst v5;
	v4 =	vadd.f32 v12, v12;
	v5 =	vadd.f32 v13, v13  }
0x291: {  	v6 =	vld [tilespmem:s0+$0x10A0];
	[tilespmem:s0+$0x11040] =	vst v8;
	v9 =	vadd.f32 v14, v19;
	v15 =	vadd.f32 v0, v0  }
0x292: {  	v8 =	vld [tilespmem:s0+$0x10B0];
	[tilespmem:s0+$0x11010] =	vst v2;
	v0 =	vadd.f32 v10, v10;
	v10 =	vadd.f32 v21, v20  }
0x293: {  	v12 =	vadd.f32 v62, v22;
	v2 =	vadd.f32 v11, v11;
	[tilespmem:s0+$0x11050] =	vst v9;
	v9 =	vld [tilespmem:s0+$0x10C0]  }
0x294: {  	s3 =	simm.s32 $0x0;
	s4 =	simm.s32 $0x400;
	[tilespmem:s0+$0x11060] =	vst v10;
	v11 =	vadd.f32 v63, v15;
	v10 =	vld [tilespmem:s0+$0x10D0];
	v3 =	vadd.f32 v3, v3  }
.LBB2_23:
0x295: {  	s6 =	sshra.s32 s4, $0x2;
	s3 =	sadd.s32 $0x2, s3;
	[tilespmem:s0+$0x11070] =	vst v12;
	v1 =	vadd.f32 v7, v1;
	v7 =	vld [tilespmem:s0+$0x10E0]  }
0x296: {  	v12 =	vld [tilespmem:s6+$0x90F0];
	p0 =	slt.u32 s3, $0x3E;
	[tilespmem:s0+$0x11080] =	vst v11;
	v0 =	vadd.f32 v6, v0  }
0x297: {  	v6 =	vld [tilespmem:s6+$0x9000];
	[tilespmem:s0+$0x11090] =	vst v1;
	v1 =	vadd.f32 v8, v2  }
0x298: {  	v2 =	vld [tilespmem:s6+$0x10F0];
	[tilespmem:s0+$0x110A0] =	vst v0;
	v0 =	vadd.f32 v9, v4  }
0x299: {  	v4 =	vld [tilespmem:s6+$0x9010];
	[tilespmem:s0+$0x110B0] =	vst v1;
	v1 =	vadd.f32 v10, v5  }
0x29a: {  	v5 =	vld [tilespmem:s6+$0x9020];
	[tilespmem:s0+$0x110C0] =	vst v0;
	v0 =	vadd.f32 v7, v3  }
0x29b: {  	v3 =	vld [tilespmem:s6+$0x9030];
	v7 =	vadd.f32 v12, v12;
	[tilespmem:s0+$0x110D0] =	vst v1  }
0x29c: {  	v6 =	vadd.f32 v6, v6;
	v1 =	vld [tilespmem:s6+$0x9040];
	[tilespmem:s0+$0x110E0] =	vst v0;
	s0 =	smov.u32 s6  }
0x29d: {  	v0 =	vld [tilespmem:s0+$0x9050];
	v2 =	vadd.f32 v2, v7  }
0x29e: {  	v7 =	vadd.f32 v4, v4;
	v4 =	vld [tilespmem:s0+$0x9060]  }
0x29f: {  	v8 =	vadd.f32 v5, v5;
	v5 =	vld [tilespmem:s0+$0x9070];
	[tilespmem:s0+$0x110F0] =	vst v2  }
0x2a0: {  	v9 =	vadd.f32 v3, v3;
	v2 =	vld [tilespmem:s0+$0x9080]  }
0x2a1: {  	v10 =	vadd.f32 v1, v1;
	v1 =	vld [tilespmem:s0+$0x9090]  }
0x2a2: {  	v11 =	vadd.f32 v0, v0;
	v0 =	vld [tilespmem:s0+$0x90A0]  }
0x2a3: {  	v12 =	vadd.f32 v4, v4;
	v3 =	vld [tilespmem:s0+$0x90B0]  }
0x2a4: {  	v13 =	vadd.f32 v5, v5;
	v4 =	vld [tilespmem:s0+$0x90C0]  }
0x2a5: {  	v14 =	vadd.f32 v2, v2;
	v5 =	vld [tilespmem:s0+$0x90D0]  }
0x2a6: {  	v1 =	vadd.f32 v1, v1;
	v15 =	vld [tilespmem:s0+$0x90E0]  }
0x2a7: {  	v16 =	vld [tilespmem:s0+$0x1000];
	v0 =	vadd.f32 v0, v0  }
0x2a8: {  	v17 =	vld [tilespmem:s0+$0x1010];
	v2 =	vadd.f32 v3, v3  }
0x2a9: {  	v18 =	vld [tilespmem:s0+$0x1020];
	v4 =	vadd.f32 v4, v4  }
0x2aa: {  	v19 =	vld [tilespmem:s0+$0x1030];
	v5 =	vadd.f32 v5, v5  }
0x2ab: {  	v20 =	vld [tilespmem:s0+$0x1040];
	v3 =	vadd.f32 v15, v15  }
0x2ac: {  	v6 =	vadd.f32 v16, v6;
	v15 =	vld [tilespmem:s0+$0x1050]  }
0x2ad: {  	v7 =	vadd.f32 v17, v7;
	v16 =	vld [tilespmem:s0+$0x1060]  }
0x2ae: {  	[tilespmem:s0+$0x11000] =	vst v6;
	v6 =	vadd.f32 v18, v8;
	v17 =	vld [tilespmem:s0+$0x1070]  }
0x2af: {  	[tilespmem:s0+$0x11010] =	vst v7;
	v8 =	vadd.f32 v19, v9;
	v18 =	vld [tilespmem:s0+$0x1080]  }
.Ltmp15:
0x2b0: {  	[tilespmem:s0+$0x11020] =	vst v6;
	v9 =	vadd.f32 v20, v10;
	v7 =	vld [tilespmem:s0+$0x1090];
	(pc) =	sbr.rel @p0 .LBB2_23-.Ltmp15, $4  }
0x2b1: {  	[tilespmem:s0+$0x11030] =	vst v8;
	v10 =	vadd.f32 v15, v11;
	v6 =	vld [tilespmem:s0+$0x10A0]  }
0x2b2: {  	[tilespmem:s0+$0x11040] =	vst v9;
	v11 =	vadd.f32 v16, v12;
	v8 =	vld [tilespmem:s0+$0x10B0]  }
0x2b3: {  	[tilespmem:s0+$0x11050] =	vst v10;
	v12 =	vadd.f32 v17, v13;
	v9 =	vld [tilespmem:s0+$0x10C0]  }
0x2b4: {  	s4 =	sadd.s32 $0x400, s4;
	[tilespmem:s0+$0x11060] =	vst v11;
	v11 =	vadd.f32 v18, v14;
	v10 =	vld [tilespmem:s0+$0x10D0]  }
0x2b5: {  	[tilespmem:s0+$0x11070] =	vst v12;
	v1 =	vadd.f32 v7, v1;
	v59 =	vld [tilespmem:s0+$0x10E0]  }
0x2b6: {  	[tilespmem:s0+$0x11080] =	vst v11;
	v0 =	vadd.f32 v6, v0  }
0x2b7: {  	[tilespmem:s0+$0x11090] =	vst v1;
	v60 =	vadd.f32 v8, v2  }
0x2b8: {  	p0 =	seq.s32 s25, $0x7;
	[tilespmem:s0+$0x110A0] =	vst v0;
	v61 =	vadd.f32 v9, v4  }
.Ltmp16:
0x2b9: {  	[tilespmem:s0+$0x110B0] =	vst v60;
	v62 =	vadd.f32 v10, v5;
	(pc) =	sbr.rel @p0 .LBB2_26-.Ltmp16, $4  }
0x2ba: {  	[tilespmem:s0+$0x110C0] =	vst v61;
	v63 =	vadd.f32 v59, v3  }
0x2bb: {  	[tilespmem:s0+$0x110D0] =	vst v62  }
0x2bc: {  	s31 =	sadd.s32 s13, s22;
	s3 =	simm.s32 $0x11000;
	[tilespmem:s0+$0x110E0] =	vst v63  }
0x2bd: {  	[hbm4b:s31+s5] =	stream.linear.scatter [tilespmem:s3], [sflag:$0x8], $0x2000, $0x38;
	[tilespmem:$0x13000] =	vst v63  }
.Ltmp17:
0x2be: {  	s0 =	sshrl.u32 s8, $0x2;
	(pc) =	sbr.rel .LBB2_4-.Ltmp17, $4  }
0x2bf: {  	s0 =	sadd.s32 s9, s0  }
0x2c0: {  	s0 =	sadd.s32 s10, s0  }
0x2c1: {  	s3 =	simm.s32 $0x9000;
	s25 =	sadd.s32 $0x1, s25;
	s0 =	sadd.s32 $0x380, s0  }
0x2c2: {  	[tilespmem:s3], [sflag:$0x4] =	stream.indirect.gather [hbm4b:s2+s29], $0x80, s0, s29, $0xb8;
	[tilespmem:$0x13000] =	vst v63  }
.LBB2_27:
0x2c3: {  	_ =	sfence.sel $0x180000  }
0x2c4: {  	[bflag:$0x0] =	sbarrier.arrive $0xFFFF  }
0x2c5: {  	_ =	strace $0x90000047  }
0x2c6: {  	s0 =	stileid.u32;
	[bflag:$0x2] =	sbarrier.arrive $0xFFFF  }
0x2c7: {  	p0 =	sne.s32 s0, $0x0;
	s0 =	rddreg [dreg:$0x4]  }
0x2c8: {  	s0 =	sadd.s32 @!p0 $0x100000, s0  }
0x2c9: {  	[sflag:s0] =	ssyncadd.tile.s32 @!p0 $0x1;
	_ =	shalt  }
.Lfunc_end2:
_tile_overlayer_lowered:
.L_overlay_start_2:
0x2ca: {  	(tag) =	ssettag $0x2  }
0x2cb: {  	s0 =	rddreg [dreg:$0x0];
	s2 =	stileid.u32  }
0x2cc: {  	s1 =	rddreg [dreg:$0x1];
	p0 =	sne.s32 s2, $0x0  }
0x2cd: {  	s3 =	rddreg [dreg:$0x2];
	[bflag:$0x3] =	sbarrier.arrive $0xFFFF;
	s2 =	simm.s32 @!p0 $0x1C0A  }
0x2ce: {  	[timem:s3], [sflag:s2] =	dma.local @!p0 [hbm:s0], s1  }
0x2cf: {  	s0 =	simm.s32 @!p0 $0xA  }
0x2d0: {  	_ =	swait.ge @!p0 [sflag:s0], s1  }
0x2d1: {  	s1 =	ssub.s32 @!p0 $0x0, s1;
	[sflag:s0] =	ssyncset.done @!p0 $0x0  }
0x2d2: {  	[sflag:s0] =	ssyncadd.s32 @!p0 s1  }
0x2d3: {  	[bflag:$0x3] =	sbarrier.arrive $0xFFFF  }
0x2d4: {  	_ =	shalt  }

</sc_bundles>
